<compile_context>
chip_gen: v7x
topology: tpu7x:2x2x1
jax: 0.10.2.dev20260603
libtpu: 0.0.44.dev20260713+nightly
codegen_flags: <defaults>
</compile_context>

<pallas_src>
import functools

import jax
import jax.numpy as jnp
from jax import lax
from jax.experimental import pallas as pl
from jax.experimental.pallas import tpu as pltpu
from jax.experimental.pallas import tpu_sc as plsc

NC = 2
NS = 16
NW = NC * NS
CHUNK = 128


def _sc_gather(idx3, emb_table, n_chunks, D):
    per_w = n_chunks * CHUNK
    BT = NW * per_w
    mesh = plsc.VectorSubcoreMesh(core_axis_name="c", subcore_axis_name="s")

    @functools.partial(
        pl.kernel,
        mesh=mesh,
        compiler_params=pltpu.CompilerParams(use_tc_tiling_on_sc=False),
        out_type=jax.ShapeDtypeStruct((BT, 128), jnp.float32),
        scratch_types=[
            pltpu.VMEM((n_chunks, CHUNK), jnp.int32),
            pltpu.VMEM((n_chunks, CHUNK, D), jnp.float32),
            pltpu.SemaphoreType.DMA,
            pltpu.SemaphoreType.DMA,
        ],
    )
    def gather_sc(idx_hbm, table_hbm, out_hbm, idx_v, rows_v, gsem, osem):
        wid = lax.axis_index("s") * NC + lax.axis_index("c")
        base = wid * per_w
        pltpu.sync_copy(idx_hbm.at[wid], idx_v)
        gathers = [
            pltpu.async_copy(table_hbm.at[idx_v.at[j]], rows_v.at[j], gsem)
            for j in range(n_chunks)
        ]
        for g in gathers:
            g.wait()
        outs = [
            pltpu.async_copy(
                rows_v.at[j],
                out_hbm.at[pl.ds(base + j * CHUNK, CHUNK), pl.ds(0, D)],
                osem,
            )
            for j in range(n_chunks)
        ]
        for o in outs:
            o.wait()

    return gather_sc(idx3, emb_table)


def kernel(indices, emb_table, Wx, Wh, b):
    B, T = indices.shape
    V, D = emb_table.shape
    U = Wh.shape[0]
    G = 4 * U
    BT = B * T
    per_w = BT // NW
    n_chunks = per_w // CHUNK

    idx3 = indices.astype(jnp.int32).T.reshape(NW, n_chunks, CHUNK)
    S = 250880
    RB = 5120
    n_tb = S // RB

    def transpose_body(t0, t1, t2, t3, eye_ref, out_ref):
        tcat = jnp.concatenate(
            [t0[...], t1[...], t2[...], t3[...]], axis=0)
        out_ref[...] = lax.dot_general(
            tcat, eye_ref[...], (((0,), (0,)), ((), ())),
            preferred_element_type=jnp.float32,
        )

    def _in_spec(a):
        return pl.BlockSpec((D, RB), lambda i, _a=a: (0, _a * n_tb + i))

    t128 = pl.pallas_call(
        transpose_body,
        grid=(n_tb,),
        in_specs=[_in_spec(0), _in_spec(1), _in_spec(2), _in_spec(3),
                  pl.BlockSpec((128, 128), lambda i: (0, 0))],
        out_specs=pl.BlockSpec((RB, 128), lambda i: (i, 0)),
        out_shape=jax.ShapeDtypeStruct((S, 128), jnp.float32),
    )(emb_table.T, emb_table.T, emb_table.T, emb_table.T,
      jnp.eye(128, dtype=jnp.float32))
    table2 = t128.reshape(4 * S, D)
    idxr = 4 * (idx3 % S) + idx3 // S
    x_tm = _sc_gather(idxr, table2, n_chunks, D)

    col_scale = jnp.concatenate(
        [jnp.full((2 * U,), 0.5), jnp.ones((U,)), jnp.full((U,), 0.5)]
    ).astype(jnp.float32)
    Wxs = Wx * col_scale
    Whs = Wh * col_scale
    bs = (b * col_scale).reshape(1, G)

    def lstm_body(x_ref, wx_ref, wh_ref, b_ref, seq_ref, h_ref, c_ref,
                  h_scr, c_scr):
        t = pl.program_id(0)

        @pl.when(t == 0)
        def _():
            h_scr[...] = jnp.zeros((B, U), jnp.float32)
            c_scr[...] = jnp.zeros((B, U), jnp.float32)

        h = h_scr[...]
        c = c_scr[...]
        z = (
            jnp.dot(x_ref[:, 0:D], wx_ref[...], preferred_element_type=jnp.float32)
            + jnp.dot(h, wh_ref[...], preferred_element_type=jnp.float32)
            + b_ref[...]
        )
        tz = jnp.tanh(z)
        i = 0.5 * tz[:, 0:U] + 0.5
        f = 0.5 * tz[:, U:2 * U] + 0.5
        g = tz[:, 2 * U:3 * U]
        o = 0.5 * tz[:, 3 * U:4 * U] + 0.5
        c = f * c + i * g
        h = o * jnp.tanh(c)
        h_scr[...] = h
        c_scr[...] = c
        seq_ref[0] = h
        h_ref[...] = h
        c_ref[...] = c

    seq_tm, h_T, c_T = pl.pallas_call(
        lstm_body,
        grid=(T,),
        in_specs=[
            pl.BlockSpec((B, 128), lambda t: (t, 0)),
            pl.BlockSpec((D, G), lambda t: (0, 0)),
            pl.BlockSpec((U, G), lambda t: (0, 0)),
            pl.BlockSpec((1, G), lambda t: (0, 0)),
        ],
        out_specs=[
            pl.BlockSpec((1, B, U), lambda t: (t, 0, 0)),
            pl.BlockSpec((B, U), lambda t: (0, 0)),
            pl.BlockSpec((B, U), lambda t: (0, 0)),
        ],
        out_shape=[
            jax.ShapeDtypeStruct((T, B, U), jnp.float32),
            jax.ShapeDtypeStruct((B, U), jnp.float32),
            jax.ShapeDtypeStruct((B, U), jnp.float32),
        ],
        scratch_shapes=[
            pltpu.VMEM((B, U), jnp.float32),
            pltpu.VMEM((B, U), jnp.float32),
        ],
    )(x_tm, Wxs, Whs, bs)

    return seq_tm.transpose(1, 0, 2), h_T, c_T

# --- scband reference (transcript-rebuilt; emitter-appended) ---
"""Pipeline reference for scband-encoder-network-62629213110437 (READ-ONLY COPY).

The authoritative reference and input builder live on the scoring server;
editing this copy changes nothing except your own understanding.
"""

import jax, jax.numpy as jnp
import numpy as np

V = 1000000
D = 32      # config.embedding_dims
U = 64      # config.rnn_units
B = 4096
T = 20


def setup_inputs(seed: int = 0) -> dict:
    key = jax.random.key(seed)
    k1, k2, k3, k4 = jax.random.split(key, 4)
    indices = jax.random.randint(k1, (B, T), 0, V)
    emb_table = jax.random.normal(k2, (V, D), dtype=jnp.float32) * 0.05
    Wx = jax.random.normal(k3, (D, 4 * U), dtype=jnp.float32) * 0.05
    Wh = jax.random.normal(k4, (U, 4 * U), dtype=jnp.float32) * 0.05
    b = jnp.zeros((4 * U,), dtype=jnp.float32)
    return {"indices": indices, "emb_table": emb_table, "Wx": Wx, "Wh": Wh, "b": b}


def reference(indices, emb_table, Wx, Wh, b):
    # Embedding lookup (gather)
    x = jnp.take(emb_table, indices, axis=0)  # [B, T, D]
    xt = jnp.transpose(x, (1, 0, 2))          # [T, B, D]

    def step(carry, x_t):
        h, c = carry
        z = x_t @ Wx + h @ Wh + b
        i, f, g, o = jnp.split(z, 4, axis=-1)  # Keras LSTM gate order: i, f, c(g), o
        i = jax.nn.sigmoid(i)
        f = jax.nn.sigmoid(f)
        g = jnp.tanh(g)
        o = jax.nn.sigmoid(o)
        c_new = f * c + i * g
        h_new = o * jnp.tanh(c_new)
        return (h_new, c_new), h_new

    h0 = jnp.zeros((indices.shape[0], U), dtype=jnp.float32)
    c0 = jnp.zeros_like(h0)
    (h_T, c_T), ys = jax.lax.scan(step, (h0, c0), xt)
    seq = jnp.transpose(ys, (1, 0, 2))  # [B, T, U] (return_sequences=True)
    return seq, h_T, c_T               # (sequences, state_h, state_c)

if __name__ == "__main__":
    import jax
    _d = setup_inputs()
    print(jax.jit(kernel)(*tuple(_d.values())))

</pallas_src>

<mosaic_0001>
#map = affine_map<(d0, d1) -> (0, 0, 0)>
#map1 = affine_map<(d0, d1) -> (0, 0)>
module attributes {stable_mosaic.version = 14 : i64} {
  func.func @gather_sc(%arg0: i32, %arg1: i32, %arg2: memref<32x20x128xi32, #tpu.memory_space<hbm>>, %arg3: memref<1003520x32xf32, #tpu.memory_space<hbm>>, %arg4: memref<81920x128xf32, #tpu.memory_space<hbm>>, %arg5: memref<20x128xi32, #tpu.memory_space<vmem>>, %arg6: memref<20x128x32xf32, #tpu.memory_space<vmem>>, %arg7: memref<!tpu.dma_semaphore, #tpu.memory_space<semaphore_mem>>, %arg8: memref<!tpu.dma_semaphore, #tpu.memory_space<semaphore_mem>>) attributes {dimension_semantics = [#tpu.dimension_semantics<core_parallel>, #tpu.dimension_semantics<subcore_parallel>], iteration_bounds = array<i64: 2, 16>, scalar_prefetch = 0 : i64, scratch_operands = 4 : i64, tpu.core_type = #tpu.core_type<sc_vector_subcore>, window_params = [{transform_indices = #map}, {transform_indices = #map1}, {transform_indices = #map1}]} {
    %mul3A = arith.constant 2 : i32
    %mul3A_0 = arith.muli %arg1, %mul3A : i32
    %add3A = arith.addi %mul3A_0, %arg0 : i32
    %mul3A_1 = arith.constant 2560 : i32
    %mul3A_2 = arith.muli %add3A, %mul3A_1 : i32
    "tpu.region"() ({
      %run_scoped3A = tpu.sem_alloc : memref<!tpu.dma_semaphore, #tpu.memory_space<semaphore_mem>>
      %dma_start3A_1041 = arith.constant 0 : i32
      %dma_start3A_1042 = arith.constant 0 : i32
      %dma_start3A_1043 = tpu.memref_slice %arg2[%add3A, %dma_start3A_1041, %dma_start3A_1042] : memref<32x20x128xi32, #tpu.memory_space<hbm>> -> memref<1x20x128xi32, #tpu.memory_space<hbm>>
      %dma_start3A_1044 = tpu.memref_squeeze %dma_start3A_1043 : memref<1x20x128xi32, #tpu.memory_space<hbm>> -> memref<20x128xi32, #tpu.memory_space<hbm>>
      %dma_start3A_1045 = arith.constant 0 : i32
      %dma_start3A_1046 = arith.constant 0 : i32
      %dma_start3A_1047 = tpu.memref_slice %arg2[%add3A, %dma_start3A_1045, %dma_start3A_1046] : memref<32x20x128xi32, #tpu.memory_space<hbm>> -> memref<1x20x128xi32, #tpu.memory_space<hbm>>
      %dma_start3A_1048 = tpu.memref_squeeze %dma_start3A_1047 : memref<1x20x128xi32, #tpu.memory_space<hbm>> -> memref<20x128xi32, #tpu.memory_space<hbm>>
      tpu.enqueue_dma source(%dma_start3A_1048 : memref<20x128xi32, #tpu.memory_space<hbm>>) target(%arg5 : memref<20x128xi32, #tpu.memory_space<vmem>>) target_semaphore(%run_scoped3A : memref<!tpu.dma_semaphore, #tpu.memory_space<semaphore_mem>>)
      %dma_wait3A_1049 = arith.constant 0 : i32
      %dma_wait3A_1050 = arith.constant 0 : i32
      %dma_wait3A_1051 = tpu.memref_slice %arg2[%add3A, %dma_wait3A_1049, %dma_wait3A_1050] : memref<32x20x128xi32, #tpu.memory_space<hbm>> -> memref<1x20x128xi32, #tpu.memory_space<hbm>>
      %dma_wait3A_1052 = tpu.memref_squeeze %dma_wait3A_1051 : memref<1x20x128xi32, #tpu.memory_space<hbm>> -> memref<20x128xi32, #tpu.memory_space<hbm>>
      %dma_wait3A_1053 = arith.constant 0 : i32
      %dma_wait3A_1054 = arith.constant 0 : i32
      %dma_wait3A_1055 = tpu.memref_slice %arg2[%add3A, %dma_wait3A_1053, %dma_wait3A_1054] : memref<32x20x128xi32, #tpu.memory_space<hbm>> -> memref<1x20x128xi32, #tpu.memory_space<hbm>>
      %dma_wait3A_1056 = tpu.memref_squeeze %dma_wait3A_1055 : memref<1x20x128xi32, #tpu.memory_space<hbm>> -> memref<20x128xi32, #tpu.memory_space<hbm>>
      tpu.wait_dma2 semaphore(%run_scoped3A : memref<!tpu.dma_semaphore, #tpu.memory_space<semaphore_mem>>) src(%dma_wait3A_1056 : memref<20x128xi32, #tpu.memory_space<hbm>>) dst(%arg5 : memref<20x128xi32, #tpu.memory_space<vmem>>)
      tpu.yield
    }) : () -> ()
    %dma_start3A = arith.constant 0 : i32
    %dma_start3A_3 = arith.constant 0 : i32
    %dma_start3A_4 = arith.constant 0 : i32
    %dma_start3A_5 = arith.constant 0 : i32
    %dma_start3A_6 = tpu.memref_slice %arg6[%dma_start3A_3, %dma_start3A_4, %dma_start3A_5] : memref<20x128x32xf32, #tpu.memory_space<vmem>> -> memref<1x128x32xf32, #tpu.memory_space<vmem>>
    %dma_start3A_7 = tpu.memref_squeeze %dma_start3A_6 : memref<1x128x32xf32, #tpu.memory_space<vmem>> -> memref<128x32xf32, #tpu.memory_space<vmem>>
    %dma_start3A_8 = arith.constant 0 : i32
    %dma_start3A_9 = tpu.memref_slice %arg5[%dma_start3A, %dma_start3A_8] : memref<20x128xi32, #tpu.memory_space<vmem>> -> memref<1x128xi32, #tpu.memory_space<vmem>>
    %dma_start3A_10 = tpu.memref_squeeze %dma_start3A_9 : memref<1x128xi32, #tpu.memory_space<vmem>> -> memref<128xi32, #tpu.memory_space<vmem>>
    %dma_start3A_11 = arith.constant 0 : i32
    %dma_start3A_12 = arith.constant 0 : i32
    %dma_start3A_13 = tpu.memref_slice %arg3[%dma_start3A_11, %dma_start3A_12] : memref<1003520x32xf32, #tpu.memory_space<hbm>> -> memref<1003520x32xf32, #tpu.memory_space<hbm>>
    tpu.enqueue_indirect_dma source(%dma_start3A_13 : memref<1003520x32xf32, #tpu.memory_space<hbm>>) target(%dma_start3A_7 : memref<128x32xf32, #tpu.memory_space<vmem>>) offsets(%dma_start3A_10 : memref<128xi32, #tpu.memory_space<vmem>>) semaphore(%arg7 : memref<!tpu.dma_semaphore, #tpu.memory_space<semaphore_mem>>)
    %dma_start3A_14 = arith.constant 1 : i32
    %dma_start3A_15 = arith.constant 1 : i32
    %dma_start3A_16 = arith.constant 0 : i32
    %dma_start3A_17 = arith.constant 0 : i32
    %dma_start3A_18 = tpu.memref_slice %arg6[%dma_start3A_15, %dma_start3A_16, %dma_start3A_17] : memref<20x128x32xf32, #tpu.memory_space<vmem>> -> memref<1x128x32xf32, #tpu.memory_space<vmem>>
    %dma_start3A_19 = tpu.memref_squeeze %dma_start3A_18 : memref<1x128x32xf32, #tpu.memory_space<vmem>> -> memref<128x32xf32, #tpu.memory_space<vmem>>
    %dma_start3A_20 = arith.constant 0 : i32
    %dma_start3A_21 = tpu.memref_slice %arg5[%dma_start3A_14, %dma_start3A_20] : memref<20x128xi32, #tpu.memory_space<vmem>> -> memref<1x128xi32, #tpu.memory_space<vmem>>
    %dma_start3A_22 = tpu.memref_squeeze %dma_start3A_21 : memref<1x128xi32, #tpu.memory_space<vmem>> -> memref<128xi32, #tpu.memory_space<vmem>>
    %dma_start3A_23 = arith.constant 0 : i32
    %dma_start3A_24 = arith.constant 0 : i32
    %dma_start3A_25 = tpu.memref_slice %arg3[%dma_start3A_23, %dma_start3A_24] : memref<1003520x32xf32, #tpu.memory_space<hbm>> -> memref<1003520x32xf32, #tpu.memory_space<hbm>>
    tpu.enqueue_indirect_dma source(%dma_start3A_25 : memref<1003520x32xf32, #tpu.memory_space<hbm>>) target(%dma_start3A_19 : memref<128x32xf32, #tpu.memory_space<vmem>>) offsets(%dma_start3A_22 : memref<128xi32, #tpu.memory_space<vmem>>) semaphore(%arg7 : memref<!tpu.dma_semaphore, #tpu.memory_space<semaphore_mem>>)
    %dma_start3A_26 = arith.constant 2 : i32
    %dma_start3A_27 = arith.constant 2 : i32
    %dma_start3A_28 = arith.constant 0 : i32
    %dma_start3A_29 = arith.constant 0 : i32
    %dma_start3A_30 = tpu.memref_slice %arg6[%dma_start3A_27, %dma_start3A_28, %dma_start3A_29] : memref<20x128x32xf32, #tpu.memory_space<vmem>> -> memref<1x128x32xf32, #tpu.memory_space<vmem>>
    %dma_start3A_31 = tpu.memref_squeeze %dma_start3A_30 : memref<1x128x32xf32, #tpu.memory_space<vmem>> -> memref<128x32xf32, #tpu.memory_space<vmem>>
    %dma_start3A_32 = arith.constant 0 : i32
    %dma_start3A_33 = tpu.memref_slice %arg5[%dma_start3A_26, %dma_start3A_32] : memref<20x128xi32, #tpu.memory_space<vmem>> -> memref<1x128xi32, #tpu.memory_space<vmem>>
    %dma_start3A_34 = tpu.memref_squeeze %dma_start3A_33 : memref<1x128xi32, #tpu.memory_space<vmem>> -> memref<128xi32, #tpu.memory_space<vmem>>
    %dma_start3A_35 = arith.constant 0 : i32
    %dma_start3A_36 = arith.constant 0 : i32
    %dma_start3A_37 = tpu.memref_slice %arg3[%dma_start3A_35, %dma_start3A_36] : memref<1003520x32xf32, #tpu.memory_space<hbm>> -> memref<1003520x32xf32, #tpu.memory_space<hbm>>
    tpu.enqueue_indirect_dma source(%dma_start3A_37 : memref<1003520x32xf32, #tpu.memory_space<hbm>>) target(%dma_start3A_31 : memref<128x32xf32, #tpu.memory_space<vmem>>) offsets(%dma_start3A_34 : memref<128xi32, #tpu.memory_space<vmem>>) semaphore(%arg7 : memref<!tpu.dma_semaphore, #tpu.memory_space<semaphore_mem>>)
    %dma_start3A_38 = arith.constant 3 : i32
    %dma_start3A_39 = arith.constant 3 : i32
    %dma_start3A_40 = arith.constant 0 : i32
    %dma_start3A_41 = arith.constant 0 : i32
    %dma_start3A_42 = tpu.memref_slice %arg6[%dma_start3A_39, %dma_start3A_40, %dma_start3A_41] : memref<20x128x32xf32, #tpu.memory_space<vmem>> -> memref<1x128x32xf32, #tpu.memory_space<vmem>>
    %dma_start3A_43 = tpu.memref_squeeze %dma_start3A_42 : memref<1x128x32xf32, #tpu.memory_space<vmem>> -> memref<128x32xf32, #tpu.memory_space<vmem>>
    %dma_start3A_44 = arith.constant 0 : i32
    %dma_start3A_45 = tpu.memref_slice %arg5[%dma_start3A_38, %dma_start3A_44] : memref<20x128xi32, #tpu.memory_space<vmem>> -> memref<1x128xi32, #tpu.memory_space<vmem>>
    %dma_start3A_46 = tpu.memref_squeeze %dma_start3A_45 : memref<1x128xi32, #tpu.memory_space<vmem>> -> memref<128xi32, #tpu.memory_space<vmem>>
    %dma_start3A_47 = arith.constant 0 : i32
    %dma_start3A_48 = arith.constant 0 : i32
    %dma_start3A_49 = tpu.memref_slice %arg3[%dma_start3A_47, %dma_start3A_48] : memref<1003520x32xf32, #tpu.memory_space<hbm>> -> memref<1003520x32xf32, #tpu.memory_space<hbm>>
    tpu.enqueue_indirect_dma source(%dma_start3A_49 : memref<1003520x32xf32, #tpu.memory_space<hbm>>) target(%dma_start3A_43 : memref<128x32xf32, #tpu.memory_space<vmem>>) offsets(%dma_start3A_46 : memref<128xi32, #tpu.memory_space<vmem>>) semaphore(%arg7 : memref<!tpu.dma_semaphore, #tpu.memory_space<semaphore_mem>>)
    %dma_start3A_50 = arith.constant 4 : i32
    %dma_start3A_51 = arith.constant 4 : i32
    %dma_start3A_52 = arith.constant 0 : i32
    %dma_start3A_53 = arith.constant 0 : i32
    %dma_start3A_54 = tpu.memref_slice %arg6[%dma_start3A_51, %dma_start3A_52, %dma_start3A_53] : memref<20x128x32xf32, #tpu.memory_space<vmem>> -> memref<1x128x32xf32, #tpu.memory_space<vmem>>
    %dma_start3A_55 = tpu.memref_squeeze %dma_start3A_54 : memref<1x128x32xf32, #tpu.memory_space<vmem>> -> memref<128x32xf32, #tpu.memory_space<vmem>>
    %dma_start3A_56 = arith.constant 0 : i32
    %dma_start3A_57 = tpu.memref_slice %arg5[%dma_start3A_50, %dma_start3A_56] : memref<20x128xi32, #tpu.memory_space<vmem>> -> memref<1x128xi32, #tpu.memory_space<vmem>>
    %dma_start3A_58 = tpu.memref_squeeze %dma_start3A_57 : memref<1x128xi32, #tpu.memory_space<vmem>> -> memref<128xi32, #tpu.memory_space<vmem>>
    %dma_start3A_59 = arith.constant 0 : i32
    %dma_start3A_60 = arith.constant 0 : i32
    %dma_start3A_61 = tpu.memref_slice %arg3[%dma_start3A_59, %dma_start3A_60] : memref<1003520x32xf32, #tpu.memory_space<hbm>> -> memref<1003520x32xf32, #tpu.memory_space<hbm>>
    tpu.enqueue_indirect_dma source(%dma_start3A_61 : memref<1003520x32xf32, #tpu.memory_space<hbm>>) target(%dma_start3A_55 : memref<128x32xf32, #tpu.memory_space<vmem>>) offsets(%dma_start3A_58 : memref<128xi32, #tpu.memory_space<vmem>>) semaphore(%arg7 : memref<!tpu.dma_semaphore, #tpu.memory_space<semaphore_mem>>)
    %dma_start3A_62 = arith.constant 5 : i32
    %dma_start3A_63 = arith.constant 5 : i32
    %dma_start3A_64 = arith.constant 0 : i32
    %dma_start3A_65 = arith.constant 0 : i32
    %dma_start3A_66 = tpu.memref_slice %arg6[%dma_start3A_63, %dma_start3A_64, %dma_start3A_65] : memref<20x128x32xf32, #tpu.memory_space<vmem>> -> memref<1x128x32xf32, #tpu.memory_space<vmem>>
    %dma_start3A_67 = tpu.memref_squeeze %dma_start3A_66 : memref<1x128x32xf32, #tpu.memory_space<vmem>> -> memref<128x32xf32, #tpu.memory_space<vmem>>
    %dma_start3A_68 = arith.constant 0 : i32
    %dma_start3A_69 = tpu.memref_slice %arg5[%dma_start3A_62, %dma_start3A_68] : memref<20x128xi32, #tpu.memory_space<vmem>> -> memref<1x128xi32, #tpu.memory_space<vmem>>
    %dma_start3A_70 = tpu.memref_squeeze %dma_start3A_69 : memref<1x128xi32, #tpu.memory_space<vmem>> -> memref<128xi32, #tpu.memory_space<vmem>>
    %dma_start3A_71 = arith.constant 0 : i32
    %dma_start3A_72 = arith.constant 0 : i32
    %dma_start3A_73 = tpu.memref_slice %arg3[%dma_start3A_71, %dma_start3A_72] : memref<1003520x32xf32, #tpu.memory_space<hbm>> -> memref<1003520x32xf32, #tpu.memory_space<hbm>>
    tpu.enqueue_indirect_dma source(%dma_start3A_73 : memref<1003520x32xf32, #tpu.memory_space<hbm>>) target(%dma_start3A_67 : memref<128x32xf32, #tpu.memory_space<vmem>>) offsets(%dma_start3A_70 : memref<128xi32, #tpu.memory_space<vmem>>) semaphore(%arg7 : memref<!tpu.dma_semaphore, #tpu.memory_space<semaphore_mem>>)
    %dma_start3A_74 = arith.constant 6 : i32
    %dma_start3A_75 = arith.constant 6 : i32
    %dma_start3A_76 = arith.constant 0 : i32
    %dma_start3A_77 = arith.constant 0 : i32
    %dma_start3A_78 = tpu.memref_slice %arg6[%dma_start3A_75, %dma_start3A_76, %dma_start3A_77] : memref<20x128x32xf32, #tpu.memory_space<vmem>> -> memref<1x128x32xf32, #tpu.memory_space<vmem>>
    %dma_start3A_79 = tpu.memref_squeeze %dma_start3A_78 : memref<1x128x32xf32, #tpu.memory_space<vmem>> -> memref<128x32xf32, #tpu.memory_space<vmem>>
    %dma_start3A_80 = arith.constant 0 : i32
    %dma_start3A_81 = tpu.memref_slice %arg5[%dma_start3A_74, %dma_start3A_80] : memref<20x128xi32, #tpu.memory_space<vmem>> -> memref<1x128xi32, #tpu.memory_space<vmem>>
    %dma_start3A_82 = tpu.memref_squeeze %dma_start3A_81 : memref<1x128xi32, #tpu.memory_space<vmem>> -> memref<128xi32, #tpu.memory_space<vmem>>
    %dma_start3A_83 = arith.constant 0 : i32
    %dma_start3A_84 = arith.constant 0 : i32
    %dma_start3A_85 = tpu.memref_slice %arg3[%dma_start3A_83, %dma_start3A_84] : memref<1003520x32xf32, #tpu.memory_space<hbm>> -> memref<1003520x32xf32, #tpu.memory_space<hbm>>
    tpu.enqueue_indirect_dma source(%dma_start3A_85 : memref<1003520x32xf32, #tpu.memory_space<hbm>>) target(%dma_start3A_79 : memref<128x32xf32, #tpu.memory_space<vmem>>) offsets(%dma_start3A_82 : memref<128xi32, #tpu.memory_space<vmem>>) semaphore(%arg7 : memref<!tpu.dma_semaphore, #tpu.memory_space<semaphore_mem>>)
    %dma_start3A_86 = arith.constant 7 : i32
    %dma_start3A_87 = arith.constant 7 : i32
    %dma_start3A_88 = arith.constant 0 : i32
    %dma_start3A_89 = arith.constant 0 : i32
    %dma_start3A_90 = tpu.memref_slice %arg6[%dma_start3A_87, %dma_start3A_88, %dma_start3A_89] : memref<20x128x32xf32, #tpu.memory_space<vmem>> -> memref<1x128x32xf32, #tpu.memory_space<vmem>>
    %dma_start3A_91 = tpu.memref_squeeze %dma_start3A_90 : memref<1x128x32xf32, #tpu.memory_space<vmem>> -> memref<128x32xf32, #tpu.memory_space<vmem>>
    %dma_start3A_92 = arith.constant 0 : i32
    %dma_start3A_93 = tpu.memref_slice %arg5[%dma_start3A_86, %dma_start3A_92] : memref<20x128xi32, #tpu.memory_space<vmem>> -> memref<1x128xi32, #tpu.memory_space<vmem>>
    %dma_start3A_94 = tpu.memref_squeeze %dma_start3A_93 : memref<1x128xi32, #tpu.memory_space<vmem>> -> memref<128xi32, #tpu.memory_space<vmem>>
    %dma_start3A_95 = arith.constant 0 : i32
    %dma_start3A_96 = arith.constant 0 : i32
    %dma_start3A_97 = tpu.memref_slice %arg3[%dma_start3A_95, %dma_start3A_96] : memref<1003520x32xf32, #tpu.memory_space<hbm>> -> memref<1003520x32xf32, #tpu.memory_space<hbm>>
    tpu.enqueue_indirect_dma source(%dma_start3A_97 : memref<1003520x32xf32, #tpu.memory_space<hbm>>) target(%dma_start3A_91 : memref<128x32xf32, #tpu.memory_space<vmem>>) offsets(%dma_start3A_94 : memref<128xi32, #tpu.memory_space<vmem>>) semaphore(%arg7 : memref<!tpu.dma_semaphore, #tpu.memory_space<semaphore_mem>>)
    %dma_start3A_98 = arith.constant 8 : i32
    %dma_start3A_99 = arith.constant 8 : i32
    %dma_start3A_100 = arith.constant 0 : i32
    %dma_start3A_101 = arith.constant 0 : i32
    %dma_start3A_102 = tpu.memref_slice %arg6[%dma_start3A_99, %dma_start3A_100, %dma_start3A_101] : memref<20x128x32xf32, #tpu.memory_space<vmem>> -> memref<1x128x32xf32, #tpu.memory_space<vmem>>
    %dma_start3A_103 = tpu.memref_squeeze %dma_start3A_102 : memref<1x128x32xf32, #tpu.memory_space<vmem>> -> memref<128x32xf32, #tpu.memory_space<vmem>>
    %dma_start3A_104 = arith.constant 0 : i32
    %dma_start3A_105 = tpu.memref_slice %arg5[%dma_start3A_98, %dma_start3A_104] : memref<20x128xi32, #tpu.memory_space<vmem>> -> memref<1x128xi32, #tpu.memory_space<vmem>>
    %dma_start3A_106 = tpu.memref_squeeze %dma_start3A_105 : memref<1x128xi32, #tpu.memory_space<vmem>> -> memref<128xi32, #tpu.memory_space<vmem>>
    %dma_start3A_107 = arith.constant 0 : i32
    %dma_start3A_108 = arith.constant 0 : i32
    %dma_start3A_109 = tpu.memref_slice %arg3[%dma_start3A_107, %dma_start3A_108] : memref<1003520x32xf32, #tpu.memory_space<hbm>> -> memref<1003520x32xf32, #tpu.memory_space<hbm>>
    tpu.enqueue_indirect_dma source(%dma_start3A_109 : memref<1003520x32xf32, #tpu.memory_space<hbm>>) target(%dma_start3A_103 : memref<128x32xf32, #tpu.memory_space<vmem>>) offsets(%dma_start3A_106 : memref<128xi32, #tpu.memory_space<vmem>>) semaphore(%arg7 : memref<!tpu.dma_semaphore, #tpu.memory_space<semaphore_mem>>)
    %dma_start3A_110 = arith.constant 9 : i32
    %dma_start3A_111 = arith.constant 9 : i32
    %dma_start3A_112 = arith.constant 0 : i32
    %dma_start3A_113 = arith.constant 0 : i32
    %dma_start3A_114 = tpu.memref_slice %arg6[%dma_start3A_111, %dma_start3A_112, %dma_start3A_113] : memref<20x128x32xf32, #tpu.memory_space<vmem>> -> memref<1x128x32xf32, #tpu.memory_space<vmem>>
    %dma_start3A_115 = tpu.memref_squeeze %dma_start3A_114 : memref<1x128x32xf32, #tpu.memory_space<vmem>> -> memref<128x32xf32, #tpu.memory_space<vmem>>
    %dma_start3A_116 = arith.constant 0 : i32
    %dma_start3A_117 = tpu.memref_slice %arg5[%dma_start3A_110, %dma_start3A_116] : memref<20x128xi32, #tpu.memory_space<vmem>> -> memref<1x128xi32, #tpu.memory_space<vmem>>
    %dma_start3A_118 = tpu.memref_squeeze %dma_start3A_117 : memref<1x128xi32, #tpu.memory_space<vmem>> -> memref<128xi32, #tpu.memory_space<vmem>>
    %dma_start3A_119 = arith.constant 0 : i32
    %dma_start3A_120 = arith.constant 0 : i32
    %dma_start3A_121 = tpu.memref_slice %arg3[%dma_start3A_119, %dma_start3A_120] : memref<1003520x32xf32, #tpu.memory_space<hbm>> -> memref<1003520x32xf32, #tpu.memory_space<hbm>>
    tpu.enqueue_indirect_dma source(%dma_start3A_121 : memref<1003520x32xf32, #tpu.memory_space<hbm>>) target(%dma_start3A_115 : memref<128x32xf32, #tpu.memory_space<vmem>>) offsets(%dma_start3A_118 : memref<128xi32, #tpu.memory_space<vmem>>) semaphore(%arg7 : memref<!tpu.dma_semaphore, #tpu.memory_space<semaphore_mem>>)
    %dma_start3A_122 = arith.constant 10 : i32
    %dma_start3A_123 = arith.constant 10 : i32
    %dma_start3A_124 = arith.constant 0 : i32
    %dma_start3A_125 = arith.constant 0 : i32
    %dma_start3A_126 = tpu.memref_slice %arg6[%dma_start3A_123, %dma_start3A_124, %dma_start3A_125] : memref<20x128x32xf32, #tpu.memory_space<vmem>> -> memref<1x128x32xf32, #tpu.memory_space<vmem>>
    %dma_start3A_127 = tpu.memref_squeeze %dma_start3A_126 : memref<1x128x32xf32, #tpu.memory_space<vmem>> -> memref<128x32xf32, #tpu.memory_space<vmem>>
    %dma_start3A_128 = arith.constant 0 : i32
    %dma_start3A_129 = tpu.memref_slice %arg5[%dma_start3A_122, %dma_start3A_128] : memref<20x128xi32, #tpu.memory_space<vmem>> -> memref<1x128xi32, #tpu.memory_space<vmem>>
    %dma_start3A_130 = tpu.memref_squeeze %dma_start3A_129 : memref<1x128xi32, #tpu.memory_space<vmem>> -> memref<128xi32, #tpu.memory_space<vmem>>
    %dma_start3A_131 = arith.constant 0 : i32
    %dma_start3A_132 = arith.constant 0 : i32
    %dma_start3A_133 = tpu.memref_slice %arg3[%dma_start3A_131, %dma_start3A_132] : memref<1003520x32xf32, #tpu.memory_space<hbm>> -> memref<1003520x32xf32, #tpu.memory_space<hbm>>
    tpu.enqueue_indirect_dma source(%dma_start3A_133 : memref<1003520x32xf32, #tpu.memory_space<hbm>>) target(%dma_start3A_127 : memref<128x32xf32, #tpu.memory_space<vmem>>) offsets(%dma_start3A_130 : memref<128xi32, #tpu.memory_space<vmem>>) semaphore(%arg7 : memref<!tpu.dma_semaphore, #tpu.memory_space<semaphore_mem>>)
    %dma_start3A_134 = arith.constant 11 : i32
    %dma_start3A_135 = arith.constant 11 : i32
    %dma_start3A_136 = arith.constant 0 : i32
    %dma_start3A_137 = arith.constant 0 : i32
    %dma_start3A_138 = tpu.memref_slice %arg6[%dma_start3A_135, %dma_start3A_136, %dma_start3A_137] : memref<20x128x32xf32, #tpu.memory_space<vmem>> -> memref<1x128x32xf32, #tpu.memory_space<vmem>>
    %dma_start3A_139 = tpu.memref_squeeze %dma_start3A_138 : memref<1x128x32xf32, #tpu.memory_space<vmem>> -> memref<128x32xf32, #tpu.memory_space<vmem>>
    %dma_start3A_140 = arith.constant 0 : i32
    %dma_start3A_141 = tpu.memref_slice %arg5[%dma_start3A_134, %dma_start3A_140] : memref<20x128xi32, #tpu.memory_space<vmem>> -> memref<1x128xi32, #tpu.memory_space<vmem>>
    %dma_start3A_142 = tpu.memref_squeeze %dma_start3A_141 : memref<1x128xi32, #tpu.memory_space<vmem>> -> memref<128xi32, #tpu.memory_space<vmem>>
    %dma_start3A_143 = arith.constant 0 : i32
    %dma_start3A_144 = arith.constant 0 : i32
    %dma_start3A_145 = tpu.memref_slice %arg3[%dma_start3A_143, %dma_start3A_144] : memref<1003520x32xf32, #tpu.memory_space<hbm>> -> memref<1003520x32xf32, #tpu.memory_space<hbm>>
    tpu.enqueue_indirect_dma source(%dma_start3A_145 : memref<1003520x32xf32, #tpu.memory_space<hbm>>) target(%dma_start3A_139 : memref<128x32xf32, #tpu.memory_space<vmem>>) offsets(%dma_start3A_142 : memref<128xi32, #tpu.memory_space<vmem>>) semaphore(%arg7 : memref<!tpu.dma_semaphore, #tpu.memory_space<semaphore_mem>>)
    %dma_start3A_146 = arith.constant 12 : i32
    %dma_start3A_147 = arith.constant 12 : i32
    %dma_start3A_148 = arith.constant 0 : i32
    %dma_start3A_149 = arith.constant 0 : i32
    %dma_start3A_150 = tpu.memref_slice %arg6[%dma_start3A_147, %dma_start3A_148, %dma_start3A_149] : memref<20x128x32xf32, #tpu.memory_space<vmem>> -> memref<1x128x32xf32, #tpu.memory_space<vmem>>
    %dma_start3A_151 = tpu.memref_squeeze %dma_start3A_150 : memref<1x128x32xf32, #tpu.memory_space<vmem>> -> memref<128x32xf32, #tpu.memory_space<vmem>>
    %dma_start3A_152 = arith.constant 0 : i32
    %dma_start3A_153 = tpu.memref_slice %arg5[%dma_start3A_146, %dma_start3A_152] : memref<20x128xi32, #tpu.memory_space<vmem>> -> memref<1x128xi32, #tpu.memory_space<vmem>>
    %dma_start3A_154 = tpu.memref_squeeze %dma_start3A_153 : memref<1x128xi32, #tpu.memory_space<vmem>> -> memref<128xi32, #tpu.memory_space<vmem>>
    %dma_start3A_155 = arith.constant 0 : i32
    %dma_start3A_156 = arith.constant 0 : i32
    %dma_start3A_157 = tpu.memref_slice %arg3[%dma_start3A_155, %dma_start3A_156] : memref<1003520x32xf32, #tpu.memory_space<hbm>> -> memref<1003520x32xf32, #tpu.memory_space<hbm>>
    tpu.enqueue_indirect_dma source(%dma_start3A_157 : memref<1003520x32xf32, #tpu.memory_space<hbm>>) target(%dma_start3A_151 : memref<128x32xf32, #tpu.memory_space<vmem>>) offsets(%dma_start3A_154 : memref<128xi32, #tpu.memory_space<vmem>>) semaphore(%arg7 : memref<!tpu.dma_semaphore, #tpu.memory_space<semaphore_mem>>)
    %dma_start3A_158 = arith.constant 13 : i32
    %dma_start3A_159 = arith.constant 13 : i32
    %dma_start3A_160 = arith.constant 0 : i32
    %dma_start3A_161 = arith.constant 0 : i32
    %dma_start3A_162 = tpu.memref_slice %arg6[%dma_start3A_159, %dma_start3A_160, %dma_start3A_161] : memref<20x128x32xf32, #tpu.memory_space<vmem>> -> memref<1x128x32xf32, #tpu.memory_space<vmem>>
    %dma_start3A_163 = tpu.memref_squeeze %dma_start3A_162 : memref<1x128x32xf32, #tpu.memory_space<vmem>> -> memref<128x32xf32, #tpu.memory_space<vmem>>
    %dma_start3A_164 = arith.constant 0 : i32
    %dma_start3A_165 = tpu.memref_slice %arg5[%dma_start3A_158, %dma_start3A_164] : memref<20x128xi32, #tpu.memory_space<vmem>> -> memref<1x128xi32, #tpu.memory_space<vmem>>
    %dma_start3A_166 = tpu.memref_squeeze %dma_start3A_165 : memref<1x128xi32, #tpu.memory_space<vmem>> -> memref<128xi32, #tpu.memory_space<vmem>>
    %dma_start3A_167 = arith.constant 0 : i32
    %dma_start3A_168 = arith.constant 0 : i32
    %dma_start3A_169 = tpu.memref_slice %arg3[%dma_start3A_167, %dma_start3A_168] : memref<1003520x32xf32, #tpu.memory_space<hbm>> -> memref<1003520x32xf32, #tpu.memory_space<hbm>>
    tpu.enqueue_indirect_dma source(%dma_start3A_169 : memref<1003520x32xf32, #tpu.memory_space<hbm>>) target(%dma_start3A_163 : memref<128x32xf32, #tpu.memory_space<vmem>>) offsets(%dma_start3A_166 : memref<128xi32, #tpu.memory_space<vmem>>) semaphore(%arg7 : memref<!tpu.dma_semaphore, #tpu.memory_space<semaphore_mem>>)
    %dma_start3A_170 = arith.constant 14 : i32
    %dma_start3A_171 = arith.constant 14 : i32
    %dma_start3A_172 = arith.constant 0 : i32
    %dma_start3A_173 = arith.constant 0 : i32
    %dma_start3A_174 = tpu.memref_slice %arg6[%dma_start3A_171, %dma_start3A_172, %dma_start3A_173] : memref<20x128x32xf32, #tpu.memory_space<vmem>> -> memref<1x128x32xf32, #tpu.memory_space<vmem>>
    %dma_start3A_175 = tpu.memref_squeeze %dma_start3A_174 : memref<1x128x32xf32, #tpu.memory_space<vmem>> -> memref<128x32xf32, #tpu.memory_space<vmem>>
    %dma_start3A_176 = arith.constant 0 : i32
    %dma_start3A_177 = tpu.memref_slice %arg5[%dma_start3A_170, %dma_start3A_176] : memref<20x128xi32, #tpu.memory_space<vmem>> -> memref<1x128xi32, #tpu.memory_space<vmem>>
    %dma_start3A_178 = tpu.memref_squeeze %dma_start3A_177 : memref<1x128xi32, #tpu.memory_space<vmem>> -> memref<128xi32, #tpu.memory_space<vmem>>
    %dma_start3A_179 = arith.constant 0 : i32
    %dma_start3A_180 = arith.constant 0 : i32
    %dma_start3A_181 = tpu.memref_slice %arg3[%dma_start3A_179, %dma_start3A_180] : memref<1003520x32xf32, #tpu.memory_space<hbm>> -> memref<1003520x32xf32, #tpu.memory_space<hbm>>
    tpu.enqueue_indirect_dma source(%dma_start3A_181 : memref<1003520x32xf32, #tpu.memory_space<hbm>>) target(%dma_start3A_175 : memref<128x32xf32, #tpu.memory_space<vmem>>) offsets(%dma_start3A_178 : memref<128xi32, #tpu.memory_space<vmem>>) semaphore(%arg7 : memref<!tpu.dma_semaphore, #tpu.memory_space<semaphore_mem>>)
    %dma_start3A_182 = arith.constant 15 : i32
    %dma_start3A_183 = arith.constant 15 : i32
    %dma_start3A_184 = arith.constant 0 : i32
    %dma_start3A_185 = arith.constant 0 : i32
    %dma_start3A_186 = tpu.memref_slice %arg6[%dma_start3A_183, %dma_start3A_184, %dma_start3A_185] : memref<20x128x32xf32, #tpu.memory_space<vmem>> -> memref<1x128x32xf32, #tpu.memory_space<vmem>>
    %dma_start3A_187 = tpu.memref_squeeze %dma_start3A_186 : memref<1x128x32xf32, #tpu.memory_space<vmem>> -> memref<128x32xf32, #tpu.memory_space<vmem>>
    %dma_start3A_188 = arith.constant 0 : i32
    %dma_start3A_189 = tpu.memref_slice %arg5[%dma_start3A_182, %dma_start3A_188] : memref<20x128xi32, #tpu.memory_space<vmem>> -> memref<1x128xi32, #tpu.memory_space<vmem>>
    %dma_start3A_190 = tpu.memref_squeeze %dma_start3A_189 : memref<1x128xi32, #tpu.memory_space<vmem>> -> memref<128xi32, #tpu.memory_space<vmem>>
    %dma_start3A_191 = arith.constant 0 : i32
    %dma_start3A_192 = arith.constant 0 : i32
    %dma_start3A_193 = tpu.memref_slice %arg3[%dma_start3A_191, %dma_start3A_192] : memref<1003520x32xf32, #tpu.memory_space<hbm>> -> memref<1003520x32xf32, #tpu.memory_space<hbm>>
    tpu.enqueue_indirect_dma source(%dma_start3A_193 : memref<1003520x32xf32, #tpu.memory_space<hbm>>) target(%dma_start3A_187 : memref<128x32xf32, #tpu.memory_space<vmem>>) offsets(%dma_start3A_190 : memref<128xi32, #tpu.memory_space<vmem>>) semaphore(%arg7 : memref<!tpu.dma_semaphore, #tpu.memory_space<semaphore_mem>>)
    %dma_start3A_194 = arith.constant 16 : i32
    %dma_start3A_195 = arith.constant 16 : i32
    %dma_start3A_196 = arith.constant 0 : i32
    %dma_start3A_197 = arith.constant 0 : i32
    %dma_start3A_198 = tpu.memref_slice %arg6[%dma_start3A_195, %dma_start3A_196, %dma_start3A_197] : memref<20x128x32xf32, #tpu.memory_space<vmem>> -> memref<1x128x32xf32, #tpu.memory_space<vmem>>
    %dma_start3A_199 = tpu.memref_squeeze %dma_start3A_198 : memref<1x128x32xf32, #tpu.memory_space<vmem>> -> memref<128x32xf32, #tpu.memory_space<vmem>>
    %dma_start3A_200 = arith.constant 0 : i32
    %dma_start3A_201 = tpu.memref_slice %arg5[%dma_start3A_194, %dma_start3A_200] : memref<20x128xi32, #tpu.memory_space<vmem>> -> memref<1x128xi32, #tpu.memory_space<vmem>>
    %dma_start3A_202 = tpu.memref_squeeze %dma_start3A_201 : memref<1x128xi32, #tpu.memory_space<vmem>> -> memref<128xi32, #tpu.memory_space<vmem>>
    %dma_start3A_203 = arith.constant 0 : i32
    %dma_start3A_204 = arith.constant 0 : i32
    %dma_start3A_205 = tpu.memref_slice %arg3[%dma_start3A_203, %dma_start3A_204] : memref<1003520x32xf32, #tpu.memory_space<hbm>> -> memref<1003520x32xf32, #tpu.memory_space<hbm>>
    tpu.enqueue_indirect_dma source(%dma_start3A_205 : memref<1003520x32xf32, #tpu.memory_space<hbm>>) target(%dma_start3A_199 : memref<128x32xf32, #tpu.memory_space<vmem>>) offsets(%dma_start3A_202 : memref<128xi32, #tpu.memory_space<vmem>>) semaphore(%arg7 : memref<!tpu.dma_semaphore, #tpu.memory_space<semaphore_mem>>)
    %dma_start3A_206 = arith.constant 17 : i32
    %dma_start3A_207 = arith.constant 17 : i32
    %dma_start3A_208 = arith.constant 0 : i32
    %dma_start3A_209 = arith.constant 0 : i32
    %dma_start3A_210 = tpu.memref_slice %arg6[%dma_start3A_207, %dma_start3A_208, %dma_start3A_209] : memref<20x128x32xf32, #tpu.memory_space<vmem>> -> memref<1x128x32xf32, #tpu.memory_space<vmem>>
    %dma_start3A_211 = tpu.memref_squeeze %dma_start3A_210 : memref<1x128x32xf32, #tpu.memory_space<vmem>> -> memref<128x32xf32, #tpu.memory_space<vmem>>
    %dma_start3A_212 = arith.constant 0 : i32
    %dma_start3A_213 = tpu.memref_slice %arg5[%dma_start3A_206, %dma_start3A_212] : memref<20x128xi32, #tpu.memory_space<vmem>> -> memref<1x128xi32, #tpu.memory_space<vmem>>
    %dma_start3A_214 = tpu.memref_squeeze %dma_start3A_213 : memref<1x128xi32, #tpu.memory_space<vmem>> -> memref<128xi32, #tpu.memory_space<vmem>>
    %dma_start3A_215 = arith.constant 0 : i32
    %dma_start3A_216 = arith.constant 0 : i32
    %dma_start3A_217 = tpu.memref_slice %arg3[%dma_start3A_215, %dma_start3A_216] : memref<1003520x32xf32, #tpu.memory_space<hbm>> -> memref<1003520x32xf32, #tpu.memory_space<hbm>>
    tpu.enqueue_indirect_dma source(%dma_start3A_217 : memref<1003520x32xf32, #tpu.memory_space<hbm>>) target(%dma_start3A_211 : memref<128x32xf32, #tpu.memory_space<vmem>>) offsets(%dma_start3A_214 : memref<128xi32, #tpu.memory_space<vmem>>) semaphore(%arg7 : memref<!tpu.dma_semaphore, #tpu.memory_space<semaphore_mem>>)
    %dma_start3A_218 = arith.constant 18 : i32
    %dma_start3A_219 = arith.constant 18 : i32
    %dma_start3A_220 = arith.constant 0 : i32
    %dma_start3A_221 = arith.constant 0 : i32
    %dma_start3A_222 = tpu.memref_slice %arg6[%dma_start3A_219, %dma_start3A_220, %dma_start3A_221] : memref<20x128x32xf32, #tpu.memory_space<vmem>> -> memref<1x128x32xf32, #tpu.memory_space<vmem>>
    %dma_start3A_223 = tpu.memref_squeeze %dma_start3A_222 : memref<1x128x32xf32, #tpu.memory_space<vmem>> -> memref<128x32xf32, #tpu.memory_space<vmem>>
    %dma_start3A_224 = arith.constant 0 : i32
    %dma_start3A_225 = tpu.memref_slice %arg5[%dma_start3A_218, %dma_start3A_224] : memref<20x128xi32, #tpu.memory_space<vmem>> -> memref<1x128xi32, #tpu.memory_space<vmem>>
    %dma_start3A_226 = tpu.memref_squeeze %dma_start3A_225 : memref<1x128xi32, #tpu.memory_space<vmem>> -> memref<128xi32, #tpu.memory_space<vmem>>
    %dma_start3A_227 = arith.constant 0 : i32
    %dma_start3A_228 = arith.constant 0 : i32
    %dma_start3A_229 = tpu.memref_slice %arg3[%dma_start3A_227, %dma_start3A_228] : memref<1003520x32xf32, #tpu.memory_space<hbm>> -> memref<1003520x32xf32, #tpu.memory_space<hbm>>
    tpu.enqueue_indirect_dma source(%dma_start3A_229 : memref<1003520x32xf32, #tpu.memory_space<hbm>>) target(%dma_start3A_223 : memref<128x32xf32, #tpu.memory_space<vmem>>) offsets(%dma_start3A_226 : memref<128xi32, #tpu.memory_space<vmem>>) semaphore(%arg7 : memref<!tpu.dma_semaphore, #tpu.memory_space<semaphore_mem>>)
    %dma_start3A_230 = arith.constant 19 : i32
    %dma_start3A_231 = arith.constant 19 : i32
    %dma_start3A_232 = arith.constant 0 : i32
    %dma_start3A_233 = arith.constant 0 : i32
    %dma_start3A_234 = tpu.memref_slice %arg6[%dma_start3A_231, %dma_start3A_232, %dma_start3A_233] : memref<20x128x32xf32, #tpu.memory_space<vmem>> -> memref<1x128x32xf32, #tpu.memory_space<vmem>>
    %dma_start3A_235 = tpu.memref_squeeze %dma_start3A_234 : memref<1x128x32xf32, #tpu.memory_space<vmem>> -> memref<128x32xf32, #tpu.memory_space<vmem>>
    %dma_start3A_236 = arith.constant 0 : i32
    %dma_start3A_237 = tpu.memref_slice %arg5[%dma_start3A_230, %dma_start3A_236] : memref<20x128xi32, #tpu.memory_space<vmem>> -> memref<1x128xi32, #tpu.memory_space<vmem>>
    %dma_start3A_238 = tpu.memref_squeeze %dma_start3A_237 : memref<1x128xi32, #tpu.memory_space<vmem>> -> memref<128xi32, #tpu.memory_space<vmem>>
    %dma_start3A_239 = arith.constant 0 : i32
    %dma_start3A_240 = arith.constant 0 : i32
    %dma_start3A_241 = tpu.memref_slice %arg3[%dma_start3A_239, %dma_start3A_240] : memref<1003520x32xf32, #tpu.memory_space<hbm>> -> memref<1003520x32xf32, #tpu.memory_space<hbm>>
    tpu.enqueue_indirect_dma source(%dma_start3A_241 : memref<1003520x32xf32, #tpu.memory_space<hbm>>) target(%dma_start3A_235 : memref<128x32xf32, #tpu.memory_space<vmem>>) offsets(%dma_start3A_238 : memref<128xi32, #tpu.memory_space<vmem>>) semaphore(%arg7 : memref<!tpu.dma_semaphore, #tpu.memory_space<semaphore_mem>>)
    %dma_wait3A = arith.constant 0 : i32
    %dma_wait3A_242 = arith.constant 0 : i32
    %dma_wait3A_243 = arith.constant 0 : i32
    %dma_wait3A_244 = arith.constant 0 : i32
    %dma_wait3A_245 = tpu.memref_slice %arg6[%dma_wait3A_242, %dma_wait3A_243, %dma_wait3A_244] : memref<20x128x32xf32, #tpu.memory_space<vmem>> -> memref<1x128x32xf32, #tpu.memory_space<vmem>>
    %dma_wait3A_246 = tpu.memref_squeeze %dma_wait3A_245 : memref<1x128x32xf32, #tpu.memory_space<vmem>> -> memref<128x32xf32, #tpu.memory_space<vmem>>
    %dma_wait3A_247 = arith.constant 0 : i32
    %dma_wait3A_248 = tpu.memref_slice %arg5[%dma_wait3A, %dma_wait3A_247] : memref<20x128xi32, #tpu.memory_space<vmem>> -> memref<1x128xi32, #tpu.memory_space<vmem>>
    %dma_wait3A_249 = tpu.memref_squeeze %dma_wait3A_248 : memref<1x128xi32, #tpu.memory_space<vmem>> -> memref<128xi32, #tpu.memory_space<vmem>>
    %dma_wait3A_250 = arith.constant 0 : i32
    %dma_wait3A_251 = arith.constant 0 : i32
    %dma_wait3A_252 = tpu.memref_slice %arg3[%dma_wait3A_250, %dma_wait3A_251] : memref<1003520x32xf32, #tpu.memory_space<hbm>> -> memref<1003520x32xf32, #tpu.memory_space<hbm>>
    tpu.wait_indirect_dma semaphore(%arg7 : memref<!tpu.dma_semaphore, #tpu.memory_space<semaphore_mem>>) src(%dma_wait3A_252 : memref<1003520x32xf32, #tpu.memory_space<hbm>>) dst(%dma_wait3A_246 : memref<128x32xf32, #tpu.memory_space<vmem>>)
    %dma_wait3A_253 = arith.constant 1 : i32
    %dma_wait3A_254 = arith.constant 1 : i32
    %dma_wait3A_255 = arith.constant 0 : i32
    %dma_wait3A_256 = arith.constant 0 : i32
    %dma_wait3A_257 = tpu.memref_slice %arg6[%dma_wait3A_254, %dma_wait3A_255, %dma_wait3A_256] : memref<20x128x32xf32, #tpu.memory_space<vmem>> -> memref<1x128x32xf32, #tpu.memory_space<vmem>>
    %dma_wait3A_258 = tpu.memref_squeeze %dma_wait3A_257 : memref<1x128x32xf32, #tpu.memory_space<vmem>> -> memref<128x32xf32, #tpu.memory_space<vmem>>
    %dma_wait3A_259 = arith.constant 0 : i32
    %dma_wait3A_260 = tpu.memref_slice %arg5[%dma_wait3A_253, %dma_wait3A_259] : memref<20x128xi32, #tpu.memory_space<vmem>> -> memref<1x128xi32, #tpu.memory_space<vmem>>
    %dma_wait3A_261 = tpu.memref_squeeze %dma_wait3A_260 : memref<1x128xi32, #tpu.memory_space<vmem>> -> memref<128xi32, #tpu.memory_space<vmem>>
    %dma_wait3A_262 = arith.constant 0 : i32
    %dma_wait3A_263 = arith.constant 0 : i32
    %dma_wait3A_264 = tpu.memref_slice %arg3[%dma_wait3A_262, %dma_wait3A_263] : memref<1003520x32xf32, #tpu.memory_space<hbm>> -> memref<1003520x32xf32, #tpu.memory_space<hbm>>
    tpu.wait_indirect_dma semaphore(%arg7 : memref<!tpu.dma_semaphore, #tpu.memory_space<semaphore_mem>>) src(%dma_wait3A_264 : memref<1003520x32xf32, #tpu.memory_space<hbm>>) dst(%dma_wait3A_258 : memref<128x32xf32, #tpu.memory_space<vmem>>)
    %dma_wait3A_265 = arith.constant 2 : i32
    %dma_wait3A_266 = arith.constant 2 : i32
    %dma_wait3A_267 = arith.constant 0 : i32
    %dma_wait3A_268 = arith.constant 0 : i32
    %dma_wait3A_269 = tpu.memref_slice %arg6[%dma_wait3A_266, %dma_wait3A_267, %dma_wait3A_268] : memref<20x128x32xf32, #tpu.memory_space<vmem>> -> memref<1x128x32xf32, #tpu.memory_space<vmem>>
    %dma_wait3A_270 = tpu.memref_squeeze %dma_wait3A_269 : memref<1x128x32xf32, #tpu.memory_space<vmem>> -> memref<128x32xf32, #tpu.memory_space<vmem>>
    %dma_wait3A_271 = arith.constant 0 : i32
    %dma_wait3A_272 = tpu.memref_slice %arg5[%dma_wait3A_265, %dma_wait3A_271] : memref<20x128xi32, #tpu.memory_space<vmem>> -> memref<1x128xi32, #tpu.memory_space<vmem>>
    %dma_wait3A_273 = tpu.memref_squeeze %dma_wait3A_272 : memref<1x128xi32, #tpu.memory_space<vmem>> -> memref<128xi32, #tpu.memory_space<vmem>>
    %dma_wait3A_274 = arith.constant 0 : i32
    %dma_wait3A_275 = arith.constant 0 : i32
    %dma_wait3A_276 = tpu.memref_slice %arg3[%dma_wait3A_274, %dma_wait3A_275] : memref<1003520x32xf32, #tpu.memory_space<hbm>> -> memref<1003520x32xf32, #tpu.memory_space<hbm>>
    tpu.wait_indirect_dma semaphore(%arg7 : memref<!tpu.dma_semaphore, #tpu.memory_space<semaphore_mem>>) src(%dma_wait3A_276 : memref<1003520x32xf32, #tpu.memory_space<hbm>>) dst(%dma_wait3A_270 : memref<128x32xf32, #tpu.memory_space<vmem>>)
    %dma_wait3A_277 = arith.constant 3 : i32
    %dma_wait3A_278 = arith.constant 3 : i32
    %dma_wait3A_279 = arith.constant 0 : i32
    %dma_wait3A_280 = arith.constant 0 : i32
    %dma_wait3A_281 = tpu.memref_slice %arg6[%dma_wait3A_278, %dma_wait3A_279, %dma_wait3A_280] : memref<20x128x32xf32, #tpu.memory_space<vmem>> -> memref<1x128x32xf32, #tpu.memory_space<vmem>>
    %dma_wait3A_282 = tpu.memref_squeeze %dma_wait3A_281 : memref<1x128x32xf32, #tpu.memory_space<vmem>> -> memref<128x32xf32, #tpu.memory_space<vmem>>
    %dma_wait3A_283 = arith.constant 0 : i32
    %dma_wait3A_284 = tpu.memref_slice %arg5[%dma_wait3A_277, %dma_wait3A_283] : memref<20x128xi32, #tpu.memory_space<vmem>> -> memref<1x128xi32, #tpu.memory_space<vmem>>
    %dma_wait3A_285 = tpu.memref_squeeze %dma_wait3A_284 : memref<1x128xi32, #tpu.memory_space<vmem>> -> memref<128xi32, #tpu.memory_space<vmem>>
    %dma_wait3A_286 = arith.constant 0 : i32
    %dma_wait3A_287 = arith.constant 0 : i32
    %dma_wait3A_288 = tpu.memref_slice %arg3[%dma_wait3A_286, %dma_wait3A_287] : memref<1003520x32xf32, #tpu.memory_space<hbm>> -> memref<1003520x32xf32, #tpu.memory_space<hbm>>
    tpu.wait_indirect_dma semaphore(%arg7 : memref<!tpu.dma_semaphore, #tpu.memory_space<semaphore_mem>>) src(%dma_wait3A_288 : memref<1003520x32xf32, #tpu.memory_space<hbm>>) dst(%dma_wait3A_282 : memref<128x32xf32, #tpu.memory_space<vmem>>)
    %dma_wait3A_289 = arith.constant 4 : i32
    %dma_wait3A_290 = arith.constant 4 : i32
    %dma_wait3A_291 = arith.constant 0 : i32
    %dma_wait3A_292 = arith.constant 0 : i32
    %dma_wait3A_293 = tpu.memref_slice %arg6[%dma_wait3A_290, %dma_wait3A_291, %dma_wait3A_292] : memref<20x128x32xf32, #tpu.memory_space<vmem>> -> memref<1x128x32xf32, #tpu.memory_space<vmem>>
    %dma_wait3A_294 = tpu.memref_squeeze %dma_wait3A_293 : memref<1x128x32xf32, #tpu.memory_space<vmem>> -> memref<128x32xf32, #tpu.memory_space<vmem>>
    %dma_wait3A_295 = arith.constant 0 : i32
    %dma_wait3A_296 = tpu.memref_slice %arg5[%dma_wait3A_289, %dma_wait3A_295] : memref<20x128xi32, #tpu.memory_space<vmem>> -> memref<1x128xi32, #tpu.memory_space<vmem>>
    %dma_wait3A_297 = tpu.memref_squeeze %dma_wait3A_296 : memref<1x128xi32, #tpu.memory_space<vmem>> -> memref<128xi32, #tpu.memory_space<vmem>>
    %dma_wait3A_298 = arith.constant 0 : i32
    %dma_wait3A_299 = arith.constant 0 : i32
    %dma_wait3A_300 = tpu.memref_slice %arg3[%dma_wait3A_298, %dma_wait3A_299] : memref<1003520x32xf32, #tpu.memory_space<hbm>> -> memref<1003520x32xf32, #tpu.memory_space<hbm>>
    tpu.wait_indirect_dma semaphore(%arg7 : memref<!tpu.dma_semaphore, #tpu.memory_space<semaphore_mem>>) src(%dma_wait3A_300 : memref<1003520x32xf32, #tpu.memory_space<hbm>>) dst(%dma_wait3A_294 : memref<128x32xf32, #tpu.memory_space<vmem>>)
    %dma_wait3A_301 = arith.constant 5 : i32
    %dma_wait3A_302 = arith.constant 5 : i32
    %dma_wait3A_303 = arith.constant 0 : i32
    %dma_wait3A_304 = arith.constant 0 : i32
    %dma_wait3A_305 = tpu.memref_slice %arg6[%dma_wait3A_302, %dma_wait3A_303, %dma_wait3A_304] : memref<20x128x32xf32, #tpu.memory_space<vmem>> -> memref<1x128x32xf32, #tpu.memory_space<vmem>>
    %dma_wait3A_306 = tpu.memref_squeeze %dma_wait3A_305 : memref<1x128x32xf32, #tpu.memory_space<vmem>> -> memref<128x32xf32, #tpu.memory_space<vmem>>
    %dma_wait3A_307 = arith.constant 0 : i32
    %dma_wait3A_308 = tpu.memref_slice %arg5[%dma_wait3A_301, %dma_wait3A_307] : memref<20x128xi32, #tpu.memory_space<vmem>> -> memref<1x128xi32, #tpu.memory_space<vmem>>
    %dma_wait3A_309 = tpu.memref_squeeze %dma_wait3A_308 : memref<1x128xi32, #tpu.memory_space<vmem>> -> memref<128xi32, #tpu.memory_space<vmem>>
    %dma_wait3A_310 = arith.constant 0 : i32
    %dma_wait3A_311 = arith.constant 0 : i32
    %dma_wait3A_312 = tpu.memref_slice %arg3[%dma_wait3A_310, %dma_wait3A_311] : memref<1003520x32xf32, #tpu.memory_space<hbm>> -> memref<1003520x32xf32, #tpu.memory_space<hbm>>
    tpu.wait_indirect_dma semaphore(%arg7 : memref<!tpu.dma_semaphore, #tpu.memory_space<semaphore_mem>>) src(%dma_wait3A_312 : memref<1003520x32xf32, #tpu.memory_space<hbm>>) dst(%dma_wait3A_306 : memref<128x32xf32, #tpu.memory_space<vmem>>)
    %dma_wait3A_313 = arith.constant 6 : i32
    %dma_wait3A_314 = arith.constant 6 : i32
    %dma_wait3A_315 = arith.constant 0 : i32
    %dma_wait3A_316 = arith.constant 0 : i32
    %dma_wait3A_317 = tpu.memref_slice %arg6[%dma_wait3A_314, %dma_wait3A_315, %dma_wait3A_316] : memref<20x128x32xf32, #tpu.memory_space<vmem>> -> memref<1x128x32xf32, #tpu.memory_space<vmem>>
    %dma_wait3A_318 = tpu.memref_squeeze %dma_wait3A_317 : memref<1x128x32xf32, #tpu.memory_space<vmem>> -> memref<128x32xf32, #tpu.memory_space<vmem>>
    %dma_wait3A_319 = arith.constant 0 : i32
    %dma_wait3A_320 = tpu.memref_slice %arg5[%dma_wait3A_313, %dma_wait3A_319] : memref<20x128xi32, #tpu.memory_space<vmem>> -> memref<1x128xi32, #tpu.memory_space<vmem>>
    %dma_wait3A_321 = tpu.memref_squeeze %dma_wait3A_320 : memref<1x128xi32, #tpu.memory_space<vmem>> -> memref<128xi32, #tpu.memory_space<vmem>>
    %dma_wait3A_322 = arith.constant 0 : i32
    %dma_wait3A_323 = arith.constant 0 : i32
    %dma_wait3A_324 = tpu.memref_slice %arg3[%dma_wait3A_322, %dma_wait3A_323] : memref<1003520x32xf32, #tpu.memory_space<hbm>> -> memref<1003520x32xf32, #tpu.memory_space<hbm>>
    tpu.wait_indirect_dma semaphore(%arg7 : memref<!tpu.dma_semaphore, #tpu.memory_space<semaphore_mem>>) src(%dma_wait3A_324 : memref<1003520x32xf32, #tpu.memory_space<hbm>>) dst(%dma_wait3A_318 : memref<128x32xf32, #tpu.memory_space<vmem>>)
    %dma_wait3A_325 = arith.constant 7 : i32
    %dma_wait3A_326 = arith.constant 7 : i32
    %dma_wait3A_327 = arith.constant 0 : i32
    %dma_wait3A_328 = arith.constant 0 : i32
    %dma_wait3A_329 = tpu.memref_slice %arg6[%dma_wait3A_326, %dma_wait3A_327, %dma_wait3A_328] : memref<20x128x32xf32, #tpu.memory_space<vmem>> -> memref<1x128x32xf32, #tpu.memory_space<vmem>>
    %dma_wait3A_330 = tpu.memref_squeeze %dma_wait3A_329 : memref<1x128x32xf32, #tpu.memory_space<vmem>> -> memref<128x32xf32, #tpu.memory_space<vmem>>
    %dma_wait3A_331 = arith.constant 0 : i32
    %dma_wait3A_332 = tpu.memref_slice %arg5[%dma_wait3A_325, %dma_wait3A_331] : memref<20x128xi32, #tpu.memory_space<vmem>> -> memref<1x128xi32, #tpu.memory_space<vmem>>
    %dma_wait3A_333 = tpu.memref_squeeze %dma_wait3A_332 : memref<1x128xi32, #tpu.memory_space<vmem>> -> memref<128xi32, #tpu.memory_space<vmem>>
    %dma_wait3A_334 = arith.constant 0 : i32
    %dma_wait3A_335 = arith.constant 0 : i32
    %dma_wait3A_336 = tpu.memref_slice %arg3[%dma_wait3A_334, %dma_wait3A_335] : memref<1003520x32xf32, #tpu.memory_space<hbm>> -> memref<1003520x32xf32, #tpu.memory_space<hbm>>
    tpu.wait_indirect_dma semaphore(%arg7 : memref<!tpu.dma_semaphore, #tpu.memory_space<semaphore_mem>>) src(%dma_wait3A_336 : memref<1003520x32xf32, #tpu.memory_space<hbm>>) dst(%dma_wait3A_330 : memref<128x32xf32, #tpu.memory_space<vmem>>)
    %dma_wait3A_337 = arith.constant 8 : i32
    %dma_wait3A_338 = arith.constant 8 : i32
    %dma_wait3A_339 = arith.constant 0 : i32
    %dma_wait3A_340 = arith.constant 0 : i32
    %dma_wait3A_341 = tpu.memref_slice %arg6[%dma_wait3A_338, %dma_wait3A_339, %dma_wait3A_340] : memref<20x128x32xf32, #tpu.memory_space<vmem>> -> memref<1x128x32xf32, #tpu.memory_space<vmem>>
    %dma_wait3A_342 = tpu.memref_squeeze %dma_wait3A_341 : memref<1x128x32xf32, #tpu.memory_space<vmem>> -> memref<128x32xf32, #tpu.memory_space<vmem>>
    %dma_wait3A_343 = arith.constant 0 : i32
    %dma_wait3A_344 = tpu.memref_slice %arg5[%dma_wait3A_337, %dma_wait3A_343] : memref<20x128xi32, #tpu.memory_space<vmem>> -> memref<1x128xi32, #tpu.memory_space<vmem>>
    %dma_wait3A_345 = tpu.memref_squeeze %dma_wait3A_344 : memref<1x128xi32, #tpu.memory_space<vmem>> -> memref<128xi32, #tpu.memory_space<vmem>>
    %dma_wait3A_346 = arith.constant 0 : i32
    %dma_wait3A_347 = arith.constant 0 : i32
    %dma_wait3A_348 = tpu.memref_slice %arg3[%dma_wait3A_346, %dma_wait3A_347] : memref<1003520x32xf32, #tpu.memory_space<hbm>> -> memref<1003520x32xf32, #tpu.memory_space<hbm>>
    tpu.wait_indirect_dma semaphore(%arg7 : memref<!tpu.dma_semaphore, #tpu.memory_space<semaphore_mem>>) src(%dma_wait3A_348 : memref<1003520x32xf32, #tpu.memory_space<hbm>>) dst(%dma_wait3A_342 : memref<128x32xf32, #tpu.memory_space<vmem>>)
    %dma_wait3A_349 = arith.constant 9 : i32
    %dma_wait3A_350 = arith.constant 9 : i32
    %dma_wait3A_351 = arith.constant 0 : i32
    %dma_wait3A_352 = arith.constant 0 : i32
    %dma_wait3A_353 = tpu.memref_slice %arg6[%dma_wait3A_350, %dma_wait3A_351, %dma_wait3A_352] : memref<20x128x32xf32, #tpu.memory_space<vmem>> -> memref<1x128x32xf32, #tpu.memory_space<vmem>>
    %dma_wait3A_354 = tpu.memref_squeeze %dma_wait3A_353 : memref<1x128x32xf32, #tpu.memory_space<vmem>> -> memref<128x32xf32, #tpu.memory_space<vmem>>
    %dma_wait3A_355 = arith.constant 0 : i32
    %dma_wait3A_356 = tpu.memref_slice %arg5[%dma_wait3A_349, %dma_wait3A_355] : memref<20x128xi32, #tpu.memory_space<vmem>> -> memref<1x128xi32, #tpu.memory_space<vmem>>
    %dma_wait3A_357 = tpu.memref_squeeze %dma_wait3A_356 : memref<1x128xi32, #tpu.memory_space<vmem>> -> memref<128xi32, #tpu.memory_space<vmem>>
    %dma_wait3A_358 = arith.constant 0 : i32
    %dma_wait3A_359 = arith.constant 0 : i32
    %dma_wait3A_360 = tpu.memref_slice %arg3[%dma_wait3A_358, %dma_wait3A_359] : memref<1003520x32xf32, #tpu.memory_space<hbm>> -> memref<1003520x32xf32, #tpu.memory_space<hbm>>
    tpu.wait_indirect_dma semaphore(%arg7 : memref<!tpu.dma_semaphore, #tpu.memory_space<semaphore_mem>>) src(%dma_wait3A_360 : memref<1003520x32xf32, #tpu.memory_space<hbm>>) dst(%dma_wait3A_354 : memref<128x32xf32, #tpu.memory_space<vmem>>)
    %dma_wait3A_361 = arith.constant 10 : i32
    %dma_wait3A_362 = arith.constant 10 : i32
    %dma_wait3A_363 = arith.constant 0 : i32
    %dma_wait3A_364 = arith.constant 0 : i32
    %dma_wait3A_365 = tpu.memref_slice %arg6[%dma_wait3A_362, %dma_wait3A_363, %dma_wait3A_364] : memref<20x128x32xf32, #tpu.memory_space<vmem>> -> memref<1x128x32xf32, #tpu.memory_space<vmem>>
    %dma_wait3A_366 = tpu.memref_squeeze %dma_wait3A_365 : memref<1x128x32xf32, #tpu.memory_space<vmem>> -> memref<128x32xf32, #tpu.memory_space<vmem>>
    %dma_wait3A_367 = arith.constant 0 : i32
    %dma_wait3A_368 = tpu.memref_slice %arg5[%dma_wait3A_361, %dma_wait3A_367] : memref<20x128xi32, #tpu.memory_space<vmem>> -> memref<1x128xi32, #tpu.memory_space<vmem>>
    %dma_wait3A_369 = tpu.memref_squeeze %dma_wait3A_368 : memref<1x128xi32, #tpu.memory_space<vmem>> -> memref<128xi32, #tpu.memory_space<vmem>>
    %dma_wait3A_370 = arith.constant 0 : i32
    %dma_wait3A_371 = arith.constant 0 : i32
    %dma_wait3A_372 = tpu.memref_slice %arg3[%dma_wait3A_370, %dma_wait3A_371] : memref<1003520x32xf32, #tpu.memory_space<hbm>> -> memref<1003520x32xf32, #tpu.memory_space<hbm>>
    tpu.wait_indirect_dma semaphore(%arg7 : memref<!tpu.dma_semaphore, #tpu.memory_space<semaphore_mem>>) src(%dma_wait3A_372 : memref<1003520x32xf32, #tpu.memory_space<hbm>>) dst(%dma_wait3A_366 : memref<128x32xf32, #tpu.memory_space<vmem>>)
    %dma_wait3A_373 = arith.constant 11 : i32
    %dma_wait3A_374 = arith.constant 11 : i32
    %dma_wait3A_375 = arith.constant 0 : i32
    %dma_wait3A_376 = arith.constant 0 : i32
    %dma_wait3A_377 = tpu.memref_slice %arg6[%dma_wait3A_374, %dma_wait3A_375, %dma_wait3A_376] : memref<20x128x32xf32, #tpu.memory_space<vmem>> -> memref<1x128x32xf32, #tpu.memory_space<vmem>>
    %dma_wait3A_378 = tpu.memref_squeeze %dma_wait3A_377 : memref<1x128x32xf32, #tpu.memory_space<vmem>> -> memref<128x32xf32, #tpu.memory_space<vmem>>
    %dma_wait3A_379 = arith.constant 0 : i32
    %dma_wait3A_380 = tpu.memref_slice %arg5[%dma_wait3A_373, %dma_wait3A_379] : memref<20x128xi32, #tpu.memory_space<vmem>> -> memref<1x128xi32, #tpu.memory_space<vmem>>
    %dma_wait3A_381 = tpu.memref_squeeze %dma_wait3A_380 : memref<1x128xi32, #tpu.memory_space<vmem>> -> memref<128xi32, #tpu.memory_space<vmem>>
    %dma_wait3A_382 = arith.constant 0 : i32
    %dma_wait3A_383 = arith.constant 0 : i32
    %dma_wait3A_384 = tpu.memref_slice %arg3[%dma_wait3A_382, %dma_wait3A_383] : memref<1003520x32xf32, #tpu.memory_space<hbm>> -> memref<1003520x32xf32, #tpu.memory_space<hbm>>
    tpu.wait_indirect_dma semaphore(%arg7 : memref<!tpu.dma_semaphore, #tpu.memory_space<semaphore_mem>>) src(%dma_wait3A_384 : memref<1003520x32xf32, #tpu.memory_space<hbm>>) dst(%dma_wait3A_378 : memref<128x32xf32, #tpu.memory_space<vmem>>)
    %dma_wait3A_385 = arith.constant 12 : i32
    %dma_wait3A_386 = arith.constant 12 : i32
    %dma_wait3A_387 = arith.constant 0 : i32
    %dma_wait3A_388 = arith.constant 0 : i32
    %dma_wait3A_389 = tpu.memref_slice %arg6[%dma_wait3A_386, %dma_wait3A_387, %dma_wait3A_388] : memref<20x128x32xf32, #tpu.memory_space<vmem>> -> memref<1x128x32xf32, #tpu.memory_space<vmem>>
    %dma_wait3A_390 = tpu.memref_squeeze %dma_wait3A_389 : memref<1x128x32xf32, #tpu.memory_space<vmem>> -> memref<128x32xf32, #tpu.memory_space<vmem>>
    %dma_wait3A_391 = arith.constant 0 : i32
    %dma_wait3A_392 = tpu.memref_slice %arg5[%dma_wait3A_385, %dma_wait3A_391] : memref<20x128xi32, #tpu.memory_space<vmem>> -> memref<1x128xi32, #tpu.memory_space<vmem>>
    %dma_wait3A_393 = tpu.memref_squeeze %dma_wait3A_392 : memref<1x128xi32, #tpu.memory_space<vmem>> -> memref<128xi32, #tpu.memory_space<vmem>>
    %dma_wait3A_394 = arith.constant 0 : i32
    %dma_wait3A_395 = arith.constant 0 : i32
    %dma_wait3A_396 = tpu.memref_slice %arg3[%dma_wait3A_394, %dma_wait3A_395] : memref<1003520x32xf32, #tpu.memory_space<hbm>> -> memref<1003520x32xf32, #tpu.memory_space<hbm>>
    tpu.wait_indirect_dma semaphore(%arg7 : memref<!tpu.dma_semaphore, #tpu.memory_space<semaphore_mem>>) src(%dma_wait3A_396 : memref<1003520x32xf32, #tpu.memory_space<hbm>>) dst(%dma_wait3A_390 : memref<128x32xf32, #tpu.memory_space<vmem>>)
    %dma_wait3A_397 = arith.constant 13 : i32
    %dma_wait3A_398 = arith.constant 13 : i32
    %dma_wait3A_399 = arith.constant 0 : i32
    %dma_wait3A_400 = arith.constant 0 : i32
    %dma_wait3A_401 = tpu.memref_slice %arg6[%dma_wait3A_398, %dma_wait3A_399, %dma_wait3A_400] : memref<20x128x32xf32, #tpu.memory_space<vmem>> -> memref<1x128x32xf32, #tpu.memory_space<vmem>>
    %dma_wait3A_402 = tpu.memref_squeeze %dma_wait3A_401 : memref<1x128x32xf32, #tpu.memory_space<vmem>> -> memref<128x32xf32, #tpu.memory_space<vmem>>
    %dma_wait3A_403 = arith.constant 0 : i32
    %dma_wait3A_404 = tpu.memref_slice %arg5[%dma_wait3A_397, %dma_wait3A_403] : memref<20x128xi32, #tpu.memory_space<vmem>> -> memref<1x128xi32, #tpu.memory_space<vmem>>
    %dma_wait3A_405 = tpu.memref_squeeze %dma_wait3A_404 : memref<1x128xi32, #tpu.memory_space<vmem>> -> memref<128xi32, #tpu.memory_space<vmem>>
    %dma_wait3A_406 = arith.constant 0 : i32
    %dma_wait3A_407 = arith.constant 0 : i32
    %dma_wait3A_408 = tpu.memref_slice %arg3[%dma_wait3A_406, %dma_wait3A_407] : memref<1003520x32xf32, #tpu.memory_space<hbm>> -> memref<1003520x32xf32, #tpu.memory_space<hbm>>
    tpu.wait_indirect_dma semaphore(%arg7 : memref<!tpu.dma_semaphore, #tpu.memory_space<semaphore_mem>>) src(%dma_wait3A_408 : memref<1003520x32xf32, #tpu.memory_space<hbm>>) dst(%dma_wait3A_402 : memref<128x32xf32, #tpu.memory_space<vmem>>)
    %dma_wait3A_409 = arith.constant 14 : i32
    %dma_wait3A_410 = arith.constant 14 : i32
    %dma_wait3A_411 = arith.constant 0 : i32
    %dma_wait3A_412 = arith.constant 0 : i32
    %dma_wait3A_413 = tpu.memref_slice %arg6[%dma_wait3A_410, %dma_wait3A_411, %dma_wait3A_412] : memref<20x128x32xf32, #tpu.memory_space<vmem>> -> memref<1x128x32xf32, #tpu.memory_space<vmem>>
    %dma_wait3A_414 = tpu.memref_squeeze %dma_wait3A_413 : memref<1x128x32xf32, #tpu.memory_space<vmem>> -> memref<128x32xf32, #tpu.memory_space<vmem>>
    %dma_wait3A_415 = arith.constant 0 : i32
    %dma_wait3A_416 = tpu.memref_slice %arg5[%dma_wait3A_409, %dma_wait3A_415] : memref<20x128xi32, #tpu.memory_space<vmem>> -> memref<1x128xi32, #tpu.memory_space<vmem>>
    %dma_wait3A_417 = tpu.memref_squeeze %dma_wait3A_416 : memref<1x128xi32, #tpu.memory_space<vmem>> -> memref<128xi32, #tpu.memory_space<vmem>>
    %dma_wait3A_418 = arith.constant 0 : i32
    %dma_wait3A_419 = arith.constant 0 : i32
    %dma_wait3A_420 = tpu.memref_slice %arg3[%dma_wait3A_418, %dma_wait3A_419] : memref<1003520x32xf32, #tpu.memory_space<hbm>> -> memref<1003520x32xf32, #tpu.memory_space<hbm>>
    tpu.wait_indirect_dma semaphore(%arg7 : memref<!tpu.dma_semaphore, #tpu.memory_space<semaphore_mem>>) src(%dma_wait3A_420 : memref<1003520x32xf32, #tpu.memory_space<hbm>>) dst(%dma_wait3A_414 : memref<128x32xf32, #tpu.memory_space<vmem>>)
    %dma_wait3A_421 = arith.constant 15 : i32
    %dma_wait3A_422 = arith.constant 15 : i32
    %dma_wait3A_423 = arith.constant 0 : i32
    %dma_wait3A_424 = arith.constant 0 : i32
    %dma_wait3A_425 = tpu.memref_slice %arg6[%dma_wait3A_422, %dma_wait3A_423, %dma_wait3A_424] : memref<20x128x32xf32, #tpu.memory_space<vmem>> -> memref<1x128x32xf32, #tpu.memory_space<vmem>>
    %dma_wait3A_426 = tpu.memref_squeeze %dma_wait3A_425 : memref<1x128x32xf32, #tpu.memory_space<vmem>> -> memref<128x32xf32, #tpu.memory_space<vmem>>
    %dma_wait3A_427 = arith.constant 0 : i32
    %dma_wait3A_428 = tpu.memref_slice %arg5[%dma_wait3A_421, %dma_wait3A_427] : memref<20x128xi32, #tpu.memory_space<vmem>> -> memref<1x128xi32, #tpu.memory_space<vmem>>
    %dma_wait3A_429 = tpu.memref_squeeze %dma_wait3A_428 : memref<1x128xi32, #tpu.memory_space<vmem>> -> memref<128xi32, #tpu.memory_space<vmem>>
    %dma_wait3A_430 = arith.constant 0 : i32
    %dma_wait3A_431 = arith.constant 0 : i32
    %dma_wait3A_432 = tpu.memref_slice %arg3[%dma_wait3A_430, %dma_wait3A_431] : memref<1003520x32xf32, #tpu.memory_space<hbm>> -> memref<1003520x32xf32, #tpu.memory_space<hbm>>
    tpu.wait_indirect_dma semaphore(%arg7 : memref<!tpu.dma_semaphore, #tpu.memory_space<semaphore_mem>>) src(%dma_wait3A_432 : memref<1003520x32xf32, #tpu.memory_space<hbm>>) dst(%dma_wait3A_426 : memref<128x32xf32, #tpu.memory_space<vmem>>)
    %dma_wait3A_433 = arith.constant 16 : i32
    %dma_wait3A_434 = arith.constant 16 : i32
    %dma_wait3A_435 = arith.constant 0 : i32
    %dma_wait3A_436 = arith.constant 0 : i32
    %dma_wait3A_437 = tpu.memref_slice %arg6[%dma_wait3A_434, %dma_wait3A_435, %dma_wait3A_436] : memref<20x128x32xf32, #tpu.memory_space<vmem>> -> memref<1x128x32xf32, #tpu.memory_space<vmem>>
    %dma_wait3A_438 = tpu.memref_squeeze %dma_wait3A_437 : memref<1x128x32xf32, #tpu.memory_space<vmem>> -> memref<128x32xf32, #tpu.memory_space<vmem>>
    %dma_wait3A_439 = arith.constant 0 : i32
    %dma_wait3A_440 = tpu.memref_slice %arg5[%dma_wait3A_433, %dma_wait3A_439] : memref<20x128xi32, #tpu.memory_space<vmem>> -> memref<1x128xi32, #tpu.memory_space<vmem>>
    %dma_wait3A_441 = tpu.memref_squeeze %dma_wait3A_440 : memref<1x128xi32, #tpu.memory_space<vmem>> -> memref<128xi32, #tpu.memory_space<vmem>>
    %dma_wait3A_442 = arith.constant 0 : i32
    %dma_wait3A_443 = arith.constant 0 : i32
    %dma_wait3A_444 = tpu.memref_slice %arg3[%dma_wait3A_442, %dma_wait3A_443] : memref<1003520x32xf32, #tpu.memory_space<hbm>> -> memref<1003520x32xf32, #tpu.memory_space<hbm>>
    tpu.wait_indirect_dma semaphore(%arg7 : memref<!tpu.dma_semaphore, #tpu.memory_space<semaphore_mem>>) src(%dma_wait3A_444 : memref<1003520x32xf32, #tpu.memory_space<hbm>>) dst(%dma_wait3A_438 : memref<128x32xf32, #tpu.memory_space<vmem>>)
    %dma_wait3A_445 = arith.constant 17 : i32
    %dma_wait3A_446 = arith.constant 17 : i32
    %dma_wait3A_447 = arith.constant 0 : i32
    %dma_wait3A_448 = arith.constant 0 : i32
    %dma_wait3A_449 = tpu.memref_slice %arg6[%dma_wait3A_446, %dma_wait3A_447, %dma_wait3A_448] : memref<20x128x32xf32, #tpu.memory_space<vmem>> -> memref<1x128x32xf32, #tpu.memory_space<vmem>>
    %dma_wait3A_450 = tpu.memref_squeeze %dma_wait3A_449 : memref<1x128x32xf32, #tpu.memory_space<vmem>> -> memref<128x32xf32, #tpu.memory_space<vmem>>
    %dma_wait3A_451 = arith.constant 0 : i32
    %dma_wait3A_452 = tpu.memref_slice %arg5[%dma_wait3A_445, %dma_wait3A_451] : memref<20x128xi32, #tpu.memory_space<vmem>> -> memref<1x128xi32, #tpu.memory_space<vmem>>
    %dma_wait3A_453 = tpu.memref_squeeze %dma_wait3A_452 : memref<1x128xi32, #tpu.memory_space<vmem>> -> memref<128xi32, #tpu.memory_space<vmem>>
    %dma_wait3A_454 = arith.constant 0 : i32
    %dma_wait3A_455 = arith.constant 0 : i32
    %dma_wait3A_456 = tpu.memref_slice %arg3[%dma_wait3A_454, %dma_wait3A_455] : memref<1003520x32xf32, #tpu.memory_space<hbm>> -> memref<1003520x32xf32, #tpu.memory_space<hbm>>
    tpu.wait_indirect_dma semaphore(%arg7 : memref<!tpu.dma_semaphore, #tpu.memory_space<semaphore_mem>>) src(%dma_wait3A_456 : memref<1003520x32xf32, #tpu.memory_space<hbm>>) dst(%dma_wait3A_450 : memref<128x32xf32, #tpu.memory_space<vmem>>)
    %dma_wait3A_457 = arith.constant 18 : i32
    %dma_wait3A_458 = arith.constant 18 : i32
    %dma_wait3A_459 = arith.constant 0 : i32
    %dma_wait3A_460 = arith.constant 0 : i32
    %dma_wait3A_461 = tpu.memref_slice %arg6[%dma_wait3A_458, %dma_wait3A_459, %dma_wait3A_460] : memref<20x128x32xf32, #tpu.memory_space<vmem>> -> memref<1x128x32xf32, #tpu.memory_space<vmem>>
    %dma_wait3A_462 = tpu.memref_squeeze %dma_wait3A_461 : memref<1x128x32xf32, #tpu.memory_space<vmem>> -> memref<128x32xf32, #tpu.memory_space<vmem>>
    %dma_wait3A_463 = arith.constant 0 : i32
    %dma_wait3A_464 = tpu.memref_slice %arg5[%dma_wait3A_457, %dma_wait3A_463] : memref<20x128xi32, #tpu.memory_space<vmem>> -> memref<1x128xi32, #tpu.memory_space<vmem>>
    %dma_wait3A_465 = tpu.memref_squeeze %dma_wait3A_464 : memref<1x128xi32, #tpu.memory_space<vmem>> -> memref<128xi32, #tpu.memory_space<vmem>>
    %dma_wait3A_466 = arith.constant 0 : i32
    %dma_wait3A_467 = arith.constant 0 : i32
    %dma_wait3A_468 = tpu.memref_slice %arg3[%dma_wait3A_466, %dma_wait3A_467] : memref<1003520x32xf32, #tpu.memory_space<hbm>> -> memref<1003520x32xf32, #tpu.memory_space<hbm>>
    tpu.wait_indirect_dma semaphore(%arg7 : memref<!tpu.dma_semaphore, #tpu.memory_space<semaphore_mem>>) src(%dma_wait3A_468 : memref<1003520x32xf32, #tpu.memory_space<hbm>>) dst(%dma_wait3A_462 : memref<128x32xf32, #tpu.memory_space<vmem>>)
    %dma_wait3A_469 = arith.constant 19 : i32
    %dma_wait3A_470 = arith.constant 19 : i32
    %dma_wait3A_471 = arith.constant 0 : i32
    %dma_wait3A_472 = arith.constant 0 : i32
    %dma_wait3A_473 = tpu.memref_slice %arg6[%dma_wait3A_470, %dma_wait3A_471, %dma_wait3A_472] : memref<20x128x32xf32, #tpu.memory_space<vmem>> -> memref<1x128x32xf32, #tpu.memory_space<vmem>>
    %dma_wait3A_474 = tpu.memref_squeeze %dma_wait3A_473 : memref<1x128x32xf32, #tpu.memory_space<vmem>> -> memref<128x32xf32, #tpu.memory_space<vmem>>
    %dma_wait3A_475 = arith.constant 0 : i32
    %dma_wait3A_476 = tpu.memref_slice %arg5[%dma_wait3A_469, %dma_wait3A_475] : memref<20x128xi32, #tpu.memory_space<vmem>> -> memref<1x128xi32, #tpu.memory_space<vmem>>
    %dma_wait3A_477 = tpu.memref_squeeze %dma_wait3A_476 : memref<1x128xi32, #tpu.memory_space<vmem>> -> memref<128xi32, #tpu.memory_space<vmem>>
    %dma_wait3A_478 = arith.constant 0 : i32
    %dma_wait3A_479 = arith.constant 0 : i32
    %dma_wait3A_480 = tpu.memref_slice %arg3[%dma_wait3A_478, %dma_wait3A_479] : memref<1003520x32xf32, #tpu.memory_space<hbm>> -> memref<1003520x32xf32, #tpu.memory_space<hbm>>
    tpu.wait_indirect_dma semaphore(%arg7 : memref<!tpu.dma_semaphore, #tpu.memory_space<semaphore_mem>>) src(%dma_wait3A_480 : memref<1003520x32xf32, #tpu.memory_space<hbm>>) dst(%dma_wait3A_474 : memref<128x32xf32, #tpu.memory_space<vmem>>)
    %add3A_481 = arith.constant 0 : i32
    %add3A_482 = arith.addi %mul3A_2, %add3A_481 : i32
    %dma_start3A_483 = arith.constant 0 : i32
    %dma_start3A_484 = arith.constant 0 : i32
    %dma_start3A_485 = arith.constant 0 : i32
    %dma_start3A_486 = tpu.memref_slice %arg6[%dma_start3A_483, %dma_start3A_484, %dma_start3A_485] : memref<20x128x32xf32, #tpu.memory_space<vmem>> -> memref<1x128x32xf32, #tpu.memory_space<vmem>>
    %dma_start3A_487 = tpu.memref_squeeze %dma_start3A_486 : memref<1x128x32xf32, #tpu.memory_space<vmem>> -> memref<128x32xf32, #tpu.memory_space<vmem>>
    %dma_start3A_488 = arith.constant 0 : i32
    %dma_start3A_489 = tpu.memref_slice %arg4[%add3A_482, %dma_start3A_488] : memref<81920x128xf32, #tpu.memory_space<hbm>> -> memref<128x32xf32, #tpu.memory_space<hbm>>
    %dma_start3A_490 = arith.constant 0 : i32
    %dma_start3A_491 = tpu.memref_slice %arg4[%add3A_482, %dma_start3A_490] : memref<81920x128xf32, #tpu.memory_space<hbm>> -> memref<128x32xf32, #tpu.memory_space<hbm>>
    %dma_start3A_492 = arith.constant 0 : i32
    %dma_start3A_493 = arith.constant 0 : i32
    %dma_start3A_494 = tpu.memref_slice %arg6[%dma_start3A_483, %dma_start3A_492, %dma_start3A_493] : memref<20x128x32xf32, #tpu.memory_space<vmem>> -> memref<1x128x32xf32, #tpu.memory_space<vmem>>
    %dma_start3A_495 = tpu.memref_squeeze %dma_start3A_494 : memref<1x128x32xf32, #tpu.memory_space<vmem>> -> memref<128x32xf32, #tpu.memory_space<vmem>>
    tpu.enqueue_dma source(%dma_start3A_495 : memref<128x32xf32, #tpu.memory_space<vmem>>) target(%dma_start3A_491 : memref<128x32xf32, #tpu.memory_space<hbm>>) target_semaphore(%arg8 : memref<!tpu.dma_semaphore, #tpu.memory_space<semaphore_mem>>)
    %add3A_496 = arith.constant 128 : i32
    %add3A_497 = arith.addi %mul3A_2, %add3A_496 : i32
    %dma_start3A_498 = arith.constant 1 : i32
    %dma_start3A_499 = arith.constant 0 : i32
    %dma_start3A_500 = arith.constant 0 : i32
    %dma_start3A_501 = tpu.memref_slice %arg6[%dma_start3A_498, %dma_start3A_499, %dma_start3A_500] : memref<20x128x32xf32, #tpu.memory_space<vmem>> -> memref<1x128x32xf32, #tpu.memory_space<vmem>>
    %dma_start3A_502 = tpu.memref_squeeze %dma_start3A_501 : memref<1x128x32xf32, #tpu.memory_space<vmem>> -> memref<128x32xf32, #tpu.memory_space<vmem>>
    %dma_start3A_503 = arith.constant 0 : i32
    %dma_start3A_504 = tpu.memref_slice %arg4[%add3A_497, %dma_start3A_503] : memref<81920x128xf32, #tpu.memory_space<hbm>> -> memref<128x32xf32, #tpu.memory_space<hbm>>
    %dma_start3A_505 = arith.constant 0 : i32
    %dma_start3A_506 = tpu.memref_slice %arg4[%add3A_497, %dma_start3A_505] : memref<81920x128xf32, #tpu.memory_space<hbm>> -> memref<128x32xf32, #tpu.memory_space<hbm>>
    %dma_start3A_507 = arith.constant 0 : i32
    %dma_start3A_508 = arith.constant 0 : i32
    %dma_start3A_509 = tpu.memref_slice %arg6[%dma_start3A_498, %dma_start3A_507, %dma_start3A_508] : memref<20x128x32xf32, #tpu.memory_space<vmem>> -> memref<1x128x32xf32, #tpu.memory_space<vmem>>
    %dma_start3A_510 = tpu.memref_squeeze %dma_start3A_509 : memref<1x128x32xf32, #tpu.memory_space<vmem>> -> memref<128x32xf32, #tpu.memory_space<vmem>>
    tpu.enqueue_dma source(%dma_start3A_510 : memref<128x32xf32, #tpu.memory_space<vmem>>) target(%dma_start3A_506 : memref<128x32xf32, #tpu.memory_space<hbm>>) target_semaphore(%arg8 : memref<!tpu.dma_semaphore, #tpu.memory_space<semaphore_mem>>)
    %add3A_511 = arith.constant 256 : i32
    %add3A_512 = arith.addi %mul3A_2, %add3A_511 : i32
    %dma_start3A_513 = arith.constant 2 : i32
    %dma_start3A_514 = arith.constant 0 : i32
    %dma_start3A_515 = arith.constant 0 : i32
    %dma_start3A_516 = tpu.memref_slice %arg6[%dma_start3A_513, %dma_start3A_514, %dma_start3A_515] : memref<20x128x32xf32, #tpu.memory_space<vmem>> -> memref<1x128x32xf32, #tpu.memory_space<vmem>>
    %dma_start3A_517 = tpu.memref_squeeze %dma_start3A_516 : memref<1x128x32xf32, #tpu.memory_space<vmem>> -> memref<128x32xf32, #tpu.memory_space<vmem>>
    %dma_start3A_518 = arith.constant 0 : i32
    %dma_start3A_519 = tpu.memref_slice %arg4[%add3A_512, %dma_start3A_518] : memref<81920x128xf32, #tpu.memory_space<hbm>> -> memref<128x32xf32, #tpu.memory_space<hbm>>
    %dma_start3A_520 = arith.constant 0 : i32
    %dma_start3A_521 = tpu.memref_slice %arg4[%add3A_512, %dma_start3A_520] : memref<81920x128xf32, #tpu.memory_space<hbm>> -> memref<128x32xf32, #tpu.memory_space<hbm>>
    %dma_start3A_522 = arith.constant 0 : i32
    %dma_start3A_523 = arith.constant 0 : i32
    %dma_start3A_524 = tpu.memref_slice %arg6[%dma_start3A_513, %dma_start3A_522, %dma_start3A_523] : memref<20x128x32xf32, #tpu.memory_space<vmem>> -> memref<1x128x32xf32, #tpu.memory_space<vmem>>
    %dma_start3A_525 = tpu.memref_squeeze %dma_start3A_524 : memref<1x128x32xf32, #tpu.memory_space<vmem>> -> memref<128x32xf32, #tpu.memory_space<vmem>>
    tpu.enqueue_dma source(%dma_start3A_525 : memref<128x32xf32, #tpu.memory_space<vmem>>) target(%dma_start3A_521 : memref<128x32xf32, #tpu.memory_space<hbm>>) target_semaphore(%arg8 : memref<!tpu.dma_semaphore, #tpu.memory_space<semaphore_mem>>)
    %add3A_526 = arith.constant 384 : i32
    %add3A_527 = arith.addi %mul3A_2, %add3A_526 : i32
    %dma_start3A_528 = arith.constant 3 : i32
    %dma_start3A_529 = arith.constant 0 : i32
    %dma_start3A_530 = arith.constant 0 : i32
    %dma_start3A_531 = tpu.memref_slice %arg6[%dma_start3A_528, %dma_start3A_529, %dma_start3A_530] : memref<20x128x32xf32, #tpu.memory_space<vmem>> -> memref<1x128x32xf32, #tpu.memory_space<vmem>>
    %dma_start3A_532 = tpu.memref_squeeze %dma_start3A_531 : memref<1x128x32xf32, #tpu.memory_space<vmem>> -> memref<128x32xf32, #tpu.memory_space<vmem>>
    %dma_start3A_533 = arith.constant 0 : i32
    %dma_start3A_534 = tpu.memref_slice %arg4[%add3A_527, %dma_start3A_533] : memref<81920x128xf32, #tpu.memory_space<hbm>> -> memref<128x32xf32, #tpu.memory_space<hbm>>
    %dma_start3A_535 = arith.constant 0 : i32
    %dma_start3A_536 = tpu.memref_slice %arg4[%add3A_527, %dma_start3A_535] : memref<81920x128xf32, #tpu.memory_space<hbm>> -> memref<128x32xf32, #tpu.memory_space<hbm>>
    %dma_start3A_537 = arith.constant 0 : i32
    %dma_start3A_538 = arith.constant 0 : i32
    %dma_start3A_539 = tpu.memref_slice %arg6[%dma_start3A_528, %dma_start3A_537, %dma_start3A_538] : memref<20x128x32xf32, #tpu.memory_space<vmem>> -> memref<1x128x32xf32, #tpu.memory_space<vmem>>
    %dma_start3A_540 = tpu.memref_squeeze %dma_start3A_539 : memref<1x128x32xf32, #tpu.memory_space<vmem>> -> memref<128x32xf32, #tpu.memory_space<vmem>>
    tpu.enqueue_dma source(%dma_start3A_540 : memref<128x32xf32, #tpu.memory_space<vmem>>) target(%dma_start3A_536 : memref<128x32xf32, #tpu.memory_space<hbm>>) target_semaphore(%arg8 : memref<!tpu.dma_semaphore, #tpu.memory_space<semaphore_mem>>)
    %add3A_541 = arith.constant 512 : i32
    %add3A_542 = arith.addi %mul3A_2, %add3A_541 : i32
    %dma_start3A_543 = arith.constant 4 : i32
    %dma_start3A_544 = arith.constant 0 : i32
    %dma_start3A_545 = arith.constant 0 : i32
    %dma_start3A_546 = tpu.memref_slice %arg6[%dma_start3A_543, %dma_start3A_544, %dma_start3A_545] : memref<20x128x32xf32, #tpu.memory_space<vmem>> -> memref<1x128x32xf32, #tpu.memory_space<vmem>>
    %dma_start3A_547 = tpu.memref_squeeze %dma_start3A_546 : memref<1x128x32xf32, #tpu.memory_space<vmem>> -> memref<128x32xf32, #tpu.memory_space<vmem>>
    %dma_start3A_548 = arith.constant 0 : i32
    %dma_start3A_549 = tpu.memref_slice %arg4[%add3A_542, %dma_start3A_548] : memref<81920x128xf32, #tpu.memory_space<hbm>> -> memref<128x32xf32, #tpu.memory_space<hbm>>
    %dma_start3A_550 = arith.constant 0 : i32
    %dma_start3A_551 = tpu.memref_slice %arg4[%add3A_542, %dma_start3A_550] : memref<81920x128xf32, #tpu.memory_space<hbm>> -> memref<128x32xf32, #tpu.memory_space<hbm>>
    %dma_start3A_552 = arith.constant 0 : i32
    %dma_start3A_553 = arith.constant 0 : i32
    %dma_start3A_554 = tpu.memref_slice %arg6[%dma_start3A_543, %dma_start3A_552, %dma_start3A_553] : memref<20x128x32xf32, #tpu.memory_space<vmem>> -> memref<1x128x32xf32, #tpu.memory_space<vmem>>
    %dma_start3A_555 = tpu.memref_squeeze %dma_start3A_554 : memref<1x128x32xf32, #tpu.memory_space<vmem>> -> memref<128x32xf32, #tpu.memory_space<vmem>>
    tpu.enqueue_dma source(%dma_start3A_555 : memref<128x32xf32, #tpu.memory_space<vmem>>) target(%dma_start3A_551 : memref<128x32xf32, #tpu.memory_space<hbm>>) target_semaphore(%arg8 : memref<!tpu.dma_semaphore, #tpu.memory_space<semaphore_mem>>)
    %add3A_556 = arith.constant 640 : i32
    %add3A_557 = arith.addi %mul3A_2, %add3A_556 : i32
    %dma_start3A_558 = arith.constant 5 : i32
    %dma_start3A_559 = arith.constant 0 : i32
    %dma_start3A_560 = arith.constant 0 : i32
    %dma_start3A_561 = tpu.memref_slice %arg6[%dma_start3A_558, %dma_start3A_559, %dma_start3A_560] : memref<20x128x32xf32, #tpu.memory_space<vmem>> -> memref<1x128x32xf32, #tpu.memory_space<vmem>>
    %dma_start3A_562 = tpu.memref_squeeze %dma_start3A_561 : memref<1x128x32xf32, #tpu.memory_space<vmem>> -> memref<128x32xf32, #tpu.memory_space<vmem>>
    %dma_start3A_563 = arith.constant 0 : i32
    %dma_start3A_564 = tpu.memref_slice %arg4[%add3A_557, %dma_start3A_563] : memref<81920x128xf32, #tpu.memory_space<hbm>> -> memref<128x32xf32, #tpu.memory_space<hbm>>
    %dma_start3A_565 = arith.constant 0 : i32
    %dma_start3A_566 = tpu.memref_slice %arg4[%add3A_557, %dma_start3A_565] : memref<81920x128xf32, #tpu.memory_space<hbm>> -> memref<128x32xf32, #tpu.memory_space<hbm>>
    %dma_start3A_567 = arith.constant 0 : i32
    %dma_start3A_568 = arith.constant 0 : i32
    %dma_start3A_569 = tpu.memref_slice %arg6[%dma_start3A_558, %dma_start3A_567, %dma_start3A_568] : memref<20x128x32xf32, #tpu.memory_space<vmem>> -> memref<1x128x32xf32, #tpu.memory_space<vmem>>
    %dma_start3A_570 = tpu.memref_squeeze %dma_start3A_569 : memref<1x128x32xf32, #tpu.memory_space<vmem>> -> memref<128x32xf32, #tpu.memory_space<vmem>>
    tpu.enqueue_dma source(%dma_start3A_570 : memref<128x32xf32, #tpu.memory_space<vmem>>) target(%dma_start3A_566 : memref<128x32xf32, #tpu.memory_space<hbm>>) target_semaphore(%arg8 : memref<!tpu.dma_semaphore, #tpu.memory_space<semaphore_mem>>)
    %add3A_571 = arith.constant 768 : i32
    %add3A_572 = arith.addi %mul3A_2, %add3A_571 : i32
    %dma_start3A_573 = arith.constant 6 : i32
    %dma_start3A_574 = arith.constant 0 : i32
    %dma_start3A_575 = arith.constant 0 : i32
    %dma_start3A_576 = tpu.memref_slice %arg6[%dma_start3A_573, %dma_start3A_574, %dma_start3A_575] : memref<20x128x32xf32, #tpu.memory_space<vmem>> -> memref<1x128x32xf32, #tpu.memory_space<vmem>>
    %dma_start3A_577 = tpu.memref_squeeze %dma_start3A_576 : memref<1x128x32xf32, #tpu.memory_space<vmem>> -> memref<128x32xf32, #tpu.memory_space<vmem>>
    %dma_start3A_578 = arith.constant 0 : i32
    %dma_start3A_579 = tpu.memref_slice %arg4[%add3A_572, %dma_start3A_578] : memref<81920x128xf32, #tpu.memory_space<hbm>> -> memref<128x32xf32, #tpu.memory_space<hbm>>
    %dma_start3A_580 = arith.constant 0 : i32
    %dma_start3A_581 = tpu.memref_slice %arg4[%add3A_572, %dma_start3A_580] : memref<81920x128xf32, #tpu.memory_space<hbm>> -> memref<128x32xf32, #tpu.memory_space<hbm>>
    %dma_start3A_582 = arith.constant 0 : i32
    %dma_start3A_583 = arith.constant 0 : i32
    %dma_start3A_584 = tpu.memref_slice %arg6[%dma_start3A_573, %dma_start3A_582, %dma_start3A_583] : memref<20x128x32xf32, #tpu.memory_space<vmem>> -> memref<1x128x32xf32, #tpu.memory_space<vmem>>
    %dma_start3A_585 = tpu.memref_squeeze %dma_start3A_584 : memref<1x128x32xf32, #tpu.memory_space<vmem>> -> memref<128x32xf32, #tpu.memory_space<vmem>>
    tpu.enqueue_dma source(%dma_start3A_585 : memref<128x32xf32, #tpu.memory_space<vmem>>) target(%dma_start3A_581 : memref<128x32xf32, #tpu.memory_space<hbm>>) target_semaphore(%arg8 : memref<!tpu.dma_semaphore, #tpu.memory_space<semaphore_mem>>)
    %add3A_586 = arith.constant 896 : i32
    %add3A_587 = arith.addi %mul3A_2, %add3A_586 : i32
    %dma_start3A_588 = arith.constant 7 : i32
    %dma_start3A_589 = arith.constant 0 : i32
    %dma_start3A_590 = arith.constant 0 : i32
    %dma_start3A_591 = tpu.memref_slice %arg6[%dma_start3A_588, %dma_start3A_589, %dma_start3A_590] : memref<20x128x32xf32, #tpu.memory_space<vmem>> -> memref<1x128x32xf32, #tpu.memory_space<vmem>>
    %dma_start3A_592 = tpu.memref_squeeze %dma_start3A_591 : memref<1x128x32xf32, #tpu.memory_space<vmem>> -> memref<128x32xf32, #tpu.memory_space<vmem>>
    %dma_start3A_593 = arith.constant 0 : i32
    %dma_start3A_594 = tpu.memref_slice %arg4[%add3A_587, %dma_start3A_593] : memref<81920x128xf32, #tpu.memory_space<hbm>> -> memref<128x32xf32, #tpu.memory_space<hbm>>
    %dma_start3A_595 = arith.constant 0 : i32
    %dma_start3A_596 = tpu.memref_slice %arg4[%add3A_587, %dma_start3A_595] : memref<81920x128xf32, #tpu.memory_space<hbm>> -> memref<128x32xf32, #tpu.memory_space<hbm>>
    %dma_start3A_597 = arith.constant 0 : i32
    %dma_start3A_598 = arith.constant 0 : i32
    %dma_start3A_599 = tpu.memref_slice %arg6[%dma_start3A_588, %dma_start3A_597, %dma_start3A_598] : memref<20x128x32xf32, #tpu.memory_space<vmem>> -> memref<1x128x32xf32, #tpu.memory_space<vmem>>
    %dma_start3A_600 = tpu.memref_squeeze %dma_start3A_599 : memref<1x128x32xf32, #tpu.memory_space<vmem>> -> memref<128x32xf32, #tpu.memory_space<vmem>>
    tpu.enqueue_dma source(%dma_start3A_600 : memref<128x32xf32, #tpu.memory_space<vmem>>) target(%dma_start3A_596 : memref<128x32xf32, #tpu.memory_space<hbm>>) target_semaphore(%arg8 : memref<!tpu.dma_semaphore, #tpu.memory_space<semaphore_mem>>)
    %add3A_601 = arith.constant 1024 : i32
    %add3A_602 = arith.addi %mul3A_2, %add3A_601 : i32
    %dma_start3A_603 = arith.constant 8 : i32
    %dma_start3A_604 = arith.constant 0 : i32
    %dma_start3A_605 = arith.constant 0 : i32
    %dma_start3A_606 = tpu.memref_slice %arg6[%dma_start3A_603, %dma_start3A_604, %dma_start3A_605] : memref<20x128x32xf32, #tpu.memory_space<vmem>> -> memref<1x128x32xf32, #tpu.memory_space<vmem>>
    %dma_start3A_607 = tpu.memref_squeeze %dma_start3A_606 : memref<1x128x32xf32, #tpu.memory_space<vmem>> -> memref<128x32xf32, #tpu.memory_space<vmem>>
    %dma_start3A_608 = arith.constant 0 : i32
    %dma_start3A_609 = tpu.memref_slice %arg4[%add3A_602, %dma_start3A_608] : memref<81920x128xf32, #tpu.memory_space<hbm>> -> memref<128x32xf32, #tpu.memory_space<hbm>>
    %dma_start3A_610 = arith.constant 0 : i32
    %dma_start3A_611 = tpu.memref_slice %arg4[%add3A_602, %dma_start3A_610] : memref<81920x128xf32, #tpu.memory_space<hbm>> -> memref<128x32xf32, #tpu.memory_space<hbm>>
    %dma_start3A_612 = arith.constant 0 : i32
    %dma_start3A_613 = arith.constant 0 : i32
    %dma_start3A_614 = tpu.memref_slice %arg6[%dma_start3A_603, %dma_start3A_612, %dma_start3A_613] : memref<20x128x32xf32, #tpu.memory_space<vmem>> -> memref<1x128x32xf32, #tpu.memory_space<vmem>>
    %dma_start3A_615 = tpu.memref_squeeze %dma_start3A_614 : memref<1x128x32xf32, #tpu.memory_space<vmem>> -> memref<128x32xf32, #tpu.memory_space<vmem>>
    tpu.enqueue_dma source(%dma_start3A_615 : memref<128x32xf32, #tpu.memory_space<vmem>>) target(%dma_start3A_611 : memref<128x32xf32, #tpu.memory_space<hbm>>) target_semaphore(%arg8 : memref<!tpu.dma_semaphore, #tpu.memory_space<semaphore_mem>>)
    %add3A_616 = arith.constant 1152 : i32
    %add3A_617 = arith.addi %mul3A_2, %add3A_616 : i32
    %dma_start3A_618 = arith.constant 9 : i32
    %dma_start3A_619 = arith.constant 0 : i32
    %dma_start3A_620 = arith.constant 0 : i32
    %dma_start3A_621 = tpu.memref_slice %arg6[%dma_start3A_618, %dma_start3A_619, %dma_start3A_620] : memref<20x128x32xf32, #tpu.memory_space<vmem>> -> memref<1x128x32xf32, #tpu.memory_space<vmem>>
    %dma_start3A_622 = tpu.memref_squeeze %dma_start3A_621 : memref<1x128x32xf32, #tpu.memory_space<vmem>> -> memref<128x32xf32, #tpu.memory_space<vmem>>
    %dma_start3A_623 = arith.constant 0 : i32
    %dma_start3A_624 = tpu.memref_slice %arg4[%add3A_617, %dma_start3A_623] : memref<81920x128xf32, #tpu.memory_space<hbm>> -> memref<128x32xf32, #tpu.memory_space<hbm>>
    %dma_start3A_625 = arith.constant 0 : i32
    %dma_start3A_626 = tpu.memref_slice %arg4[%add3A_617, %dma_start3A_625] : memref<81920x128xf32, #tpu.memory_space<hbm>> -> memref<128x32xf32, #tpu.memory_space<hbm>>
    %dma_start3A_627 = arith.constant 0 : i32
    %dma_start3A_628 = arith.constant 0 : i32
    %dma_start3A_629 = tpu.memref_slice %arg6[%dma_start3A_618, %dma_start3A_627, %dma_start3A_628] : memref<20x128x32xf32, #tpu.memory_space<vmem>> -> memref<1x128x32xf32, #tpu.memory_space<vmem>>
    %dma_start3A_630 = tpu.memref_squeeze %dma_start3A_629 : memref<1x128x32xf32, #tpu.memory_space<vmem>> -> memref<128x32xf32, #tpu.memory_space<vmem>>
    tpu.enqueue_dma source(%dma_start3A_630 : memref<128x32xf32, #tpu.memory_space<vmem>>) target(%dma_start3A_626 : memref<128x32xf32, #tpu.memory_space<hbm>>) target_semaphore(%arg8 : memref<!tpu.dma_semaphore, #tpu.memory_space<semaphore_mem>>)
    %add3A_631 = arith.constant 1280 : i32
    %add3A_632 = arith.addi %mul3A_2, %add3A_631 : i32
    %dma_start3A_633 = arith.constant 10 : i32
    %dma_start3A_634 = arith.constant 0 : i32
    %dma_start3A_635 = arith.constant 0 : i32
    %dma_start3A_636 = tpu.memref_slice %arg6[%dma_start3A_633, %dma_start3A_634, %dma_start3A_635] : memref<20x128x32xf32, #tpu.memory_space<vmem>> -> memref<1x128x32xf32, #tpu.memory_space<vmem>>
    %dma_start3A_637 = tpu.memref_squeeze %dma_start3A_636 : memref<1x128x32xf32, #tpu.memory_space<vmem>> -> memref<128x32xf32, #tpu.memory_space<vmem>>
    %dma_start3A_638 = arith.constant 0 : i32
    %dma_start3A_639 = tpu.memref_slice %arg4[%add3A_632, %dma_start3A_638] : memref<81920x128xf32, #tpu.memory_space<hbm>> -> memref<128x32xf32, #tpu.memory_space<hbm>>
    %dma_start3A_640 = arith.constant 0 : i32
    %dma_start3A_641 = tpu.memref_slice %arg4[%add3A_632, %dma_start3A_640] : memref<81920x128xf32, #tpu.memory_space<hbm>> -> memref<128x32xf32, #tpu.memory_space<hbm>>
    %dma_start3A_642 = arith.constant 0 : i32
    %dma_start3A_643 = arith.constant 0 : i32
    %dma_start3A_644 = tpu.memref_slice %arg6[%dma_start3A_633, %dma_start3A_642, %dma_start3A_643] : memref<20x128x32xf32, #tpu.memory_space<vmem>> -> memref<1x128x32xf32, #tpu.memory_space<vmem>>
    %dma_start3A_645 = tpu.memref_squeeze %dma_start3A_644 : memref<1x128x32xf32, #tpu.memory_space<vmem>> -> memref<128x32xf32, #tpu.memory_space<vmem>>
    tpu.enqueue_dma source(%dma_start3A_645 : memref<128x32xf32, #tpu.memory_space<vmem>>) target(%dma_start3A_641 : memref<128x32xf32, #tpu.memory_space<hbm>>) target_semaphore(%arg8 : memref<!tpu.dma_semaphore, #tpu.memory_space<semaphore_mem>>)
    %add3A_646 = arith.constant 1408 : i32
    %add3A_647 = arith.addi %mul3A_2, %add3A_646 : i32
    %dma_start3A_648 = arith.constant 11 : i32
    %dma_start3A_649 = arith.constant 0 : i32
    %dma_start3A_650 = arith.constant 0 : i32
    %dma_start3A_651 = tpu.memref_slice %arg6[%dma_start3A_648, %dma_start3A_649, %dma_start3A_650] : memref<20x128x32xf32, #tpu.memory_space<vmem>> -> memref<1x128x32xf32, #tpu.memory_space<vmem>>
    %dma_start3A_652 = tpu.memref_squeeze %dma_start3A_651 : memref<1x128x32xf32, #tpu.memory_space<vmem>> -> memref<128x32xf32, #tpu.memory_space<vmem>>
    %dma_start3A_653 = arith.constant 0 : i32
    %dma_start3A_654 = tpu.memref_slice %arg4[%add3A_647, %dma_start3A_653] : memref<81920x128xf32, #tpu.memory_space<hbm>> -> memref<128x32xf32, #tpu.memory_space<hbm>>
    %dma_start3A_655 = arith.constant 0 : i32
    %dma_start3A_656 = tpu.memref_slice %arg4[%add3A_647, %dma_start3A_655] : memref<81920x128xf32, #tpu.memory_space<hbm>> -> memref<128x32xf32, #tpu.memory_space<hbm>>
    %dma_start3A_657 = arith.constant 0 : i32
    %dma_start3A_658 = arith.constant 0 : i32
    %dma_start3A_659 = tpu.memref_slice %arg6[%dma_start3A_648, %dma_start3A_657, %dma_start3A_658] : memref<20x128x32xf32, #tpu.memory_space<vmem>> -> memref<1x128x32xf32, #tpu.memory_space<vmem>>
    %dma_start3A_660 = tpu.memref_squeeze %dma_start3A_659 : memref<1x128x32xf32, #tpu.memory_space<vmem>> -> memref<128x32xf32, #tpu.memory_space<vmem>>
    tpu.enqueue_dma source(%dma_start3A_660 : memref<128x32xf32, #tpu.memory_space<vmem>>) target(%dma_start3A_656 : memref<128x32xf32, #tpu.memory_space<hbm>>) target_semaphore(%arg8 : memref<!tpu.dma_semaphore, #tpu.memory_space<semaphore_mem>>)
    %add3A_661 = arith.constant 1536 : i32
    %add3A_662 = arith.addi %mul3A_2, %add3A_661 : i32
    %dma_start3A_663 = arith.constant 12 : i32
    %dma_start3A_664 = arith.constant 0 : i32
    %dma_start3A_665 = arith.constant 0 : i32
    %dma_start3A_666 = tpu.memref_slice %arg6[%dma_start3A_663, %dma_start3A_664, %dma_start3A_665] : memref<20x128x32xf32, #tpu.memory_space<vmem>> -> memref<1x128x32xf32, #tpu.memory_space<vmem>>
    %dma_start3A_667 = tpu.memref_squeeze %dma_start3A_666 : memref<1x128x32xf32, #tpu.memory_space<vmem>> -> memref<128x32xf32, #tpu.memory_space<vmem>>
    %dma_start3A_668 = arith.constant 0 : i32
    %dma_start3A_669 = tpu.memref_slice %arg4[%add3A_662, %dma_start3A_668] : memref<81920x128xf32, #tpu.memory_space<hbm>> -> memref<128x32xf32, #tpu.memory_space<hbm>>
    %dma_start3A_670 = arith.constant 0 : i32
    %dma_start3A_671 = tpu.memref_slice %arg4[%add3A_662, %dma_start3A_670] : memref<81920x128xf32, #tpu.memory_space<hbm>> -> memref<128x32xf32, #tpu.memory_space<hbm>>
    %dma_start3A_672 = arith.constant 0 : i32
    %dma_start3A_673 = arith.constant 0 : i32
    %dma_start3A_674 = tpu.memref_slice %arg6[%dma_start3A_663, %dma_start3A_672, %dma_start3A_673] : memref<20x128x32xf32, #tpu.memory_space<vmem>> -> memref<1x128x32xf32, #tpu.memory_space<vmem>>
    %dma_start3A_675 = tpu.memref_squeeze %dma_start3A_674 : memref<1x128x32xf32, #tpu.memory_space<vmem>> -> memref<128x32xf32, #tpu.memory_space<vmem>>
    tpu.enqueue_dma source(%dma_start3A_675 : memref<128x32xf32, #tpu.memory_space<vmem>>) target(%dma_start3A_671 : memref<128x32xf32, #tpu.memory_space<hbm>>) target_semaphore(%arg8 : memref<!tpu.dma_semaphore, #tpu.memory_space<semaphore_mem>>)
    %add3A_676 = arith.constant 1664 : i32
    %add3A_677 = arith.addi %mul3A_2, %add3A_676 : i32
    %dma_start3A_678 = arith.constant 13 : i32
    %dma_start3A_679 = arith.constant 0 : i32
    %dma_start3A_680 = arith.constant 0 : i32
    %dma_start3A_681 = tpu.memref_slice %arg6[%dma_start3A_678, %dma_start3A_679, %dma_start3A_680] : memref<20x128x32xf32, #tpu.memory_space<vmem>> -> memref<1x128x32xf32, #tpu.memory_space<vmem>>
    %dma_start3A_682 = tpu.memref_squeeze %dma_start3A_681 : memref<1x128x32xf32, #tpu.memory_space<vmem>> -> memref<128x32xf32, #tpu.memory_space<vmem>>
    %dma_start3A_683 = arith.constant 0 : i32
    %dma_start3A_684 = tpu.memref_slice %arg4[%add3A_677, %dma_start3A_683] : memref<81920x128xf32, #tpu.memory_space<hbm>> -> memref<128x32xf32, #tpu.memory_space<hbm>>
    %dma_start3A_685 = arith.constant 0 : i32
    %dma_start3A_686 = tpu.memref_slice %arg4[%add3A_677, %dma_start3A_685] : memref<81920x128xf32, #tpu.memory_space<hbm>> -> memref<128x32xf32, #tpu.memory_space<hbm>>
    %dma_start3A_687 = arith.constant 0 : i32
    %dma_start3A_688 = arith.constant 0 : i32
    %dma_start3A_689 = tpu.memref_slice %arg6[%dma_start3A_678, %dma_start3A_687, %dma_start3A_688] : memref<20x128x32xf32, #tpu.memory_space<vmem>> -> memref<1x128x32xf32, #tpu.memory_space<vmem>>
    %dma_start3A_690 = tpu.memref_squeeze %dma_start3A_689 : memref<1x128x32xf32, #tpu.memory_space<vmem>> -> memref<128x32xf32, #tpu.memory_space<vmem>>
    tpu.enqueue_dma source(%dma_start3A_690 : memref<128x32xf32, #tpu.memory_space<vmem>>) target(%dma_start3A_686 : memref<128x32xf32, #tpu.memory_space<hbm>>) target_semaphore(%arg8 : memref<!tpu.dma_semaphore, #tpu.memory_space<semaphore_mem>>)
    %add3A_691 = arith.constant 1792 : i32
    %add3A_692 = arith.addi %mul3A_2, %add3A_691 : i32
    %dma_start3A_693 = arith.constant 14 : i32
    %dma_start3A_694 = arith.constant 0 : i32
    %dma_start3A_695 = arith.constant 0 : i32
    %dma_start3A_696 = tpu.memref_slice %arg6[%dma_start3A_693, %dma_start3A_694, %dma_start3A_695] : memref<20x128x32xf32, #tpu.memory_space<vmem>> -> memref<1x128x32xf32, #tpu.memory_space<vmem>>
    %dma_start3A_697 = tpu.memref_squeeze %dma_start3A_696 : memref<1x128x32xf32, #tpu.memory_space<vmem>> -> memref<128x32xf32, #tpu.memory_space<vmem>>
    %dma_start3A_698 = arith.constant 0 : i32
    %dma_start3A_699 = tpu.memref_slice %arg4[%add3A_692, %dma_start3A_698] : memref<81920x128xf32, #tpu.memory_space<hbm>> -> memref<128x32xf32, #tpu.memory_space<hbm>>
    %dma_start3A_700 = arith.constant 0 : i32
    %dma_start3A_701 = tpu.memref_slice %arg4[%add3A_692, %dma_start3A_700] : memref<81920x128xf32, #tpu.memory_space<hbm>> -> memref<128x32xf32, #tpu.memory_space<hbm>>
    %dma_start3A_702 = arith.constant 0 : i32
    %dma_start3A_703 = arith.constant 0 : i32
    %dma_start3A_704 = tpu.memref_slice %arg6[%dma_start3A_693, %dma_start3A_702, %dma_start3A_703] : memref<20x128x32xf32, #tpu.memory_space<vmem>> -> memref<1x128x32xf32, #tpu.memory_space<vmem>>
    %dma_start3A_705 = tpu.memref_squeeze %dma_start3A_704 : memref<1x128x32xf32, #tpu.memory_space<vmem>> -> memref<128x32xf32, #tpu.memory_space<vmem>>
    tpu.enqueue_dma source(%dma_start3A_705 : memref<128x32xf32, #tpu.memory_space<vmem>>) target(%dma_start3A_701 : memref<128x32xf32, #tpu.memory_space<hbm>>) target_semaphore(%arg8 : memref<!tpu.dma_semaphore, #tpu.memory_space<semaphore_mem>>)
    %add3A_706 = arith.constant 1920 : i32
    %add3A_707 = arith.addi %mul3A_2, %add3A_706 : i32
    %dma_start3A_708 = arith.constant 15 : i32
    %dma_start3A_709 = arith.constant 0 : i32
    %dma_start3A_710 = arith.constant 0 : i32
    %dma_start3A_711 = tpu.memref_slice %arg6[%dma_start3A_708, %dma_start3A_709, %dma_start3A_710] : memref<20x128x32xf32, #tpu.memory_space<vmem>> -> memref<1x128x32xf32, #tpu.memory_space<vmem>>
    %dma_start3A_712 = tpu.memref_squeeze %dma_start3A_711 : memref<1x128x32xf32, #tpu.memory_space<vmem>> -> memref<128x32xf32, #tpu.memory_space<vmem>>
    %dma_start3A_713 = arith.constant 0 : i32
    %dma_start3A_714 = tpu.memref_slice %arg4[%add3A_707, %dma_start3A_713] : memref<81920x128xf32, #tpu.memory_space<hbm>> -> memref<128x32xf32, #tpu.memory_space<hbm>>
    %dma_start3A_715 = arith.constant 0 : i32
    %dma_start3A_716 = tpu.memref_slice %arg4[%add3A_707, %dma_start3A_715] : memref<81920x128xf32, #tpu.memory_space<hbm>> -> memref<128x32xf32, #tpu.memory_space<hbm>>
    %dma_start3A_717 = arith.constant 0 : i32
    %dma_start3A_718 = arith.constant 0 : i32
    %dma_start3A_719 = tpu.memref_slice %arg6[%dma_start3A_708, %dma_start3A_717, %dma_start3A_718] : memref<20x128x32xf32, #tpu.memory_space<vmem>> -> memref<1x128x32xf32, #tpu.memory_space<vmem>>
    %dma_start3A_720 = tpu.memref_squeeze %dma_start3A_719 : memref<1x128x32xf32, #tpu.memory_space<vmem>> -> memref<128x32xf32, #tpu.memory_space<vmem>>
    tpu.enqueue_dma source(%dma_start3A_720 : memref<128x32xf32, #tpu.memory_space<vmem>>) target(%dma_start3A_716 : memref<128x32xf32, #tpu.memory_space<hbm>>) target_semaphore(%arg8 : memref<!tpu.dma_semaphore, #tpu.memory_space<semaphore_mem>>)
    %add3A_721 = arith.constant 2048 : i32
    %add3A_722 = arith.addi %mul3A_2, %add3A_721 : i32
    %dma_start3A_723 = arith.constant 16 : i32
    %dma_start3A_724 = arith.constant 0 : i32
    %dma_start3A_725 = arith.constant 0 : i32
    %dma_start3A_726 = tpu.memref_slice %arg6[%dma_start3A_723, %dma_start3A_724, %dma_start3A_725] : memref<20x128x32xf32, #tpu.memory_space<vmem>> -> memref<1x128x32xf32, #tpu.memory_space<vmem>>
    %dma_start3A_727 = tpu.memref_squeeze %dma_start3A_726 : memref<1x128x32xf32, #tpu.memory_space<vmem>> -> memref<128x32xf32, #tpu.memory_space<vmem>>
    %dma_start3A_728 = arith.constant 0 : i32
    %dma_start3A_729 = tpu.memref_slice %arg4[%add3A_722, %dma_start3A_728] : memref<81920x128xf32, #tpu.memory_space<hbm>> -> memref<128x32xf32, #tpu.memory_space<hbm>>
    %dma_start3A_730 = arith.constant 0 : i32
    %dma_start3A_731 = tpu.memref_slice %arg4[%add3A_722, %dma_start3A_730] : memref<81920x128xf32, #tpu.memory_space<hbm>> -> memref<128x32xf32, #tpu.memory_space<hbm>>
    %dma_start3A_732 = arith.constant 0 : i32
    %dma_start3A_733 = arith.constant 0 : i32
    %dma_start3A_734 = tpu.memref_slice %arg6[%dma_start3A_723, %dma_start3A_732, %dma_start3A_733] : memref<20x128x32xf32, #tpu.memory_space<vmem>> -> memref<1x128x32xf32, #tpu.memory_space<vmem>>
    %dma_start3A_735 = tpu.memref_squeeze %dma_start3A_734 : memref<1x128x32xf32, #tpu.memory_space<vmem>> -> memref<128x32xf32, #tpu.memory_space<vmem>>
    tpu.enqueue_dma source(%dma_start3A_735 : memref<128x32xf32, #tpu.memory_space<vmem>>) target(%dma_start3A_731 : memref<128x32xf32, #tpu.memory_space<hbm>>) target_semaphore(%arg8 : memref<!tpu.dma_semaphore, #tpu.memory_space<semaphore_mem>>)
    %add3A_736 = arith.constant 2176 : i32
    %add3A_737 = arith.addi %mul3A_2, %add3A_736 : i32
    %dma_start3A_738 = arith.constant 17 : i32
    %dma_start3A_739 = arith.constant 0 : i32
    %dma_start3A_740 = arith.constant 0 : i32
    %dma_start3A_741 = tpu.memref_slice %arg6[%dma_start3A_738, %dma_start3A_739, %dma_start3A_740] : memref<20x128x32xf32, #tpu.memory_space<vmem>> -> memref<1x128x32xf32, #tpu.memory_space<vmem>>
    %dma_start3A_742 = tpu.memref_squeeze %dma_start3A_741 : memref<1x128x32xf32, #tpu.memory_space<vmem>> -> memref<128x32xf32, #tpu.memory_space<vmem>>
    %dma_start3A_743 = arith.constant 0 : i32
    %dma_start3A_744 = tpu.memref_slice %arg4[%add3A_737, %dma_start3A_743] : memref<81920x128xf32, #tpu.memory_space<hbm>> -> memref<128x32xf32, #tpu.memory_space<hbm>>
    %dma_start3A_745 = arith.constant 0 : i32
    %dma_start3A_746 = tpu.memref_slice %arg4[%add3A_737, %dma_start3A_745] : memref<81920x128xf32, #tpu.memory_space<hbm>> -> memref<128x32xf32, #tpu.memory_space<hbm>>
    %dma_start3A_747 = arith.constant 0 : i32
    %dma_start3A_748 = arith.constant 0 : i32
    %dma_start3A_749 = tpu.memref_slice %arg6[%dma_start3A_738, %dma_start3A_747, %dma_start3A_748] : memref<20x128x32xf32, #tpu.memory_space<vmem>> -> memref<1x128x32xf32, #tpu.memory_space<vmem>>
    %dma_start3A_750 = tpu.memref_squeeze %dma_start3A_749 : memref<1x128x32xf32, #tpu.memory_space<vmem>> -> memref<128x32xf32, #tpu.memory_space<vmem>>
    tpu.enqueue_dma source(%dma_start3A_750 : memref<128x32xf32, #tpu.memory_space<vmem>>) target(%dma_start3A_746 : memref<128x32xf32, #tpu.memory_space<hbm>>) target_semaphore(%arg8 : memref<!tpu.dma_semaphore, #tpu.memory_space<semaphore_mem>>)
    %add3A_751 = arith.constant 2304 : i32
    %add3A_752 = arith.addi %mul3A_2, %add3A_751 : i32
    %dma_start3A_753 = arith.constant 18 : i32
    %dma_start3A_754 = arith.constant 0 : i32
    %dma_start3A_755 = arith.constant 0 : i32
    %dma_start3A_756 = tpu.memref_slice %arg6[%dma_start3A_753, %dma_start3A_754, %dma_start3A_755] : memref<20x128x32xf32, #tpu.memory_space<vmem>> -> memref<1x128x32xf32, #tpu.memory_space<vmem>>
    %dma_start3A_757 = tpu.memref_squeeze %dma_start3A_756 : memref<1x128x32xf32, #tpu.memory_space<vmem>> -> memref<128x32xf32, #tpu.memory_space<vmem>>
    %dma_start3A_758 = arith.constant 0 : i32
    %dma_start3A_759 = tpu.memref_slice %arg4[%add3A_752, %dma_start3A_758] : memref<81920x128xf32, #tpu.memory_space<hbm>> -> memref<128x32xf32, #tpu.memory_space<hbm>>
    %dma_start3A_760 = arith.constant 0 : i32
    %dma_start3A_761 = tpu.memref_slice %arg4[%add3A_752, %dma_start3A_760] : memref<81920x128xf32, #tpu.memory_space<hbm>> -> memref<128x32xf32, #tpu.memory_space<hbm>>
    %dma_start3A_762 = arith.constant 0 : i32
    %dma_start3A_763 = arith.constant 0 : i32
    %dma_start3A_764 = tpu.memref_slice %arg6[%dma_start3A_753, %dma_start3A_762, %dma_start3A_763] : memref<20x128x32xf32, #tpu.memory_space<vmem>> -> memref<1x128x32xf32, #tpu.memory_space<vmem>>
    %dma_start3A_765 = tpu.memref_squeeze %dma_start3A_764 : memref<1x128x32xf32, #tpu.memory_space<vmem>> -> memref<128x32xf32, #tpu.memory_space<vmem>>
    tpu.enqueue_dma source(%dma_start3A_765 : memref<128x32xf32, #tpu.memory_space<vmem>>) target(%dma_start3A_761 : memref<128x32xf32, #tpu.memory_space<hbm>>) target_semaphore(%arg8 : memref<!tpu.dma_semaphore, #tpu.memory_space<semaphore_mem>>)
    %add3A_766 = arith.constant 2432 : i32
    %add3A_767 = arith.addi %mul3A_2, %add3A_766 : i32
    %dma_start3A_768 = arith.constant 19 : i32
    %dma_start3A_769 = arith.constant 0 : i32
    %dma_start3A_770 = arith.constant 0 : i32
    %dma_start3A_771 = tpu.memref_slice %arg6[%dma_start3A_768, %dma_start3A_769, %dma_start3A_770] : memref<20x128x32xf32, #tpu.memory_space<vmem>> -> memref<1x128x32xf32, #tpu.memory_space<vmem>>
    %dma_start3A_772 = tpu.memref_squeeze %dma_start3A_771 : memref<1x128x32xf32, #tpu.memory_space<vmem>> -> memref<128x32xf32, #tpu.memory_space<vmem>>
    %dma_start3A_773 = arith.constant 0 : i32
    %dma_start3A_774 = tpu.memref_slice %arg4[%add3A_767, %dma_start3A_773] : memref<81920x128xf32, #tpu.memory_space<hbm>> -> memref<128x32xf32, #tpu.memory_space<hbm>>
    %dma_start3A_775 = arith.constant 0 : i32
    %dma_start3A_776 = tpu.memref_slice %arg4[%add3A_767, %dma_start3A_775] : memref<81920x128xf32, #tpu.memory_space<hbm>> -> memref<128x32xf32, #tpu.memory_space<hbm>>
    %dma_start3A_777 = arith.constant 0 : i32
    %dma_start3A_778 = arith.constant 0 : i32
    %dma_start3A_779 = tpu.memref_slice %arg6[%dma_start3A_768, %dma_start3A_777, %dma_start3A_778] : memref<20x128x32xf32, #tpu.memory_space<vmem>> -> memref<1x128x32xf32, #tpu.memory_space<vmem>>
    %dma_start3A_780 = tpu.memref_squeeze %dma_start3A_779 : memref<1x128x32xf32, #tpu.memory_space<vmem>> -> memref<128x32xf32, #tpu.memory_space<vmem>>
    tpu.enqueue_dma source(%dma_start3A_780 : memref<128x32xf32, #tpu.memory_space<vmem>>) target(%dma_start3A_776 : memref<128x32xf32, #tpu.memory_space<hbm>>) target_semaphore(%arg8 : memref<!tpu.dma_semaphore, #tpu.memory_space<semaphore_mem>>)
    %dma_wait3A_781 = arith.constant 0 : i32
    %dma_wait3A_782 = arith.constant 0 : i32
    %dma_wait3A_783 = arith.constant 0 : i32
    %dma_wait3A_784 = tpu.memref_slice %arg6[%dma_wait3A_781, %dma_wait3A_782, %dma_wait3A_783] : memref<20x128x32xf32, #tpu.memory_space<vmem>> -> memref<1x128x32xf32, #tpu.memory_space<vmem>>
    %dma_wait3A_785 = tpu.memref_squeeze %dma_wait3A_784 : memref<1x128x32xf32, #tpu.memory_space<vmem>> -> memref<128x32xf32, #tpu.memory_space<vmem>>
    %dma_wait3A_786 = arith.constant 0 : i32
    %dma_wait3A_787 = tpu.memref_slice %arg4[%add3A_482, %dma_wait3A_786] : memref<81920x128xf32, #tpu.memory_space<hbm>> -> memref<128x32xf32, #tpu.memory_space<hbm>>
    %dma_wait3A_788 = arith.constant 0 : i32
    %dma_wait3A_789 = tpu.memref_slice %arg4[%add3A_482, %dma_wait3A_788] : memref<81920x128xf32, #tpu.memory_space<hbm>> -> memref<128x32xf32, #tpu.memory_space<hbm>>
    %dma_wait3A_790 = arith.constant 0 : i32
    %dma_wait3A_791 = arith.constant 0 : i32
    %dma_wait3A_792 = tpu.memref_slice %arg6[%dma_wait3A_781, %dma_wait3A_790, %dma_wait3A_791] : memref<20x128x32xf32, #tpu.memory_space<vmem>> -> memref<1x128x32xf32, #tpu.memory_space<vmem>>
    %dma_wait3A_793 = tpu.memref_squeeze %dma_wait3A_792 : memref<1x128x32xf32, #tpu.memory_space<vmem>> -> memref<128x32xf32, #tpu.memory_space<vmem>>
    tpu.wait_dma2 semaphore(%arg8 : memref<!tpu.dma_semaphore, #tpu.memory_space<semaphore_mem>>) src(%dma_wait3A_793 : memref<128x32xf32, #tpu.memory_space<vmem>>) dst(%dma_wait3A_789 : memref<128x32xf32, #tpu.memory_space<hbm>>)
    %dma_wait3A_794 = arith.constant 1 : i32
    %dma_wait3A_795 = arith.constant 0 : i32
    %dma_wait3A_796 = arith.constant 0 : i32
    %dma_wait3A_797 = tpu.memref_slice %arg6[%dma_wait3A_794, %dma_wait3A_795, %dma_wait3A_796] : memref<20x128x32xf32, #tpu.memory_space<vmem>> -> memref<1x128x32xf32, #tpu.memory_space<vmem>>
    %dma_wait3A_798 = tpu.memref_squeeze %dma_wait3A_797 : memref<1x128x32xf32, #tpu.memory_space<vmem>> -> memref<128x32xf32, #tpu.memory_space<vmem>>
    %dma_wait3A_799 = arith.constant 0 : i32
    %dma_wait3A_800 = tpu.memref_slice %arg4[%add3A_497, %dma_wait3A_799] : memref<81920x128xf32, #tpu.memory_space<hbm>> -> memref<128x32xf32, #tpu.memory_space<hbm>>
    %dma_wait3A_801 = arith.constant 0 : i32
    %dma_wait3A_802 = tpu.memref_slice %arg4[%add3A_497, %dma_wait3A_801] : memref<81920x128xf32, #tpu.memory_space<hbm>> -> memref<128x32xf32, #tpu.memory_space<hbm>>
    %dma_wait3A_803 = arith.constant 0 : i32
    %dma_wait3A_804 = arith.constant 0 : i32
    %dma_wait3A_805 = tpu.memref_slice %arg6[%dma_wait3A_794, %dma_wait3A_803, %dma_wait3A_804] : memref<20x128x32xf32, #tpu.memory_space<vmem>> -> memref<1x128x32xf32, #tpu.memory_space<vmem>>
    %dma_wait3A_806 = tpu.memref_squeeze %dma_wait3A_805 : memref<1x128x32xf32, #tpu.memory_space<vmem>> -> memref<128x32xf32, #tpu.memory_space<vmem>>
    tpu.wait_dma2 semaphore(%arg8 : memref<!tpu.dma_semaphore, #tpu.memory_space<semaphore_mem>>) src(%dma_wait3A_806 : memref<128x32xf32, #tpu.memory_space<vmem>>) dst(%dma_wait3A_802 : memref<128x32xf32, #tpu.memory_space<hbm>>)
    %dma_wait3A_807 = arith.constant 2 : i32
    %dma_wait3A_808 = arith.constant 0 : i32
    %dma_wait3A_809 = arith.constant 0 : i32
    %dma_wait3A_810 = tpu.memref_slice %arg6[%dma_wait3A_807, %dma_wait3A_808, %dma_wait3A_809] : memref<20x128x32xf32, #tpu.memory_space<vmem>> -> memref<1x128x32xf32, #tpu.memory_space<vmem>>
    %dma_wait3A_811 = tpu.memref_squeeze %dma_wait3A_810 : memref<1x128x32xf32, #tpu.memory_space<vmem>> -> memref<128x32xf32, #tpu.memory_space<vmem>>
    %dma_wait3A_812 = arith.constant 0 : i32
    %dma_wait3A_813 = tpu.memref_slice %arg4[%add3A_512, %dma_wait3A_812] : memref<81920x128xf32, #tpu.memory_space<hbm>> -> memref<128x32xf32, #tpu.memory_space<hbm>>
    %dma_wait3A_814 = arith.constant 0 : i32
    %dma_wait3A_815 = tpu.memref_slice %arg4[%add3A_512, %dma_wait3A_814] : memref<81920x128xf32, #tpu.memory_space<hbm>> -> memref<128x32xf32, #tpu.memory_space<hbm>>
    %dma_wait3A_816 = arith.constant 0 : i32
    %dma_wait3A_817 = arith.constant 0 : i32
    %dma_wait3A_818 = tpu.memref_slice %arg6[%dma_wait3A_807, %dma_wait3A_816, %dma_wait3A_817] : memref<20x128x32xf32, #tpu.memory_space<vmem>> -> memref<1x128x32xf32, #tpu.memory_space<vmem>>
    %dma_wait3A_819 = tpu.memref_squeeze %dma_wait3A_818 : memref<1x128x32xf32, #tpu.memory_space<vmem>> -> memref<128x32xf32, #tpu.memory_space<vmem>>
    tpu.wait_dma2 semaphore(%arg8 : memref<!tpu.dma_semaphore, #tpu.memory_space<semaphore_mem>>) src(%dma_wait3A_819 : memref<128x32xf32, #tpu.memory_space<vmem>>) dst(%dma_wait3A_815 : memref<128x32xf32, #tpu.memory_space<hbm>>)
    %dma_wait3A_820 = arith.constant 3 : i32
    %dma_wait3A_821 = arith.constant 0 : i32
    %dma_wait3A_822 = arith.constant 0 : i32
    %dma_wait3A_823 = tpu.memref_slice %arg6[%dma_wait3A_820, %dma_wait3A_821, %dma_wait3A_822] : memref<20x128x32xf32, #tpu.memory_space<vmem>> -> memref<1x128x32xf32, #tpu.memory_space<vmem>>
    %dma_wait3A_824 = tpu.memref_squeeze %dma_wait3A_823 : memref<1x128x32xf32, #tpu.memory_space<vmem>> -> memref<128x32xf32, #tpu.memory_space<vmem>>
    %dma_wait3A_825 = arith.constant 0 : i32
    %dma_wait3A_826 = tpu.memref_slice %arg4[%add3A_527, %dma_wait3A_825] : memref<81920x128xf32, #tpu.memory_space<hbm>> -> memref<128x32xf32, #tpu.memory_space<hbm>>
    %dma_wait3A_827 = arith.constant 0 : i32
    %dma_wait3A_828 = tpu.memref_slice %arg4[%add3A_527, %dma_wait3A_827] : memref<81920x128xf32, #tpu.memory_space<hbm>> -> memref<128x32xf32, #tpu.memory_space<hbm>>
    %dma_wait3A_829 = arith.constant 0 : i32
    %dma_wait3A_830 = arith.constant 0 : i32
    %dma_wait3A_831 = tpu.memref_slice %arg6[%dma_wait3A_820, %dma_wait3A_829, %dma_wait3A_830] : memref<20x128x32xf32, #tpu.memory_space<vmem>> -> memref<1x128x32xf32, #tpu.memory_space<vmem>>
    %dma_wait3A_832 = tpu.memref_squeeze %dma_wait3A_831 : memref<1x128x32xf32, #tpu.memory_space<vmem>> -> memref<128x32xf32, #tpu.memory_space<vmem>>
    tpu.wait_dma2 semaphore(%arg8 : memref<!tpu.dma_semaphore, #tpu.memory_space<semaphore_mem>>) src(%dma_wait3A_832 : memref<128x32xf32, #tpu.memory_space<vmem>>) dst(%dma_wait3A_828 : memref<128x32xf32, #tpu.memory_space<hbm>>)
    %dma_wait3A_833 = arith.constant 4 : i32
    %dma_wait3A_834 = arith.constant 0 : i32
    %dma_wait3A_835 = arith.constant 0 : i32
    %dma_wait3A_836 = tpu.memref_slice %arg6[%dma_wait3A_833, %dma_wait3A_834, %dma_wait3A_835] : memref<20x128x32xf32, #tpu.memory_space<vmem>> -> memref<1x128x32xf32, #tpu.memory_space<vmem>>
    %dma_wait3A_837 = tpu.memref_squeeze %dma_wait3A_836 : memref<1x128x32xf32, #tpu.memory_space<vmem>> -> memref<128x32xf32, #tpu.memory_space<vmem>>
    %dma_wait3A_838 = arith.constant 0 : i32
    %dma_wait3A_839 = tpu.memref_slice %arg4[%add3A_542, %dma_wait3A_838] : memref<81920x128xf32, #tpu.memory_space<hbm>> -> memref<128x32xf32, #tpu.memory_space<hbm>>
    %dma_wait3A_840 = arith.constant 0 : i32
    %dma_wait3A_841 = tpu.memref_slice %arg4[%add3A_542, %dma_wait3A_840] : memref<81920x128xf32, #tpu.memory_space<hbm>> -> memref<128x32xf32, #tpu.memory_space<hbm>>
    %dma_wait3A_842 = arith.constant 0 : i32
    %dma_wait3A_843 = arith.constant 0 : i32
    %dma_wait3A_844 = tpu.memref_slice %arg6[%dma_wait3A_833, %dma_wait3A_842, %dma_wait3A_843] : memref<20x128x32xf32, #tpu.memory_space<vmem>> -> memref<1x128x32xf32, #tpu.memory_space<vmem>>
    %dma_wait3A_845 = tpu.memref_squeeze %dma_wait3A_844 : memref<1x128x32xf32, #tpu.memory_space<vmem>> -> memref<128x32xf32, #tpu.memory_space<vmem>>
    tpu.wait_dma2 semaphore(%arg8 : memref<!tpu.dma_semaphore, #tpu.memory_space<semaphore_mem>>) src(%dma_wait3A_845 : memref<128x32xf32, #tpu.memory_space<vmem>>) dst(%dma_wait3A_841 : memref<128x32xf32, #tpu.memory_space<hbm>>)
    %dma_wait3A_846 = arith.constant 5 : i32
    %dma_wait3A_847 = arith.constant 0 : i32
    %dma_wait3A_848 = arith.constant 0 : i32
    %dma_wait3A_849 = tpu.memref_slice %arg6[%dma_wait3A_846, %dma_wait3A_847, %dma_wait3A_848] : memref<20x128x32xf32, #tpu.memory_space<vmem>> -> memref<1x128x32xf32, #tpu.memory_space<vmem>>
    %dma_wait3A_850 = tpu.memref_squeeze %dma_wait3A_849 : memref<1x128x32xf32, #tpu.memory_space<vmem>> -> memref<128x32xf32, #tpu.memory_space<vmem>>
    %dma_wait3A_851 = arith.constant 0 : i32
    %dma_wait3A_852 = tpu.memref_slice %arg4[%add3A_557, %dma_wait3A_851] : memref<81920x128xf32, #tpu.memory_space<hbm>> -> memref<128x32xf32, #tpu.memory_space<hbm>>
    %dma_wait3A_853 = arith.constant 0 : i32
    %dma_wait3A_854 = tpu.memref_slice %arg4[%add3A_557, %dma_wait3A_853] : memref<81920x128xf32, #tpu.memory_space<hbm>> -> memref<128x32xf32, #tpu.memory_space<hbm>>
    %dma_wait3A_855 = arith.constant 0 : i32
    %dma_wait3A_856 = arith.constant 0 : i32
    %dma_wait3A_857 = tpu.memref_slice %arg6[%dma_wait3A_846, %dma_wait3A_855, %dma_wait3A_856] : memref<20x128x32xf32, #tpu.memory_space<vmem>> -> memref<1x128x32xf32, #tpu.memory_space<vmem>>
    %dma_wait3A_858 = tpu.memref_squeeze %dma_wait3A_857 : memref<1x128x32xf32, #tpu.memory_space<vmem>> -> memref<128x32xf32, #tpu.memory_space<vmem>>
    tpu.wait_dma2 semaphore(%arg8 : memref<!tpu.dma_semaphore, #tpu.memory_space<semaphore_mem>>) src(%dma_wait3A_858 : memref<128x32xf32, #tpu.memory_space<vmem>>) dst(%dma_wait3A_854 : memref<128x32xf32, #tpu.memory_space<hbm>>)
    %dma_wait3A_859 = arith.constant 6 : i32
    %dma_wait3A_860 = arith.constant 0 : i32
    %dma_wait3A_861 = arith.constant 0 : i32
    %dma_wait3A_862 = tpu.memref_slice %arg6[%dma_wait3A_859, %dma_wait3A_860, %dma_wait3A_861] : memref<20x128x32xf32, #tpu.memory_space<vmem>> -> memref<1x128x32xf32, #tpu.memory_space<vmem>>
    %dma_wait3A_863 = tpu.memref_squeeze %dma_wait3A_862 : memref<1x128x32xf32, #tpu.memory_space<vmem>> -> memref<128x32xf32, #tpu.memory_space<vmem>>
    %dma_wait3A_864 = arith.constant 0 : i32
    %dma_wait3A_865 = tpu.memref_slice %arg4[%add3A_572, %dma_wait3A_864] : memref<81920x128xf32, #tpu.memory_space<hbm>> -> memref<128x32xf32, #tpu.memory_space<hbm>>
    %dma_wait3A_866 = arith.constant 0 : i32
    %dma_wait3A_867 = tpu.memref_slice %arg4[%add3A_572, %dma_wait3A_866] : memref<81920x128xf32, #tpu.memory_space<hbm>> -> memref<128x32xf32, #tpu.memory_space<hbm>>
    %dma_wait3A_868 = arith.constant 0 : i32
    %dma_wait3A_869 = arith.constant 0 : i32
    %dma_wait3A_870 = tpu.memref_slice %arg6[%dma_wait3A_859, %dma_wait3A_868, %dma_wait3A_869] : memref<20x128x32xf32, #tpu.memory_space<vmem>> -> memref<1x128x32xf32, #tpu.memory_space<vmem>>
    %dma_wait3A_871 = tpu.memref_squeeze %dma_wait3A_870 : memref<1x128x32xf32, #tpu.memory_space<vmem>> -> memref<128x32xf32, #tpu.memory_space<vmem>>
    tpu.wait_dma2 semaphore(%arg8 : memref<!tpu.dma_semaphore, #tpu.memory_space<semaphore_mem>>) src(%dma_wait3A_871 : memref<128x32xf32, #tpu.memory_space<vmem>>) dst(%dma_wait3A_867 : memref<128x32xf32, #tpu.memory_space<hbm>>)
    %dma_wait3A_872 = arith.constant 7 : i32
    %dma_wait3A_873 = arith.constant 0 : i32
    %dma_wait3A_874 = arith.constant 0 : i32
    %dma_wait3A_875 = tpu.memref_slice %arg6[%dma_wait3A_872, %dma_wait3A_873, %dma_wait3A_874] : memref<20x128x32xf32, #tpu.memory_space<vmem>> -> memref<1x128x32xf32, #tpu.memory_space<vmem>>
    %dma_wait3A_876 = tpu.memref_squeeze %dma_wait3A_875 : memref<1x128x32xf32, #tpu.memory_space<vmem>> -> memref<128x32xf32, #tpu.memory_space<vmem>>
    %dma_wait3A_877 = arith.constant 0 : i32
    %dma_wait3A_878 = tpu.memref_slice %arg4[%add3A_587, %dma_wait3A_877] : memref<81920x128xf32, #tpu.memory_space<hbm>> -> memref<128x32xf32, #tpu.memory_space<hbm>>
    %dma_wait3A_879 = arith.constant 0 : i32
    %dma_wait3A_880 = tpu.memref_slice %arg4[%add3A_587, %dma_wait3A_879] : memref<81920x128xf32, #tpu.memory_space<hbm>> -> memref<128x32xf32, #tpu.memory_space<hbm>>
    %dma_wait3A_881 = arith.constant 0 : i32
    %dma_wait3A_882 = arith.constant 0 : i32
    %dma_wait3A_883 = tpu.memref_slice %arg6[%dma_wait3A_872, %dma_wait3A_881, %dma_wait3A_882] : memref<20x128x32xf32, #tpu.memory_space<vmem>> -> memref<1x128x32xf32, #tpu.memory_space<vmem>>
    %dma_wait3A_884 = tpu.memref_squeeze %dma_wait3A_883 : memref<1x128x32xf32, #tpu.memory_space<vmem>> -> memref<128x32xf32, #tpu.memory_space<vmem>>
    tpu.wait_dma2 semaphore(%arg8 : memref<!tpu.dma_semaphore, #tpu.memory_space<semaphore_mem>>) src(%dma_wait3A_884 : memref<128x32xf32, #tpu.memory_space<vmem>>) dst(%dma_wait3A_880 : memref<128x32xf32, #tpu.memory_space<hbm>>)
    %dma_wait3A_885 = arith.constant 8 : i32
    %dma_wait3A_886 = arith.constant 0 : i32
    %dma_wait3A_887 = arith.constant 0 : i32
    %dma_wait3A_888 = tpu.memref_slice %arg6[%dma_wait3A_885, %dma_wait3A_886, %dma_wait3A_887] : memref<20x128x32xf32, #tpu.memory_space<vmem>> -> memref<1x128x32xf32, #tpu.memory_space<vmem>>
    %dma_wait3A_889 = tpu.memref_squeeze %dma_wait3A_888 : memref<1x128x32xf32, #tpu.memory_space<vmem>> -> memref<128x32xf32, #tpu.memory_space<vmem>>
    %dma_wait3A_890 = arith.constant 0 : i32
    %dma_wait3A_891 = tpu.memref_slice %arg4[%add3A_602, %dma_wait3A_890] : memref<81920x128xf32, #tpu.memory_space<hbm>> -> memref<128x32xf32, #tpu.memory_space<hbm>>
    %dma_wait3A_892 = arith.constant 0 : i32
    %dma_wait3A_893 = tpu.memref_slice %arg4[%add3A_602, %dma_wait3A_892] : memref<81920x128xf32, #tpu.memory_space<hbm>> -> memref<128x32xf32, #tpu.memory_space<hbm>>
    %dma_wait3A_894 = arith.constant 0 : i32
    %dma_wait3A_895 = arith.constant 0 : i32
    %dma_wait3A_896 = tpu.memref_slice %arg6[%dma_wait3A_885, %dma_wait3A_894, %dma_wait3A_895] : memref<20x128x32xf32, #tpu.memory_space<vmem>> -> memref<1x128x32xf32, #tpu.memory_space<vmem>>
    %dma_wait3A_897 = tpu.memref_squeeze %dma_wait3A_896 : memref<1x128x32xf32, #tpu.memory_space<vmem>> -> memref<128x32xf32, #tpu.memory_space<vmem>>
    tpu.wait_dma2 semaphore(%arg8 : memref<!tpu.dma_semaphore, #tpu.memory_space<semaphore_mem>>) src(%dma_wait3A_897 : memref<128x32xf32, #tpu.memory_space<vmem>>) dst(%dma_wait3A_893 : memref<128x32xf32, #tpu.memory_space<hbm>>)
    %dma_wait3A_898 = arith.constant 9 : i32
    %dma_wait3A_899 = arith.constant 0 : i32
    %dma_wait3A_900 = arith.constant 0 : i32
    %dma_wait3A_901 = tpu.memref_slice %arg6[%dma_wait3A_898, %dma_wait3A_899, %dma_wait3A_900] : memref<20x128x32xf32, #tpu.memory_space<vmem>> -> memref<1x128x32xf32, #tpu.memory_space<vmem>>
    %dma_wait3A_902 = tpu.memref_squeeze %dma_wait3A_901 : memref<1x128x32xf32, #tpu.memory_space<vmem>> -> memref<128x32xf32, #tpu.memory_space<vmem>>
    %dma_wait3A_903 = arith.constant 0 : i32
    %dma_wait3A_904 = tpu.memref_slice %arg4[%add3A_617, %dma_wait3A_903] : memref<81920x128xf32, #tpu.memory_space<hbm>> -> memref<128x32xf32, #tpu.memory_space<hbm>>
    %dma_wait3A_905 = arith.constant 0 : i32
    %dma_wait3A_906 = tpu.memref_slice %arg4[%add3A_617, %dma_wait3A_905] : memref<81920x128xf32, #tpu.memory_space<hbm>> -> memref<128x32xf32, #tpu.memory_space<hbm>>
    %dma_wait3A_907 = arith.constant 0 : i32
    %dma_wait3A_908 = arith.constant 0 : i32
    %dma_wait3A_909 = tpu.memref_slice %arg6[%dma_wait3A_898, %dma_wait3A_907, %dma_wait3A_908] : memref<20x128x32xf32, #tpu.memory_space<vmem>> -> memref<1x128x32xf32, #tpu.memory_space<vmem>>
    %dma_wait3A_910 = tpu.memref_squeeze %dma_wait3A_909 : memref<1x128x32xf32, #tpu.memory_space<vmem>> -> memref<128x32xf32, #tpu.memory_space<vmem>>
    tpu.wait_dma2 semaphore(%arg8 : memref<!tpu.dma_semaphore, #tpu.memory_space<semaphore_mem>>) src(%dma_wait3A_910 : memref<128x32xf32, #tpu.memory_space<vmem>>) dst(%dma_wait3A_906 : memref<128x32xf32, #tpu.memory_space<hbm>>)
    %dma_wait3A_911 = arith.constant 10 : i32
    %dma_wait3A_912 = arith.constant 0 : i32
    %dma_wait3A_913 = arith.constant 0 : i32
    %dma_wait3A_914 = tpu.memref_slice %arg6[%dma_wait3A_911, %dma_wait3A_912, %dma_wait3A_913] : memref<20x128x32xf32, #tpu.memory_space<vmem>> -> memref<1x128x32xf32, #tpu.memory_space<vmem>>
    %dma_wait3A_915 = tpu.memref_squeeze %dma_wait3A_914 : memref<1x128x32xf32, #tpu.memory_space<vmem>> -> memref<128x32xf32, #tpu.memory_space<vmem>>
    %dma_wait3A_916 = arith.constant 0 : i32
    %dma_wait3A_917 = tpu.memref_slice %arg4[%add3A_632, %dma_wait3A_916] : memref<81920x128xf32, #tpu.memory_space<hbm>> -> memref<128x32xf32, #tpu.memory_space<hbm>>
    %dma_wait3A_918 = arith.constant 0 : i32
    %dma_wait3A_919 = tpu.memref_slice %arg4[%add3A_632, %dma_wait3A_918] : memref<81920x128xf32, #tpu.memory_space<hbm>> -> memref<128x32xf32, #tpu.memory_space<hbm>>
    %dma_wait3A_920 = arith.constant 0 : i32
    %dma_wait3A_921 = arith.constant 0 : i32
    %dma_wait3A_922 = tpu.memref_slice %arg6[%dma_wait3A_911, %dma_wait3A_920, %dma_wait3A_921] : memref<20x128x32xf32, #tpu.memory_space<vmem>> -> memref<1x128x32xf32, #tpu.memory_space<vmem>>
    %dma_wait3A_923 = tpu.memref_squeeze %dma_wait3A_922 : memref<1x128x32xf32, #tpu.memory_space<vmem>> -> memref<128x32xf32, #tpu.memory_space<vmem>>
    tpu.wait_dma2 semaphore(%arg8 : memref<!tpu.dma_semaphore, #tpu.memory_space<semaphore_mem>>) src(%dma_wait3A_923 : memref<128x32xf32, #tpu.memory_space<vmem>>) dst(%dma_wait3A_919 : memref<128x32xf32, #tpu.memory_space<hbm>>)
    %dma_wait3A_924 = arith.constant 11 : i32
    %dma_wait3A_925 = arith.constant 0 : i32
    %dma_wait3A_926 = arith.constant 0 : i32
    %dma_wait3A_927 = tpu.memref_slice %arg6[%dma_wait3A_924, %dma_wait3A_925, %dma_wait3A_926] : memref<20x128x32xf32, #tpu.memory_space<vmem>> -> memref<1x128x32xf32, #tpu.memory_space<vmem>>
    %dma_wait3A_928 = tpu.memref_squeeze %dma_wait3A_927 : memref<1x128x32xf32, #tpu.memory_space<vmem>> -> memref<128x32xf32, #tpu.memory_space<vmem>>
    %dma_wait3A_929 = arith.constant 0 : i32
    %dma_wait3A_930 = tpu.memref_slice %arg4[%add3A_647, %dma_wait3A_929] : memref<81920x128xf32, #tpu.memory_space<hbm>> -> memref<128x32xf32, #tpu.memory_space<hbm>>
    %dma_wait3A_931 = arith.constant 0 : i32
    %dma_wait3A_932 = tpu.memref_slice %arg4[%add3A_647, %dma_wait3A_931] : memref<81920x128xf32, #tpu.memory_space<hbm>> -> memref<128x32xf32, #tpu.memory_space<hbm>>
    %dma_wait3A_933 = arith.constant 0 : i32
    %dma_wait3A_934 = arith.constant 0 : i32
    %dma_wait3A_935 = tpu.memref_slice %arg6[%dma_wait3A_924, %dma_wait3A_933, %dma_wait3A_934] : memref<20x128x32xf32, #tpu.memory_space<vmem>> -> memref<1x128x32xf32, #tpu.memory_space<vmem>>
    %dma_wait3A_936 = tpu.memref_squeeze %dma_wait3A_935 : memref<1x128x32xf32, #tpu.memory_space<vmem>> -> memref<128x32xf32, #tpu.memory_space<vmem>>
    tpu.wait_dma2 semaphore(%arg8 : memref<!tpu.dma_semaphore, #tpu.memory_space<semaphore_mem>>) src(%dma_wait3A_936 : memref<128x32xf32, #tpu.memory_space<vmem>>) dst(%dma_wait3A_932 : memref<128x32xf32, #tpu.memory_space<hbm>>)
    %dma_wait3A_937 = arith.constant 12 : i32
    %dma_wait3A_938 = arith.constant 0 : i32
    %dma_wait3A_939 = arith.constant 0 : i32
    %dma_wait3A_940 = tpu.memref_slice %arg6[%dma_wait3A_937, %dma_wait3A_938, %dma_wait3A_939] : memref<20x128x32xf32, #tpu.memory_space<vmem>> -> memref<1x128x32xf32, #tpu.memory_space<vmem>>
    %dma_wait3A_941 = tpu.memref_squeeze %dma_wait3A_940 : memref<1x128x32xf32, #tpu.memory_space<vmem>> -> memref<128x32xf32, #tpu.memory_space<vmem>>
    %dma_wait3A_942 = arith.constant 0 : i32
    %dma_wait3A_943 = tpu.memref_slice %arg4[%add3A_662, %dma_wait3A_942] : memref<81920x128xf32, #tpu.memory_space<hbm>> -> memref<128x32xf32, #tpu.memory_space<hbm>>
    %dma_wait3A_944 = arith.constant 0 : i32
    %dma_wait3A_945 = tpu.memref_slice %arg4[%add3A_662, %dma_wait3A_944] : memref<81920x128xf32, #tpu.memory_space<hbm>> -> memref<128x32xf32, #tpu.memory_space<hbm>>
    %dma_wait3A_946 = arith.constant 0 : i32
    %dma_wait3A_947 = arith.constant 0 : i32
    %dma_wait3A_948 = tpu.memref_slice %arg6[%dma_wait3A_937, %dma_wait3A_946, %dma_wait3A_947] : memref<20x128x32xf32, #tpu.memory_space<vmem>> -> memref<1x128x32xf32, #tpu.memory_space<vmem>>
    %dma_wait3A_949 = tpu.memref_squeeze %dma_wait3A_948 : memref<1x128x32xf32, #tpu.memory_space<vmem>> -> memref<128x32xf32, #tpu.memory_space<vmem>>
    tpu.wait_dma2 semaphore(%arg8 : memref<!tpu.dma_semaphore, #tpu.memory_space<semaphore_mem>>) src(%dma_wait3A_949 : memref<128x32xf32, #tpu.memory_space<vmem>>) dst(%dma_wait3A_945 : memref<128x32xf32, #tpu.memory_space<hbm>>)
    %dma_wait3A_950 = arith.constant 13 : i32
    %dma_wait3A_951 = arith.constant 0 : i32
    %dma_wait3A_952 = arith.constant 0 : i32
    %dma_wait3A_953 = tpu.memref_slice %arg6[%dma_wait3A_950, %dma_wait3A_951, %dma_wait3A_952] : memref<20x128x32xf32, #tpu.memory_space<vmem>> -> memref<1x128x32xf32, #tpu.memory_space<vmem>>
    %dma_wait3A_954 = tpu.memref_squeeze %dma_wait3A_953 : memref<1x128x32xf32, #tpu.memory_space<vmem>> -> memref<128x32xf32, #tpu.memory_space<vmem>>
    %dma_wait3A_955 = arith.constant 0 : i32
    %dma_wait3A_956 = tpu.memref_slice %arg4[%add3A_677, %dma_wait3A_955] : memref<81920x128xf32, #tpu.memory_space<hbm>> -> memref<128x32xf32, #tpu.memory_space<hbm>>
    %dma_wait3A_957 = arith.constant 0 : i32
    %dma_wait3A_958 = tpu.memref_slice %arg4[%add3A_677, %dma_wait3A_957] : memref<81920x128xf32, #tpu.memory_space<hbm>> -> memref<128x32xf32, #tpu.memory_space<hbm>>
    %dma_wait3A_959 = arith.constant 0 : i32
    %dma_wait3A_960 = arith.constant 0 : i32
    %dma_wait3A_961 = tpu.memref_slice %arg6[%dma_wait3A_950, %dma_wait3A_959, %dma_wait3A_960] : memref<20x128x32xf32, #tpu.memory_space<vmem>> -> memref<1x128x32xf32, #tpu.memory_space<vmem>>
    %dma_wait3A_962 = tpu.memref_squeeze %dma_wait3A_961 : memref<1x128x32xf32, #tpu.memory_space<vmem>> -> memref<128x32xf32, #tpu.memory_space<vmem>>
    tpu.wait_dma2 semaphore(%arg8 : memref<!tpu.dma_semaphore, #tpu.memory_space<semaphore_mem>>) src(%dma_wait3A_962 : memref<128x32xf32, #tpu.memory_space<vmem>>) dst(%dma_wait3A_958 : memref<128x32xf32, #tpu.memory_space<hbm>>)
    %dma_wait3A_963 = arith.constant 14 : i32
    %dma_wait3A_964 = arith.constant 0 : i32
    %dma_wait3A_965 = arith.constant 0 : i32
    %dma_wait3A_966 = tpu.memref_slice %arg6[%dma_wait3A_963, %dma_wait3A_964, %dma_wait3A_965] : memref<20x128x32xf32, #tpu.memory_space<vmem>> -> memref<1x128x32xf32, #tpu.memory_space<vmem>>
    %dma_wait3A_967 = tpu.memref_squeeze %dma_wait3A_966 : memref<1x128x32xf32, #tpu.memory_space<vmem>> -> memref<128x32xf32, #tpu.memory_space<vmem>>
    %dma_wait3A_968 = arith.constant 0 : i32
    %dma_wait3A_969 = tpu.memref_slice %arg4[%add3A_692, %dma_wait3A_968] : memref<81920x128xf32, #tpu.memory_space<hbm>> -> memref<128x32xf32, #tpu.memory_space<hbm>>
    %dma_wait3A_970 = arith.constant 0 : i32
    %dma_wait3A_971 = tpu.memref_slice %arg4[%add3A_692, %dma_wait3A_970] : memref<81920x128xf32, #tpu.memory_space<hbm>> -> memref<128x32xf32, #tpu.memory_space<hbm>>
    %dma_wait3A_972 = arith.constant 0 : i32
    %dma_wait3A_973 = arith.constant 0 : i32
    %dma_wait3A_974 = tpu.memref_slice %arg6[%dma_wait3A_963, %dma_wait3A_972, %dma_wait3A_973] : memref<20x128x32xf32, #tpu.memory_space<vmem>> -> memref<1x128x32xf32, #tpu.memory_space<vmem>>
    %dma_wait3A_975 = tpu.memref_squeeze %dma_wait3A_974 : memref<1x128x32xf32, #tpu.memory_space<vmem>> -> memref<128x32xf32, #tpu.memory_space<vmem>>
    tpu.wait_dma2 semaphore(%arg8 : memref<!tpu.dma_semaphore, #tpu.memory_space<semaphore_mem>>) src(%dma_wait3A_975 : memref<128x32xf32, #tpu.memory_space<vmem>>) dst(%dma_wait3A_971 : memref<128x32xf32, #tpu.memory_space<hbm>>)
    %dma_wait3A_976 = arith.constant 15 : i32
    %dma_wait3A_977 = arith.constant 0 : i32
    %dma_wait3A_978 = arith.constant 0 : i32
    %dma_wait3A_979 = tpu.memref_slice %arg6[%dma_wait3A_976, %dma_wait3A_977, %dma_wait3A_978] : memref<20x128x32xf32, #tpu.memory_space<vmem>> -> memref<1x128x32xf32, #tpu.memory_space<vmem>>
    %dma_wait3A_980 = tpu.memref_squeeze %dma_wait3A_979 : memref<1x128x32xf32, #tpu.memory_space<vmem>> -> memref<128x32xf32, #tpu.memory_space<vmem>>
    %dma_wait3A_981 = arith.constant 0 : i32
    %dma_wait3A_982 = tpu.memref_slice %arg4[%add3A_707, %dma_wait3A_981] : memref<81920x128xf32, #tpu.memory_space<hbm>> -> memref<128x32xf32, #tpu.memory_space<hbm>>
    %dma_wait3A_983 = arith.constant 0 : i32
    %dma_wait3A_984 = tpu.memref_slice %arg4[%add3A_707, %dma_wait3A_983] : memref<81920x128xf32, #tpu.memory_space<hbm>> -> memref<128x32xf32, #tpu.memory_space<hbm>>
    %dma_wait3A_985 = arith.constant 0 : i32
    %dma_wait3A_986 = arith.constant 0 : i32
    %dma_wait3A_987 = tpu.memref_slice %arg6[%dma_wait3A_976, %dma_wait3A_985, %dma_wait3A_986] : memref<20x128x32xf32, #tpu.memory_space<vmem>> -> memref<1x128x32xf32, #tpu.memory_space<vmem>>
    %dma_wait3A_988 = tpu.memref_squeeze %dma_wait3A_987 : memref<1x128x32xf32, #tpu.memory_space<vmem>> -> memref<128x32xf32, #tpu.memory_space<vmem>>
    tpu.wait_dma2 semaphore(%arg8 : memref<!tpu.dma_semaphore, #tpu.memory_space<semaphore_mem>>) src(%dma_wait3A_988 : memref<128x32xf32, #tpu.memory_space<vmem>>) dst(%dma_wait3A_984 : memref<128x32xf32, #tpu.memory_space<hbm>>)
    %dma_wait3A_989 = arith.constant 16 : i32
    %dma_wait3A_990 = arith.constant 0 : i32
    %dma_wait3A_991 = arith.constant 0 : i32
    %dma_wait3A_992 = tpu.memref_slice %arg6[%dma_wait3A_989, %dma_wait3A_990, %dma_wait3A_991] : memref<20x128x32xf32, #tpu.memory_space<vmem>> -> memref<1x128x32xf32, #tpu.memory_space<vmem>>
    %dma_wait3A_993 = tpu.memref_squeeze %dma_wait3A_992 : memref<1x128x32xf32, #tpu.memory_space<vmem>> -> memref<128x32xf32, #tpu.memory_space<vmem>>
    %dma_wait3A_994 = arith.constant 0 : i32
    %dma_wait3A_995 = tpu.memref_slice %arg4[%add3A_722, %dma_wait3A_994] : memref<81920x128xf32, #tpu.memory_space<hbm>> -> memref<128x32xf32, #tpu.memory_space<hbm>>
    %dma_wait3A_996 = arith.constant 0 : i32
    %dma_wait3A_997 = tpu.memref_slice %arg4[%add3A_722, %dma_wait3A_996] : memref<81920x128xf32, #tpu.memory_space<hbm>> -> memref<128x32xf32, #tpu.memory_space<hbm>>
    %dma_wait3A_998 = arith.constant 0 : i32
    %dma_wait3A_999 = arith.constant 0 : i32
    %dma_wait3A_1000 = tpu.memref_slice %arg6[%dma_wait3A_989, %dma_wait3A_998, %dma_wait3A_999] : memref<20x128x32xf32, #tpu.memory_space<vmem>> -> memref<1x128x32xf32, #tpu.memory_space<vmem>>
    %dma_wait3A_1001 = tpu.memref_squeeze %dma_wait3A_1000 : memref<1x128x32xf32, #tpu.memory_space<vmem>> -> memref<128x32xf32, #tpu.memory_space<vmem>>
    tpu.wait_dma2 semaphore(%arg8 : memref<!tpu.dma_semaphore, #tpu.memory_space<semaphore_mem>>) src(%dma_wait3A_1001 : memref<128x32xf32, #tpu.memory_space<vmem>>) dst(%dma_wait3A_997 : memref<128x32xf32, #tpu.memory_space<hbm>>)
    %dma_wait3A_1002 = arith.constant 17 : i32
    %dma_wait3A_1003 = arith.constant 0 : i32
    %dma_wait3A_1004 = arith.constant 0 : i32
    %dma_wait3A_1005 = tpu.memref_slice %arg6[%dma_wait3A_1002, %dma_wait3A_1003, %dma_wait3A_1004] : memref<20x128x32xf32, #tpu.memory_space<vmem>> -> memref<1x128x32xf32, #tpu.memory_space<vmem>>
    %dma_wait3A_1006 = tpu.memref_squeeze %dma_wait3A_1005 : memref<1x128x32xf32, #tpu.memory_space<vmem>> -> memref<128x32xf32, #tpu.memory_space<vmem>>
    %dma_wait3A_1007 = arith.constant 0 : i32
    %dma_wait3A_1008 = tpu.memref_slice %arg4[%add3A_737, %dma_wait3A_1007] : memref<81920x128xf32, #tpu.memory_space<hbm>> -> memref<128x32xf32, #tpu.memory_space<hbm>>
    %dma_wait3A_1009 = arith.constant 0 : i32
    %dma_wait3A_1010 = tpu.memref_slice %arg4[%add3A_737, %dma_wait3A_1009] : memref<81920x128xf32, #tpu.memory_space<hbm>> -> memref<128x32xf32, #tpu.memory_space<hbm>>
    %dma_wait3A_1011 = arith.constant 0 : i32
    %dma_wait3A_1012 = arith.constant 0 : i32
    %dma_wait3A_1013 = tpu.memref_slice %arg6[%dma_wait3A_1002, %dma_wait3A_1011, %dma_wait3A_1012] : memref<20x128x32xf32, #tpu.memory_space<vmem>> -> memref<1x128x32xf32, #tpu.memory_space<vmem>>
    %dma_wait3A_1014 = tpu.memref_squeeze %dma_wait3A_1013 : memref<1x128x32xf32, #tpu.memory_space<vmem>> -> memref<128x32xf32, #tpu.memory_space<vmem>>
    tpu.wait_dma2 semaphore(%arg8 : memref<!tpu.dma_semaphore, #tpu.memory_space<semaphore_mem>>) src(%dma_wait3A_1014 : memref<128x32xf32, #tpu.memory_space<vmem>>) dst(%dma_wait3A_1010 : memref<128x32xf32, #tpu.memory_space<hbm>>)
    %dma_wait3A_1015 = arith.constant 18 : i32
    %dma_wait3A_1016 = arith.constant 0 : i32
    %dma_wait3A_1017 = arith.constant 0 : i32
    %dma_wait3A_1018 = tpu.memref_slice %arg6[%dma_wait3A_1015, %dma_wait3A_1016, %dma_wait3A_1017] : memref<20x128x32xf32, #tpu.memory_space<vmem>> -> memref<1x128x32xf32, #tpu.memory_space<vmem>>
    %dma_wait3A_1019 = tpu.memref_squeeze %dma_wait3A_1018 : memref<1x128x32xf32, #tpu.memory_space<vmem>> -> memref<128x32xf32, #tpu.memory_space<vmem>>
    %dma_wait3A_1020 = arith.constant 0 : i32
    %dma_wait3A_1021 = tpu.memref_slice %arg4[%add3A_752, %dma_wait3A_1020] : memref<81920x128xf32, #tpu.memory_space<hbm>> -> memref<128x32xf32, #tpu.memory_space<hbm>>
    %dma_wait3A_1022 = arith.constant 0 : i32
    %dma_wait3A_1023 = tpu.memref_slice %arg4[%add3A_752, %dma_wait3A_1022] : memref<81920x128xf32, #tpu.memory_space<hbm>> -> memref<128x32xf32, #tpu.memory_space<hbm>>
    %dma_wait3A_1024 = arith.constant 0 : i32
    %dma_wait3A_1025 = arith.constant 0 : i32
    %dma_wait3A_1026 = tpu.memref_slice %arg6[%dma_wait3A_1015, %dma_wait3A_1024, %dma_wait3A_1025] : memref<20x128x32xf32, #tpu.memory_space<vmem>> -> memref<1x128x32xf32, #tpu.memory_space<vmem>>
    %dma_wait3A_1027 = tpu.memref_squeeze %dma_wait3A_1026 : memref<1x128x32xf32, #tpu.memory_space<vmem>> -> memref<128x32xf32, #tpu.memory_space<vmem>>
    tpu.wait_dma2 semaphore(%arg8 : memref<!tpu.dma_semaphore, #tpu.memory_space<semaphore_mem>>) src(%dma_wait3A_1027 : memref<128x32xf32, #tpu.memory_space<vmem>>) dst(%dma_wait3A_1023 : memref<128x32xf32, #tpu.memory_space<hbm>>)
    %dma_wait3A_1028 = arith.constant 19 : i32
    %dma_wait3A_1029 = arith.constant 0 : i32
    %dma_wait3A_1030 = arith.constant 0 : i32
    %dma_wait3A_1031 = tpu.memref_slice %arg6[%dma_wait3A_1028, %dma_wait3A_1029, %dma_wait3A_1030] : memref<20x128x32xf32, #tpu.memory_space<vmem>> -> memref<1x128x32xf32, #tpu.memory_space<vmem>>
    %dma_wait3A_1032 = tpu.memref_squeeze %dma_wait3A_1031 : memref<1x128x32xf32, #tpu.memory_space<vmem>> -> memref<128x32xf32, #tpu.memory_space<vmem>>
    %dma_wait3A_1033 = arith.constant 0 : i32
    %dma_wait3A_1034 = tpu.memref_slice %arg4[%add3A_767, %dma_wait3A_1033] : memref<81920x128xf32, #tpu.memory_space<hbm>> -> memref<128x32xf32, #tpu.memory_space<hbm>>
    %dma_wait3A_1035 = arith.constant 0 : i32
    %dma_wait3A_1036 = tpu.memref_slice %arg4[%add3A_767, %dma_wait3A_1035] : memref<81920x128xf32, #tpu.memory_space<hbm>> -> memref<128x32xf32, #tpu.memory_space<hbm>>
    %dma_wait3A_1037 = arith.constant 0 : i32
    %dma_wait3A_1038 = arith.constant 0 : i32
    %dma_wait3A_1039 = tpu.memref_slice %arg6[%dma_wait3A_1028, %dma_wait3A_1037, %dma_wait3A_1038] : memref<20x128x32xf32, #tpu.memory_space<vmem>> -> memref<1x128x32xf32, #tpu.memory_space<vmem>>
    %dma_wait3A_1040 = tpu.memref_squeeze %dma_wait3A_1039 : memref<1x128x32xf32, #tpu.memory_space<vmem>> -> memref<128x32xf32, #tpu.memory_space<vmem>>
    tpu.wait_dma2 semaphore(%arg8 : memref<!tpu.dma_semaphore, #tpu.memory_space<semaphore_mem>>) src(%dma_wait3A_1040 : memref<128x32xf32, #tpu.memory_space<vmem>>) dst(%dma_wait3A_1036 : memref<128x32xf32, #tpu.memory_space<hbm>>)
    return
  }
}

module attributes {stable_mosaic.version = 14 : i64} {
  func.func @transpose_body(%arg0: i32, %arg1: memref<32x5120xf32, #tpu.memory_space<vmem>>, %arg2: memref<32x5120xf32, #tpu.memory_space<vmem>>, %arg3: memref<32x5120xf32, #tpu.memory_space<vmem>>, %arg4: memref<32x5120xf32, #tpu.memory_space<vmem>>, %arg5: memref<128x128xf32, #tpu.memory_space<vmem>>, %arg6: memref<5120x128xf32, #tpu.memory_space<vmem>>) attributes {dimension_semantics = [#tpu.dimension_semantics<arbitrary>], iteration_bounds = array<i64: 49>, scalar_prefetch = 0 : i64, scratch_operands = 0 : i64, tpu.core_type = #tpu.core_type<tc>, window_params = [{transform_indices = @transform_0, window_bounds = array<i64: 32, 5120>}, {transform_indices = @transform_1, window_bounds = array<i64: 32, 5120>}, {transform_indices = @transform_2, window_bounds = array<i64: 32, 5120>}, {transform_indices = @transform_3, window_bounds = array<i64: 32, 5120>}, {pipeline_mode = #tpu.pipeline_mode<synchronous>, transform_indices = @transform_4, window_bounds = array<i64: 128, 128>}, {transform_indices = @transform_5, window_bounds = array<i64: 5120, 128>}]} {
    %get3A = arith.constant 0 : index
    %get3A_0 = arith.constant 0 : index
    %get3A_1 = vector.load %arg1[%get3A, %get3A_0] : memref<32x5120xf32, #tpu.memory_space<vmem>>, vector<32x5120xf32>
    %get3A_2 = arith.constant 0 : index
    %get3A_3 = arith.constant 0 : index
    %get3A_4 = vector.load %arg2[%get3A_2, %get3A_3] : memref<32x5120xf32, #tpu.memory_space<vmem>>, vector<32x5120xf32>
    %get3A_5 = arith.constant 0 : index
    %get3A_6 = arith.constant 0 : index
    %get3A_7 = vector.load %arg3[%get3A_5, %get3A_6] : memref<32x5120xf32, #tpu.memory_space<vmem>>, vector<32x5120xf32>
    %get3A_8 = arith.constant 0 : index
    %get3A_9 = arith.constant 0 : index
    %get3A_10 = vector.load %arg4[%get3A_8, %get3A_9] : memref<32x5120xf32, #tpu.memory_space<vmem>>, vector<32x5120xf32>
    %concatenate3A = tpu.concatenate %get3A_1, %get3A_4, %get3A_7, %get3A_10 in 0 : vector<32x5120xf32>, vector<32x5120xf32>, vector<32x5120xf32>, vector<32x5120xf32> -> vector<128x5120xf32>
    %get3A_11 = arith.constant 0 : index
    %get3A_12 = arith.constant 0 : index
    %get3A_13 = vector.load %arg5[%get3A_11, %get3A_12] : memref<128x128xf32, #tpu.memory_space<vmem>>, vector<128x128xf32>
    %dot_general3A = arith.constant dense<0.000000e+00> : vector<5120x128xf32>
    %dot_general3A_14 = tpu.matmul %concatenate3A, %get3A_13, %dot_general3A {dimension_numbers = #tpu.dot_dimension_numbers<[0], [0], [1], [1], [0, 1, 1, 1], [], []>, transpose_lhs_hint = false} : vector<128x5120xf32>, vector<128x128xf32>, vector<5120x128xf32> -> vector<5120x128xf32>
    %swap3A = arith.constant 0 : index
    %swap3A_15 = arith.constant 0 : index
    %swap3A_16 = vector.load %arg6[%swap3A, %swap3A_15] : memref<5120x128xf32, #tpu.memory_space<vmem>>, vector<5120x128xf32>
    tpu.vector_store %arg6[%swap3A, %swap3A_15], %dot_general3A_14 {strides = array<i32>} : memref<5120x128xf32, #tpu.memory_space<vmem>>, vector<5120x128xf32>,
    return
  }
  func.func @transform_0(%arg0: i32) -> (i32, i32) {
    %add3A = arith.constant 0 : i32
    %add3A_0 = arith.addi %add3A, %arg0 : i32
    %c0_i32 = arith.constant 0 : i32
    %c0_i32_1 = arith.constant 0 : i32
    return %c0_i32, %add3A_0 : i32, i32
  }
  func.func @transform_1(%arg0: i32) -> (i32, i32) {
    %add3A = arith.constant 49 : i32
    %add3A_0 = arith.addi %add3A, %arg0 : i32
    %c0_i32 = arith.constant 0 : i32
    %c0_i32_1 = arith.constant 0 : i32
    return %c0_i32, %add3A_0 : i32, i32
  }
  func.func @transform_2(%arg0: i32) -> (i32, i32) {
    %add3A = arith.constant 98 : i32
    %add3A_0 = arith.addi %add3A, %arg0 : i32
    %c0_i32 = arith.constant 0 : i32
    %c0_i32_1 = arith.constant 0 : i32
    return %c0_i32, %add3A_0 : i32, i32
  }
  func.func @transform_3(%arg0: i32) -> (i32, i32) {
    %add3A = arith.constant 147 : i32
    %add3A_0 = arith.addi %add3A, %arg0 : i32
    %c0_i32 = arith.constant 0 : i32
    %c0_i32_1 = arith.constant 0 : i32
    return %c0_i32, %add3A_0 : i32, i32
  }
  func.func @transform_4(%arg0: i32) -> (i32, i32) {
    %c0_i32 = arith.constant 0 : i32
    %c0_i32_0 = arith.constant 0 : i32
    %c0_i32_1 = arith.constant 0 : i32
    return %c0_i32, %c0_i32_0 : i32, i32
  }
  func.func @transform_5(%arg0: i32) -> (i32, i32) {
    %c0_i32 = arith.constant 0 : i32
    %c0_i32_0 = arith.constant 0 : i32
    return %arg0, %c0_i32 : i32, i32
  }
}

module attributes {stable_mosaic.version = 14 : i64} {
  func.func @lstm_body(%arg0: i32, %arg1: memref<4096x128xf32, #tpu.memory_space<vmem>>, %arg2: memref<32x256xf32, #tpu.memory_space<vmem>>, %arg3: memref<64x256xf32, #tpu.memory_space<vmem>>, %arg4: memref<1x256xf32, #tpu.memory_space<vmem>>, %arg5: memref<1x4096x64xf32, #tpu.memory_space<vmem>>, %arg6: memref<4096x64xf32, #tpu.memory_space<vmem>>, %arg7: memref<4096x64xf32, #tpu.memory_space<vmem>>, %arg8: memref<4096x64xf32, #tpu.memory_space<vmem>>, %arg9: memref<4096x64xf32, #tpu.memory_space<vmem>>) attributes {dimension_semantics = [#tpu.dimension_semantics<arbitrary>], iteration_bounds = array<i64: 20>, scalar_prefetch = 0 : i64, scratch_operands = 2 : i64, tpu.core_type = #tpu.core_type<tc>, window_params = [{transform_indices = @transform_0, window_bounds = array<i64: 4096, 128>}, {pipeline_mode = #tpu.pipeline_mode<synchronous>, transform_indices = @transform_1, window_bounds = array<i64: 32, 256>}, {pipeline_mode = #tpu.pipeline_mode<synchronous>, transform_indices = @transform_2, window_bounds = array<i64: 64, 256>}, {pipeline_mode = #tpu.pipeline_mode<synchronous>, transform_indices = @transform_3, window_bounds = array<i64: 1, 256>}, {transform_indices = @transform_4, window_bounds = array<i64: 1, 4096, 64>}, {pipeline_mode = #tpu.pipeline_mode<synchronous>, transform_indices = @transform_5, window_bounds = array<i64: 4096, 64>}, {pipeline_mode = #tpu.pipeline_mode<synchronous>, transform_indices = @transform_6, window_bounds = array<i64: 4096, 64>}]} {
    %eq3A = arith.constant 0 : i32
    %eq3A_0 = arith.cmpi eq, %arg0, %eq3A : i32
    %convert_element_type3A = arith.extui %eq3A_0 : i1 to i32
    %cond3A = arith.constant 0 : i32
    %cond3A_1 = arith.cmpi ne, %convert_element_type3A, %cond3A : i32
    scf.if %cond3A_1 {
      %broadcast_in_dim3A = arith.constant 0.000000e+00 : f32
      %broadcast_in_dim3A_66 = vector.broadcast %broadcast_in_dim3A : f32 to vector<4096x64xf32>
      %swap3A_67 = arith.constant 0 : index
      %swap3A_68 = arith.constant 0 : index
      %swap3A_69 = vector.load %arg8[%swap3A_67, %swap3A_68] : memref<4096x64xf32, #tpu.memory_space<vmem>>, vector<4096x64xf32>
      tpu.vector_store %arg8[%swap3A_67, %swap3A_68], %broadcast_in_dim3A_66 {strides = array<i32>} : memref<4096x64xf32, #tpu.memory_space<vmem>>, vector<4096x64xf32>,
      %broadcast_in_dim3A_70 = arith.constant 0.000000e+00 : f32
      %broadcast_in_dim3A_71 = vector.broadcast %broadcast_in_dim3A_70 : f32 to vector<4096x64xf32>
      %swap3A_72 = arith.constant 0 : index
      %swap3A_73 = arith.constant 0 : index
      %swap3A_74 = vector.load %arg9[%swap3A_72, %swap3A_73] : memref<4096x64xf32, #tpu.memory_space<vmem>>, vector<4096x64xf32>
      tpu.vector_store %arg9[%swap3A_72, %swap3A_73], %broadcast_in_dim3A_71 {strides = array<i32>} : memref<4096x64xf32, #tpu.memory_space<vmem>>, vector<4096x64xf32>,
    } else {
    }
    %get3A = arith.constant 0 : index
    %get3A_2 = arith.constant 0 : index
    %get3A_3 = vector.load %arg8[%get3A, %get3A_2] : memref<4096x64xf32, #tpu.memory_space<vmem>>, vector<4096x64xf32>
    %get3A_4 = arith.constant 0 : index
    %get3A_5 = arith.constant 0 : index
    %get3A_6 = vector.load %arg9[%get3A_4, %get3A_5] : memref<4096x64xf32, #tpu.memory_space<vmem>>, vector<4096x64xf32>
    %get3A_7 = arith.constant 0 : index
    %get3A_8 = arith.constant 0 : index
    %get3A_9 = vector.load %arg1[%get3A_7, %get3A_8] : memref<4096x128xf32, #tpu.memory_space<vmem>>, vector<4096x32xf32>
    %get3A_10 = arith.constant 0 : index
    %get3A_11 = arith.constant 0 : index
    %get3A_12 = vector.load %arg2[%get3A_10, %get3A_11] : memref<32x256xf32, #tpu.memory_space<vmem>>, vector<32x256xf32>
    %dot_general3A = arith.constant dense<0.000000e+00> : vector<4096x256xf32>
    %dot_general3A_13 = tpu.matmul %get3A_9, %get3A_12, %dot_general3A {dimension_numbers = #tpu.dot_dimension_numbers<[1], [0], [0], [1], [0, 0, 1, 1], [], []>, transpose_lhs_hint = false} : vector<4096x32xf32>, vector<32x256xf32>, vector<4096x256xf32> -> vector<4096x256xf32>
    %get3A_14 = arith.constant 0 : index
    %get3A_15 = arith.constant 0 : index
    %get3A_16 = vector.load %arg3[%get3A_14, %get3A_15] : memref<64x256xf32, #tpu.memory_space<vmem>>, vector<64x256xf32>
    %dot_general3A_17 = arith.constant dense<0.000000e+00> : vector<4096x256xf32>
    %dot_general3A_18 = tpu.matmul %get3A_3, %get3A_16, %dot_general3A_17 {dimension_numbers = #tpu.dot_dimension_numbers<[1], [0], [0], [1], [0, 0, 1, 1], [], []>, transpose_lhs_hint = false} : vector<4096x64xf32>, vector<64x256xf32>, vector<4096x256xf32> -> vector<4096x256xf32>
    %add3A = arith.addf %dot_general3A_13, %dot_general3A_18 : vector<4096x256xf32>
    %get3A_19 = arith.constant 0 : index
    %get3A_20 = arith.constant 0 : index
    %get3A_21 = vector.load %arg4[%get3A_19, %get3A_20] : memref<1x256xf32, #tpu.memory_space<vmem>>, vector<1x256xf32>
    %add3A_22 = vector.broadcast %get3A_21 : vector<1x256xf32> to vector<4096x256xf32>
    %add3A_23 = arith.addf %add3A, %add3A_22 : vector<4096x256xf32>
    %tanh3A = math.tanh %add3A_23 : vector<4096x256xf32>
    %slice3A = vector.extract_strided_slice %tanh3A {offsets = [0, 0], sizes = [4096, 64], strides = [1, 1]} : vector<4096x256xf32> to vector<4096x64xf32>
    %mul3A = arith.constant 5.000000e-01 : f32
    %mul3A_24 = vector.broadcast %mul3A : f32 to vector<4096x64xf32>
    %mul3A_25 = arith.mulf %mul3A_24, %slice3A : vector<4096x64xf32>
    %add3A_26 = arith.constant 5.000000e-01 : f32
    %add3A_27 = vector.broadcast %add3A_26 : f32 to vector<4096x64xf32>
    %add3A_28 = arith.addf %mul3A_25, %add3A_27 : vector<4096x64xf32>
    %slice3A_29 = vector.extract_strided_slice %tanh3A {offsets = [0, 64], sizes = [4096, 64], strides = [1, 1]} : vector<4096x256xf32> to vector<4096x64xf32>
    %mul3A_30 = arith.constant 5.000000e-01 : f32
    %mul3A_31 = vector.broadcast %mul3A_30 : f32 to vector<4096x64xf32>
    %mul3A_32 = arith.mulf %mul3A_31, %slice3A_29 : vector<4096x64xf32>
    %add3A_33 = arith.constant 5.000000e-01 : f32
    %add3A_34 = vector.broadcast %add3A_33 : f32 to vector<4096x64xf32>
    %add3A_35 = arith.addf %mul3A_32, %add3A_34 : vector<4096x64xf32>
    %slice3A_36 = vector.extract_strided_slice %tanh3A {offsets = [0, 128], sizes = [4096, 64], strides = [1, 1]} : vector<4096x256xf32> to vector<4096x64xf32>
    %slice3A_37 = vector.extract_strided_slice %tanh3A {offsets = [0, 192], sizes = [4096, 64], strides = [1, 1]} : vector<4096x256xf32> to vector<4096x64xf32>
    %mul3A_38 = arith.constant 5.000000e-01 : f32
    %mul3A_39 = vector.broadcast %mul3A_38 : f32 to vector<4096x64xf32>
    %mul3A_40 = arith.mulf %mul3A_39, %slice3A_37 : vector<4096x64xf32>
    %add3A_41 = arith.constant 5.000000e-01 : f32
    %add3A_42 = vector.broadcast %add3A_41 : f32 to vector<4096x64xf32>
    %add3A_43 = arith.addf %mul3A_40, %add3A_42 : vector<4096x64xf32>
    %mul3A_44 = arith.mulf %add3A_35, %get3A_6 : vector<4096x64xf32>
    %mul3A_45 = arith.mulf %add3A_28, %slice3A_36 : vector<4096x64xf32>
    %add3A_46 = arith.addf %mul3A_44, %mul3A_45 : vector<4096x64xf32>
    %tanh3A_47 = math.tanh %add3A_46 : vector<4096x64xf32>
    %mul3A_48 = arith.mulf %add3A_43, %tanh3A_47 : vector<4096x64xf32>
    %swap3A = arith.constant 0 : index
    %swap3A_49 = arith.constant 0 : index
    %swap3A_50 = vector.load %arg8[%swap3A, %swap3A_49] : memref<4096x64xf32, #tpu.memory_space<vmem>>, vector<4096x64xf32>
    tpu.vector_store %arg8[%swap3A, %swap3A_49], %mul3A_48 {strides = array<i32>} : memref<4096x64xf32, #tpu.memory_space<vmem>>, vector<4096x64xf32>,
    %swap3A_51 = arith.constant 0 : index
    %swap3A_52 = arith.constant 0 : index
    %swap3A_53 = vector.load %arg9[%swap3A_51, %swap3A_52] : memref<4096x64xf32, #tpu.memory_space<vmem>>, vector<4096x64xf32>
    tpu.vector_store %arg9[%swap3A_51, %swap3A_52], %add3A_46 {strides = array<i32>} : memref<4096x64xf32, #tpu.memory_space<vmem>>, vector<4096x64xf32>,
    %swap3A_54 = arith.constant 0 : index
    %swap3A_55 = arith.constant 0 : index
    %swap3A_56 = arith.constant 0 : index
    %swap3A_57 = vector.load %arg5[%swap3A_54, %swap3A_55, %swap3A_56] : memref<1x4096x64xf32, #tpu.memory_space<vmem>>, vector<1x4096x64xf32>
    %swap3A_58 = vector.shape_cast %swap3A_57 : vector<1x4096x64xf32> to vector<4096x64xf32>
    %swap3A_59 = vector.shape_cast %mul3A_48 : vector<4096x64xf32> to vector<1x4096x64xf32>
    tpu.vector_store %arg5[%swap3A_54, %swap3A_55, %swap3A_56], %swap3A_59 {strides = array<i32>} : memref<1x4096x64xf32, #tpu.memory_space<vmem>>, vector<1x4096x64xf32>,
    %swap3A_60 = arith.constant 0 : index
    %swap3A_61 = arith.constant 0 : index
    %swap3A_62 = vector.load %arg6[%swap3A_60, %swap3A_61] : memref<4096x64xf32, #tpu.memory_space<vmem>>, vector<4096x64xf32>
    tpu.vector_store %arg6[%swap3A_60, %swap3A_61], %mul3A_48 {strides = array<i32>} : memref<4096x64xf32, #tpu.memory_space<vmem>>, vector<4096x64xf32>,
    %swap3A_63 = arith.constant 0 : index
    %swap3A_64 = arith.constant 0 : index
    %swap3A_65 = vector.load %arg7[%swap3A_63, %swap3A_64] : memref<4096x64xf32, #tpu.memory_space<vmem>>, vector<4096x64xf32>
    tpu.vector_store %arg7[%swap3A_63, %swap3A_64], %add3A_46 {strides = array<i32>} : memref<4096x64xf32, #tpu.memory_space<vmem>>, vector<4096x64xf32>,
    return
  }
  func.func @transform_0(%arg0: i32) -> (i32, i32) {
    %c0_i32 = arith.constant 0 : i32
    %c0_i32_0 = arith.constant 0 : i32
    return %arg0, %c0_i32 : i32, i32
  }
  func.func @transform_1(%arg0: i32) -> (i32, i32) {
    %c0_i32 = arith.constant 0 : i32
    %c0_i32_0 = arith.constant 0 : i32
    %c0_i32_1 = arith.constant 0 : i32
    return %c0_i32, %c0_i32_0 : i32, i32
  }
  func.func @transform_2(%arg0: i32) -> (i32, i32) {
    %c0_i32 = arith.constant 0 : i32
    %c0_i32_0 = arith.constant 0 : i32
    %c0_i32_1 = arith.constant 0 : i32
    return %c0_i32, %c0_i32_0 : i32, i32
  }
  func.func @transform_3(%arg0: i32) -> (i32, i32) {
    %c0_i32 = arith.constant 0 : i32
    %c0_i32_0 = arith.constant 0 : i32
    %c0_i32_1 = arith.constant 0 : i32
    return %c0_i32, %c0_i32_0 : i32, i32
  }
  func.func @transform_4(%arg0: i32) -> (i32, i32, i32) {
    %c0_i32 = arith.constant 0 : i32
    %c0_i32_0 = arith.constant 0 : i32
    %c0_i32_1 = arith.constant 0 : i32
    return %arg0, %c0_i32, %c0_i32_0 : i32, i32, i32
  }
  func.func @transform_5(%arg0: i32) -> (i32, i32) {
    %c0_i32 = arith.constant 0 : i32
    %c0_i32_0 = arith.constant 0 : i32
    %c0_i32_1 = arith.constant 0 : i32
    return %c0_i32, %c0_i32_0 : i32, i32
  }
  func.func @transform_6(%arg0: i32) -> (i32, i32) {
    %c0_i32 = arith.constant 0 : i32
    %c0_i32_0 = arith.constant 0 : i32
    %c0_i32_1 = arith.constant 0 : i32
    return %c0_i32, %c0_i32_0 : i32, i32
  }
}

</mosaic_0001>

<sc_bundles>
// kernel: kernel.5.cloned.1.call-start
scs
__scs_entry_jumppad:
0x0: {  	(pc) =	sbr.rel $0x88, $3  }
0x1: {  	(tag) =	ssettag $0x0;
	lr =	simm.s32 $0x1  }
0x2: {  	[smem:$0x3F9C] =	sst lr;
	_ =	strace $0xD0000000  }
0x3: {  	_ = 	snop  }
0x4: {  	_ = 	snop  }
0x5: {  	_ = 	snop  }
0x6: {  	_ = 	snop  }
0x7: {  	_ = 	snop  }
__scs_overlays_trampoline_lowered:
0x8: {  	[smem:$0x3FAB] =	sst s0  }
0x9: {  	[smem:$0x3FAC] =	sst s1  }
0xa: {  	[smem:$0x3FAD] =	sst s2  }
0xb: {  	[smem:$0x3FAE] =	sst s3  }
0xc: {  	[smem:$0x3FAF] =	sst s4  }
0xd: {  	[smem:$0x3FB0] =	sst s5  }
0xe: {  	[smem:$0x3FB1] =	sst s6  }
0xf: {  	[smem:$0x3FB2] =	sst s7  }
0x10: {  	[smem:$0x3FB3] =	sst s8  }
0x11: {  	[smem:$0x3FB4] =	sst s9;
	s0 =	simm.s32 @!p0 $0x0  }
0x12: {  	s1 =	sld [smem:$0x3F9A];
	s0 =	simm.s32 @p0 $0x1  }
0x13: {  	[smem:$0x3FB5] =	sst s0;
	s0 =	simm.s32 @!p1 $0x0  }
0x14: {  	s2 =	sld [smem:$0x3F99];
	s0 =	simm.s32 @p1 $0x1  }
0x15: {  	[smem:$0x3FB6] =	sst s0;
	s0 =	simm.s32 @!p2 $0x0  }
0x16: {  	s3 =	sld [smem:$0x3FDB];
	s0 =	simm.s32 @p2 $0x1  }
0x17: {  	s4 =	simm.s32 $0x1BF5;
	[smem:$0x3FB8] =	sst s0  }
0x18: {  	s0 =	sld [smem:$0x3F9B];
	_ =	swait.ge [sflag:s4], $0x0  }
0x19: {  	s7 =	sld [smem:$0x3F9C]  }
0x1a: {  	s8 =	sadd.s32 $0xFFFFE003, lr  }
0x1b: {  	s9 =	sadd.s32 $0xFFFFFEF7, lr;
	s5 =	simm.s32 $0xFFFFFFFF;
	p2 =	slt.u32 s8, $0xFFFFF086  }
0x1c: {  	p1 =	slt.u32 s9, $0xF7A;
	s5 =	simm.s32 @!p2 $0x0  }
0x1d: {  	s5 =	simm.s32 @p1 $0x1;
	p0 =	seq.s32 s7, s2  }
0x1e: {  	s7 =	smul.u32 @!p0 $0xF7A, s2;
	p2 =	seq.s32 @!p0 s5, $0x0  }
0x1f: {  	s9 =	smul.u32 $0xF7A, s1;
	s8 =	simm.s32 @!p0 $0x1BF5;
	p2 =	por !p2, p0  }
0x20: {  	[sflag:s8] =	ssyncset.s32 @!p0 $0xFFFFF086;
	s6 =	sadd.s32 @!p0 s3, s7;
	s7 =	simm.s32 @!p0 $0x108  }
0x21: {  	s3 =	sadd.s32 s3, s9;
	s6 =	sadd.s32 @!p0 $0x88, s6;
	s7 =	simm.s32 @p2 $0x1082  }
0x22: {  	[simem:s7], [sflag:s8] =	dma.local @!p0 [hbm:s6], $0xF7A  }
0x23: {  	s9 =	sor.u32 $0xD0000000, s2;
	s6 =	simm.s32 $0x108;
	_ =	swait.ge @!p0 [sflag:s8], $0x0  }
0x24: {  	s3 =	sadd.s32 $0x88, s3;
	s6 =	simm.s32 @!p1 $0x1082;
	[sflag:s4] =	ssyncset.s32 $0xFFFFF086  }
0x25: {  	[simem:s6], [sflag:s4] =	dma.local [hbm:s3], $0xF7A  }
0x26: {  	[smem:$0x3F9C] =	sst s1;
	(tag) =	ssettag s2;
	_ =	strace s9  }
0x27: {  	s1 =	sld [smem:$0x3FAC]  }
0x28: {  	s2 =	sld [smem:$0x3FAD]  }
0x29: {  	s4 =	sld [smem:$0x3FAF]  }
0x2a: {  	p0 =	seq.s32 s5, $0x0;
	s5 =	sld [smem:$0x3FB0]  }
0x2b: {  	s6 =	sld [smem:$0x3FB1]  }
0x2c: {  	s7 =	sld [smem:$0x3FB2]  }
0x2d: {  	s3 =	simm.s32 $0x108;
	s8 =	sld [smem:$0x3FB3]  }
0x2e: {  	s3 =	simm.s32 @!p0 $0x1082;
	s9 =	sld [smem:$0x3FB4]  }
0x2f: {  	lr =	sadd.s32 s0, s3;
	s0 =	sld [smem:$0x3FAB]  }
0x30: {  	s3 =	sld [smem:$0x3FAE]  }
0x31: {  	[smem:$0x3FB7] =	sst s10  }
0x32: {  	s10 =	sld [smem:$0x3FB5];
	_ =	sdelay $0x3  }
0x33: {  	p0 =	seq.s32 s10, $0x1;
	s10 =	sld [smem:$0x3FB7];
	_ =	sdelay $0x3  }
0x34: {  	[smem:$0x3FB7] =	sst s10  }
0x35: {  	s10 =	sld [smem:$0x3FB6];
	_ =	sdelay $0x3  }
0x36: {  	p1 =	seq.s32 s10, $0x1;
	s10 =	sld [smem:$0x3FB7];
	_ =	sdelay $0x3  }
0x37: {  	[smem:$0x3FB7] =	sst s10  }
0x38: {  	s10 =	sld [smem:$0x3FB8]  }
0x39: {  	_ = 	snop;
	(pc) =	sbr.ind lr, $3  }
0x3a: {  	_ = 	snop  }
0x3b: {  	_ = 	snop  }
0x3c: {  	p2 =	seq.s32 s10, $0x1;
	s10 =	sld [smem:$0x3FB7]  }
0x3d: {  	_ =	shalt  }
0x3e: {  	_ =	shalt  }
0x3f: {  	_ =	shalt  }
0x40: {  	_ =	shalt  }
0x41: {  	_ =	shalt  }
0x42: {  	_ =	shalt  }
0x43: {  	_ =	shalt  }
0x44: {  	_ =	shalt  }
0x45: {  	_ =	shalt  }
0x46: {  	_ =	shalt  }
0x47: {  	_ =	shalt  }
0x48: {  	_ =	shalt  }
0x49: {  	_ =	shalt  }
0x4a: {  	_ =	shalt  }
0x4b: {  	_ =	shalt  }
0x4c: {  	_ =	shalt  }
0x4d: {  	_ =	shalt  }
0x4e: {  	_ =	shalt  }
0x4f: {  	_ =	shalt  }
0x50: {  	_ =	shalt  }
0x51: {  	_ =	shalt  }
0x52: {  	_ =	shalt  }
0x53: {  	_ =	shalt  }
0x54: {  	_ =	shalt  }
0x55: {  	_ =	shalt  }
0x56: {  	_ =	shalt  }
0x57: {  	_ =	shalt  }
0x58: {  	_ =	shalt  }
0x59: {  	_ =	shalt  }
0x5a: {  	_ =	shalt  }
0x5b: {  	_ =	shalt  }
0x5c: {  	_ =	shalt  }
0x5d: {  	_ =	shalt  }
0x5e: {  	_ =	shalt  }
0x5f: {  	_ =	shalt  }
0x60: {  	_ =	shalt  }
0x61: {  	_ =	shalt  }
0x62: {  	_ =	shalt  }
0x63: {  	_ =	shalt  }
0x64: {  	_ =	shalt  }
0x65: {  	_ =	shalt  }
0x66: {  	_ =	shalt  }
0x67: {  	_ =	shalt  }
0x68: {  	_ =	shalt  }
0x69: {  	_ =	shalt  }
0x6a: {  	_ =	shalt  }
0x6b: {  	_ =	shalt  }
0x6c: {  	_ =	shalt  }
0x6d: {  	_ =	shalt  }
0x6e: {  	_ =	shalt  }
0x6f: {  	_ =	shalt  }
0x70: {  	_ =	shalt  }
0x71: {  	_ =	shalt  }
0x72: {  	_ =	shalt  }
0x73: {  	_ =	shalt  }
0x74: {  	_ =	shalt  }
0x75: {  	_ =	shalt  }
0x76: {  	_ =	shalt  }
0x77: {  	_ =	shalt  }
0x78: {  	_ =	shalt  }
0x79: {  	_ =	shalt  }
0x7a: {  	_ =	shalt  }
0x7b: {  	_ =	shalt  }
0x7c: {  	_ =	shalt  }
0x7d: {  	_ =	shalt  }
0x7e: {  	_ =	shalt  }
0x7f: {  	_ =	shalt  }
0x80: {  	_ =	shalt  }
0x81: {  	_ =	shalt  }
0x82: {  	_ =	shalt  }
0x83: {  	_ =	shalt  }
0x84: {  	_ =	shalt  }
0x85: {  	_ =	shalt  }
0x86: {  	_ =	shalt  }
0x87: {  	_ =	shalt  }
.Lfunc_end0:
.L_simem_size_0:
called_computation_lowered:
.L_overlay_start_0:
0x88: {  	s2 =	sld [smem:$0x3FD9]  }
0x89: {  	s3 =	sld [smem:$0x3FFE];
	_ =	sdelay $0x1  }
0x8a: {  	s1 =	srdreg.scid  }
0x8b: {  	s0 =	sand.u32 $0x1, s1  }
0x8c: {  	s14 =	sshll.u32 s0, $0xA;
	s2 =	sadd.s32 s3, s2  }
0x8d: {  	s2 =	sadd.s32 s2, s14  }
0x8e: {  	[smem:$0x3FC3] =	sst s2  }
0x8f: {  	_ = 	snop  }
0x90: {  	s2 =	sld [smem:$0x3FD0];
	_ =	sdelay $0x2  }
0x91: {  	s15 =	simm.s32 $0xA;
	s4 =	simm.s32 $0x10  }
0x92: {  	[smem:s4], [sflag:s15] =	dma.local [hbm:s2], $0x1  }
0x93: {  	_ =	swait.eq [sflag:s15], $0x1  }
0x94: {  	[sflag:s15] =	ssyncset.done $0x0  }
0x95: {  	[sflag:s15] =	ssyncadd.s32 $0xFFFFFFFF  }
0x96: {  	s16 =	sld [smem:$0x12];
	(tm) =	ssettm $0x1  }
0x97: {  	s17 =	sld [smem:$0x3FFB];
	_ =	sdelay $0x3  }
0x98: {  	_ =	strace s17  }
0x99: {  	s3 =	sld [smem:$0x3FFC];
	_ =	sdelay $0x3  }
0x9a: {  	_ =	strace s3  }
0x9b: {  	s3 =	sld [smem:$0x3FFD];
	_ =	sdelay $0x3  }
0x9c: {  	_ =	strace s3  }
0x9d: {  	_ =	strace $0x8FFFFFFF  }
0x9e: {  	s18 =	sld [smem:$0x3FDB];
	_ =	sdelay $0x1  }
0x9f: {  	s19 =	simm.s32 $_scs_section_size  }
0xa0: {  	s5 =	simm.s32 $_size__tile_overlayer_lowered;
	s6 =	simm.s32 $_tile_overlayer_lowered  }
0xa1: {  	s22 =	simm.s32 $0x1BFF;
	s21 =	sshll.u32 s6, $0x1;
	s3 =	sadd.s32 s19, s18  }
0xa2: {  	s7 =	simm.s32 $0x0;
	s20 =	sshll.u32 s5, $0x1;
	s5 =	sadd.s32 s21, s3  }
0xa3: {  	[timem:s7], [sflag:s22] =	dma.local [hbm:s5], s20  }
0xa4: {  	_ =	swait.ge [sflag:s22], s20  }
0xa5: {  	s4 =	ssub.s32 $0x0, s20;
	[sflag:s22] =	ssyncset.done $0x0  }
0xa6: {  	[sflag:s22] =	ssyncadd.s32 s4;
	_ =	sdelay $0x1  }
0xa7: {  	s23 =	simm.s32 $0x1B8B  }
0xa8: {  	_ =	swait.ge [sflag:s23], $0x1  }
0xa9: {  	[sflag:s23] =	ssyncset.done $0x0  }
0xaa: {  	s25 =	simm.s32 $0x1B8E;
	s24 =	sld [smem:$0x3FFE];
	[sflag:s23] =	ssyncadd.s32 $0xFFFFFFFF  }
0xab: {  	s26 =	simm.s32 $execute0_lowered;
	[smem:$0x3FD2] =	sst s25  }
0xac: {  	s5 =	sshll.u32 s26, $0x1;
	_ =	strace $0x80000046;
	[dreg:$0x1] =	wrdreg $0xFFFFFFFF  }
0xad: {  	s28 =	simm.s32 $_size_execute0_lowered;
	s3 =	sadd.s32 s3, s5;
	[dreg:$0x0] =	wrdreg $0x0  }
0xae: {  	s5 =	sshll.u32 s28, $0x1;
	[dreg:$0x2] =	wrdreg s3  }
0xaf: {  	[dreg:$0x3] =	wrdreg s5  }
0xb0: {  	[dreg:$0x4] =	wrdreg $0xC0  }
0xb1: {  	_ =	task [dreg:s7], $0x5FFFF  }
0xb2: {  	[dreg:$0x1] =	wrdreg $0xFFFFFFFF  }
0xb3: {  	[dreg:$0x0] =	wrdreg $0x60  }
0xb4: {  	[dreg:$0x2] =	wrdreg s16  }
0xb5: {  	[dreg:$0x3] =	wrdreg s24  }
0xb6: {  	[dreg:$0x4] =	wrdreg $0x9  }
0xb7: {  	_ =	task.clear_ibuf [dreg:s7], $0x5FFFF;
	_ =	strace $0x90000046  }
0xb8: {  	s29 =	simm.s32 $0x9;
	_ =	strace $0x80000048  }
0xb9: {  	_ =	swait.ge [sflag:s29], $0x1  }
0xba: {  	[sflag:s29] =	ssyncadd.s32 $0xFFFFFFFF  }
0xbb: {  	_ =	strace $0x90000048  }
0xbc: {  	_ =	sfence  }
0xbd: {  	s30 =	sld [smem:$0x0];
	_ =	sdelay $0x2  }
0xbe: {  	s31 =	sshll.u32 s1, $0xD;
	s1 =	sshrl.u32 s1, $0x2  }
0xbf: {  	s3 =	sand.u32 $0x4000, s31;
	s1 =	sadd.s32 s1, s30  }
0xc0: {  	s0 =	sor.u32 s3, s0;
	s1 =	sshll.u32 s1, $0x11  }
0xc1: {  	s0 =	sor.u32 s1, s0  }
0xc2: {  	s0 =	sadd.s32 $0x8F2B, s0  }
0xc3: {  	[sflag:s0] =	ssyncadd.remote.s32 $0x1  }
0xc4: {  	_ =	sfence.sel $0xFFFF  }
0xc5: {  	[dreg:$0x0] =	wrdreg $0xFFFFFFFF;
	(pc) =	sbr.abs _section_cstart, $3  }
0xc6: {  	[dreg:$0x1] =	wrdreg $0xFFFFFFFF  }
0xc7: {  	_ =	task.clear_ibuf [dreg:s7], $0x2FFFF;
	_ =	strace $0x9FFFFFFF  }
0xc8: {  	(tm) =	ssettm $0x7FFFFFFF  }
0xc9: {  	_ =	shalt  }
tec
execute0_lowered:
.L_overlay_start_1:
0x0: {  	(tag) =	ssettag $0x1  }
0x1: {  	s0 =	srdreg.scid  }
0x2: {  	s2 =	stileid.u32;
	s1 =	rddreg [dreg:$0x0]  }
0x3: {  	s3 =	rddreg [dreg:$0x1];
	s0 =	sand.u32 $0x1, s0;
	s2 =	sshll.u32 s2, $0x1  }
0x4: {  	s26 =	simm.s32 $0x0;
	s9 =	simm.s32 $0x100;
	s4 =	sor.u32 s0, s2  }
0x5: {  	s10 =	simm.s32 $0x180;
	[smem:$0x7FF] =	sst s26;
	s2 =	smul.u32 $0x140, s4  }
0x6: {  	_ =	strace $0x80000047;
	[dreg:$0x17] =	wrdreg s9;
	s5 =	smul.u32 $0xA000, s4  }
0x7: {  	s6 =	sadd.s32 $0x3D5000, s3;
	[dreg:$0x18] =	wrdreg s10  }
0x8: {  	s4 =	smul.u32 $0x50000, s4;
	s1 =	sadd.s32 s1, s2;
	s2 =	sadd.s32 s6, s5  }
0x9: {  	[dreg:$0x3] =	wrdreg s1;
	s11 =	sadd.s32 $0x800, s2  }
0xa: {  	s4 =	sshrl.u32 s4, $0x3;
	s12 =	sadd.s32 $0x1000, s2;
	[dreg:$0x4] =	wrdreg s11  }
0xb: {  	s13 =	sadd.s32 $0x1800, s2;
	s4 =	sadd.s32 s6, s4;
	[dreg:$0x5] =	wrdreg s12  }
0xc: {  	[dreg:$0x6] =	wrdreg s13;
	s14 =	sadd.s32 $0x2000, s4  }
0xd: {  	s15 =	sadd.s32 $0x2800, s4;
	[dreg:$0x7] =	wrdreg s14  }
0xe: {  	s16 =	sadd.s32 $0x3000, s4;
	[dreg:$0x8] =	wrdreg s15  }
0xf: {  	s17 =	sadd.s32 $0x3800, s4;
	[dreg:$0x9] =	wrdreg s16  }
0x10: {  	s30 =	simm.s32 $0x3;
	s18 =	sadd.s32 $0x4000, s4;
	[dreg:$0xa] =	wrdreg s17  }
0x11: {  	p0 =	por $0x0, $0x0;
	s19 =	sadd.s32 $0x4800, s4;
	[dreg:$0xb] =	wrdreg s18  }
0x12: {  	s29 =	simm.s32 $0x1;
	s20 =	sadd.s32 $0x5000, s4;
	[dreg:$0xc] =	wrdreg s19  }
0x13: {  	s28 =	sadd.s32 $0x1000, s3;
	s21 =	sadd.s32 $0x5800, s4;
	[dreg:$0xd] =	wrdreg s20  }
0x14: {  	s0 =	ssub.s32 $0x2, s0;
	s22 =	sadd.s32 $0x6000, s4;
	[dreg:$0xe] =	wrdreg s21  }
0x15: {  	s9 =	simm.s32 $0x4A00;
	s23 =	sadd.s32 $0x6800, s4;
	[dreg:$0xf] =	wrdreg s22  }
0x16: {  	s10 =	simm.s32 $0x5A00;
	s24 =	sadd.s32 $0x7000, s4;
	[dreg:$0x10] =	wrdreg s23  }
0x17: {  	s6 =	sshrl.u32 s0, $0x1;
	s25 =	sadd.s32 $0x7800, s4;
	[dreg:$0x11] =	wrdreg s24  }
0x18: {  	s3 =	sadd.s32 $0x8000, s4;
	s5 =	sadd.s32 $0x8800, s4;
	[dreg:$0x12] =	wrdreg s25  }
0x19: {  	s7 =	sadd.s32 $0x9000, s4;
	s0 =	ssub.s32 s0, s6;
	[dreg:$0x13] =	wrdreg s3  }
0x1a: {  	s8 =	sadd.s32 $0x9800, s4;
	s6 =	simm.s32 $0x1A00;
	[dreg:$0x14] =	wrdreg s5  }
0x1b: {  	s11 =	simm.s32 $0x200;
	s12 =	simm.s32 $0x280;
	[dreg:$0x15] =	wrdreg s7  }
0x1c: {  	s13 =	simm.s32 $0x300;
	s4 =	simm.s32 $0x2;
	[dreg:$0x16] =	wrdreg s8  }
0x1d: {  	s0 =	smax.u32 s0, $0x1;
	s3 =	simm.s32 $0x80;
	[dreg:$0x19] =	wrdreg s11  }
0x1e: {  	s5 =	simm.s32 $0xA00;
	s7 =	simm.s32 $0x2A00;
	[dreg:$0x1a] =	wrdreg s12  }
0x1f: {  	s8 =	simm.s32 $0x3A00;
	[dreg:$0x1b] =	wrdreg s13;
	s14 =	simm.s32 $0x380  }
0x20: {  	s11 =	simm.s32 $0x6A00;
	s15 =	simm.s32 $0x400;
	[dreg:$0x1c] =	wrdreg s14  }
0x21: {  	s12 =	simm.s32 $0x7A00;
	s16 =	simm.s32 $0x480;
	[dreg:$0x1d] =	wrdreg s15  }
0x22: {  	s13 =	simm.s32 $0x8A00;
	s17 =	simm.s32 $0x500;
	[dreg:$0x1e] =	wrdreg s16  }
0x23: {  	s18 =	simm.s32 $0x580;
	s19 =	simm.s32 $0x600;
	[dreg:$0x1f] =	wrdreg s17  }
0x24: {  	s20 =	simm.s32 $0x680;
	s21 =	simm.s32 $0x700;
	[smem:$0x7F6] =	sst s18  }
0x25: {  	s22 =	simm.s32 $0x780;
	s23 =	simm.s32 $0x800;
	[smem:$0x7F7] =	sst s19  }
0x26: {  	s24 =	simm.s32 $0x880;
	s25 =	simm.s32 $0x900;
	[smem:$0x7F8] =	sst s20  }
0x27: {  	s14 =	simm.s32 $0x9A00;
	s15 =	simm.s32 $0xAA00;
	[smem:$0x7F9] =	sst s21  }
0x28: {  	s16 =	simm.s32 $0xBA00;
	[smem:$0x7FA] =	sst s22;
	p1 =	sne.s32 s0, $0x1  }
.Ltmp0:
0x29: {  	s17 =	simm.s32 $0xCA00;
	[smem:$0x7FB] =	sst s23;
	(pc) =	sbr.rel @!p1 .LBB2_1-.Ltmp0, $4  }
0x2a: {  	s18 =	simm.s32 $0xDA00;
	s19 =	simm.s32 $0xEA00;
	[smem:$0x7FC] =	sst s24  }
0x2b: {  	s20 =	simm.s32 $0xFA00;
	s21 =	simm.s32 $0x10A00;
	[smem:$0x7FD] =	sst s25  }
0x2c: {  	s22 =	simm.s32 $0x11A00;
	s31 =	sadd.s32 $0xFFFFFFFF, s0;
	s23 =	simm.s32 $0x12A00  }
0x2d: {  	s24 =	simm.s32 $0x13A00;
	s25 =	simm.s32 $0x20;
	s0 =	rddreg [dreg:$0x3]  }
0x2e: {  	[tilespmem:s26], [sflag:$0x3] =	stream.linear.gather [hbm4b:s0+s26], $0xA00, $0x38;
	[tilespmem:$0x14A00] =	vst v63  }
0x2f: {  	_ =	swait.ge [sflag:s30], $0xA00  }
0x30: {  	[sflag:s30] =	ssyncset.done $0x0  }
0x31: {  	[sflag:s30] =	ssyncadd.s32 $0xFFFFF600  }
0x32: {  	[tilespmem:s5], [sflag:$0x1] =	stream.indirect.gather [hbm4b:s28+s3], $0x20, s26, s3, $0xb8;
	[tilespmem:$0x14A00] =	vst v63  }
0x33: {  	s0 =	rddreg [dreg:$0x17]  }
0x34: {  	[tilespmem:s6], [sflag:$0x1] =	stream.indirect.gather [hbm4b:s28+s3], $0x20, s3, s3, $0xb8;
	[tilespmem:$0x14A00] =	vst v63  }
0x35: {  	s1 =	rddreg [dreg:$0x18]  }
0x36: {  	[tilespmem:s7], [sflag:$0x1] =	stream.indirect.gather [hbm4b:s28+s3], $0x20, s0, s3, $0xb8;
	[tilespmem:$0x14A00] =	vst v63  }
0x37: {  	s0 =	rddreg [dreg:$0x19]  }
0x38: {  	[tilespmem:s8], [sflag:$0x1] =	stream.indirect.gather [hbm4b:s28+s3], $0x20, s1, s3, $0xb8;
	[tilespmem:$0x14A00] =	vst v63  }
0x39: {  	s1 =	rddreg [dreg:$0x1a]  }
0x3a: {  	[tilespmem:s9], [sflag:$0x1] =	stream.indirect.gather [hbm4b:s28+s3], $0x20, s0, s3, $0xb8;
	[tilespmem:$0x14A00] =	vst v63  }
0x3b: {  	s0 =	rddreg [dreg:$0x1b]  }
0x3c: {  	[tilespmem:s10], [sflag:$0x1] =	stream.indirect.gather [hbm4b:s28+s3], $0x20, s1, s3, $0xb8;
	[tilespmem:$0x14A00] =	vst v63  }
0x3d: {  	s1 =	rddreg [dreg:$0x1c]  }
0x3e: {  	[tilespmem:s11], [sflag:$0x1] =	stream.indirect.gather [hbm4b:s28+s3], $0x20, s0, s3, $0xb8;
	[tilespmem:$0x14A00] =	vst v63  }
0x3f: {  	s0 =	rddreg [dreg:$0x1d]  }
0x40: {  	[tilespmem:s12], [sflag:$0x1] =	stream.indirect.gather [hbm4b:s28+s3], $0x20, s1, s3, $0xb8;
	[tilespmem:$0x14A00] =	vst v63  }
0x41: {  	s1 =	rddreg [dreg:$0x1e]  }
0x42: {  	[tilespmem:s13], [sflag:$0x1] =	stream.indirect.gather [hbm4b:s28+s3], $0x20, s0, s3, $0xb8;
	[tilespmem:$0x14A00] =	vst v63  }
0x43: {  	s0 =	rddreg [dreg:$0x1f]  }
0x44: {  	[tilespmem:s14], [sflag:$0x1] =	stream.indirect.gather [hbm4b:s28+s3], $0x20, s1, s3, $0xb8;
	[tilespmem:$0x14A00] =	vst v63  }
0x45: {  	s1 =	sld [smem:$0x7F6]  }
0x46: {  	[tilespmem:s15], [sflag:$0x1] =	stream.indirect.gather [hbm4b:s28+s3], $0x20, s0, s3, $0xb8;
	[tilespmem:$0x14A00] =	vst v63  }
0x47: {  	s0 =	sld [smem:$0x7F7]  }
0x48: {  	[tilespmem:s16], [sflag:$0x1] =	stream.indirect.gather [hbm4b:s28+s3], $0x20, s1, s3, $0xb8;
	[tilespmem:$0x14A00] =	vst v63  }
0x49: {  	s1 =	sld [smem:$0x7F8]  }
0x4a: {  	[tilespmem:s17], [sflag:$0x1] =	stream.indirect.gather [hbm4b:s28+s3], $0x20, s0, s3, $0xb8;
	[tilespmem:$0x14A00] =	vst v63  }
0x4b: {  	s0 =	sld [smem:$0x7F9]  }
0x4c: {  	[tilespmem:s18], [sflag:$0x1] =	stream.indirect.gather [hbm4b:s28+s3], $0x20, s1, s3, $0xb8;
	[tilespmem:$0x14A00] =	vst v63  }
0x4d: {  	s1 =	sld [smem:$0x7FA]  }
0x4e: {  	[tilespmem:s19], [sflag:$0x1] =	stream.indirect.gather [hbm4b:s28+s3], $0x20, s0, s3, $0xb8;
	[tilespmem:$0x14A00] =	vst v63  }
0x4f: {  	s0 =	sld [smem:$0x7FB]  }
0x50: {  	[tilespmem:s20], [sflag:$0x1] =	stream.indirect.gather [hbm4b:s28+s3], $0x20, s1, s3, $0xb8;
	[tilespmem:$0x14A00] =	vst v63  }
0x51: {  	s1 =	sld [smem:$0x7FC]  }
0x52: {  	[tilespmem:s21], [sflag:$0x1] =	stream.indirect.gather [hbm4b:s28+s3], $0x20, s0, s3, $0xb8;
	[tilespmem:$0x14A00] =	vst v63  }
0x53: {  	s0 =	sld [smem:$0x7FD]  }
0x54: {  	[tilespmem:s22], [sflag:$0x1] =	stream.indirect.gather [hbm4b:s28+s3], $0x20, s1, s3, $0xb8;
	[tilespmem:$0x14A00] =	vst v63  }
0x55: {  	_ = 	snop  }
0x56: {  	[tilespmem:s23], [sflag:$0x1] =	stream.indirect.gather [hbm4b:s28+s3], $0x20, s0, s3, $0xb8;
	[tilespmem:$0x14A00] =	vst v63  }
0x57: {  	s1 =	simm.s32 $0x980  }
0x58: {  	[tilespmem:s24], [sflag:$0x1] =	stream.indirect.gather [hbm4b:s28+s3], $0x20, s1, s3, $0xb8;
	[tilespmem:$0x14A00] =	vst v63  }
0x59: {  	_ =	swait.ge [sflag:s29], $0x1000  }
0x5a: {  	[sflag:s29] =	ssyncset.done $0x0  }
0x5b: {  	[sflag:s29] =	ssyncadd.s32 $0xFFFFF000  }
0x5c: {  	_ =	swait.ge [sflag:s29], $0x1000  }
0x5d: {  	[sflag:s29] =	ssyncset.done $0x0  }
0x5e: {  	[sflag:s29] =	ssyncadd.s32 $0xFFFFF000  }
0x5f: {  	_ =	swait.ge [sflag:s29], $0x1000  }
0x60: {  	[sflag:s29] =	ssyncset.done $0x0  }
0x61: {  	[sflag:s29] =	ssyncadd.s32 $0xFFFFF000  }
0x62: {  	_ =	swait.ge [sflag:s29], $0x1000  }
0x63: {  	[sflag:s29] =	ssyncset.done $0x0  }
0x64: {  	[sflag:s29] =	ssyncadd.s32 $0xFFFFF000  }
0x65: {  	_ =	swait.ge [sflag:s29], $0x1000  }
0x66: {  	[sflag:s29] =	ssyncset.done $0x0  }
0x67: {  	[sflag:s29] =	ssyncadd.s32 $0xFFFFF000  }
0x68: {  	_ =	swait.ge [sflag:s29], $0x1000  }
0x69: {  	[sflag:s29] =	ssyncset.done $0x0  }
0x6a: {  	[sflag:s29] =	ssyncadd.s32 $0xFFFFF000  }
0x6b: {  	_ =	swait.ge [sflag:s29], $0x1000  }
0x6c: {  	[sflag:s29] =	ssyncset.done $0x0  }
0x6d: {  	[sflag:s29] =	ssyncadd.s32 $0xFFFFF000  }
0x6e: {  	_ =	swait.ge [sflag:s29], $0x1000  }
0x6f: {  	[sflag:s29] =	ssyncset.done $0x0  }
0x70: {  	[sflag:s29] =	ssyncadd.s32 $0xFFFFF000  }
0x71: {  	_ =	swait.ge [sflag:s29], $0x1000  }
0x72: {  	[sflag:s29] =	ssyncset.done $0x0  }
0x73: {  	[sflag:s29] =	ssyncadd.s32 $0xFFFFF000  }
0x74: {  	_ =	swait.ge [sflag:s29], $0x1000  }
0x75: {  	[sflag:s29] =	ssyncset.done $0x0  }
0x76: {  	[sflag:s29] =	ssyncadd.s32 $0xFFFFF000  }
0x77: {  	_ =	swait.ge [sflag:s29], $0x1000  }
0x78: {  	[sflag:s29] =	ssyncset.done $0x0  }
0x79: {  	[sflag:s29] =	ssyncadd.s32 $0xFFFFF000  }
0x7a: {  	_ =	swait.ge [sflag:s29], $0x1000  }
0x7b: {  	[sflag:s29] =	ssyncset.done $0x0  }
0x7c: {  	[sflag:s29] =	ssyncadd.s32 $0xFFFFF000  }
0x7d: {  	_ =	swait.ge [sflag:s29], $0x1000  }
0x7e: {  	[sflag:s29] =	ssyncset.done $0x0  }
0x7f: {  	[sflag:s29] =	ssyncadd.s32 $0xFFFFF000  }
0x80: {  	_ =	swait.ge [sflag:s29], $0x1000  }
0x81: {  	[sflag:s29] =	ssyncset.done $0x0  }
0x82: {  	[sflag:s29] =	ssyncadd.s32 $0xFFFFF000  }
0x83: {  	_ =	swait.ge [sflag:s29], $0x1000  }
0x84: {  	[sflag:s29] =	ssyncset.done $0x0  }
0x85: {  	[sflag:s29] =	ssyncadd.s32 $0xFFFFF000  }
0x86: {  	_ =	swait.ge [sflag:s29], $0x1000  }
0x87: {  	[sflag:s29] =	ssyncset.done $0x0  }
0x88: {  	[sflag:s29] =	ssyncadd.s32 $0xFFFFF000  }
0x89: {  	_ =	swait.ge [sflag:s29], $0x1000  }
0x8a: {  	[sflag:s29] =	ssyncset.done $0x0  }
0x8b: {  	[sflag:s29] =	ssyncadd.s32 $0xFFFFF000  }
0x8c: {  	_ =	swait.ge [sflag:s29], $0x1000  }
0x8d: {  	[sflag:s29] =	ssyncset.done $0x0  }
0x8e: {  	[sflag:s29] =	ssyncadd.s32 $0xFFFFF000  }
0x8f: {  	_ =	swait.ge [sflag:s29], $0x1000  }
0x90: {  	[sflag:s29] =	ssyncset.done $0x0  }
0x91: {  	[sflag:s29] =	ssyncadd.s32 $0xFFFFF000  }
0x92: {  	_ =	swait.ge [sflag:s29], $0x1000  }
0x93: {  	[sflag:s29] =	ssyncset.done $0x0  }
0x94: {  	[sflag:s29] =	ssyncadd.s32 $0xFFFFF000  }
0x95: {  	[hbm4b:s2+s25] =	stream.strided.scatter [tilespmem:s5], [sflag:$0x2], $0x1000, s3, s25, $0x38;
	[tilespmem:$0x14A00] =	vst v63  }
0x96: {  	s0 =	rddreg [dreg:$0x4]  }
0x97: {  	[hbm4b:s0+s25] =	stream.strided.scatter [tilespmem:s6], [sflag:$0x2], $0x1000, s3, s25, $0x38;
	[tilespmem:$0x14A00] =	vst v63  }
0x98: {  	s1 =	rddreg [dreg:$0x5]  }
0x99: {  	[hbm4b:s1+s25] =	stream.strided.scatter [tilespmem:s7], [sflag:$0x2], $0x1000, s3, s25, $0x38;
	[tilespmem:$0x14A00] =	vst v63  }
0x9a: {  	s0 =	rddreg [dreg:$0x6]  }
0x9b: {  	[hbm4b:s0+s25] =	stream.strided.scatter [tilespmem:s8], [sflag:$0x2], $0x1000, s3, s25, $0x38;
	[tilespmem:$0x14A00] =	vst v63  }
0x9c: {  	s1 =	rddreg [dreg:$0x7]  }
0x9d: {  	[hbm4b:s1+s25] =	stream.strided.scatter [tilespmem:s9], [sflag:$0x2], $0x1000, s3, s25, $0x38;
	[tilespmem:$0x14A00] =	vst v63  }
0x9e: {  	s0 =	rddreg [dreg:$0x8]  }
0x9f: {  	[hbm4b:s0+s25] =	stream.strided.scatter [tilespmem:s10], [sflag:$0x2], $0x1000, s3, s25, $0x38;
	[tilespmem:$0x14A00] =	vst v63  }
0xa0: {  	s1 =	rddreg [dreg:$0x9]  }
0xa1: {  	[hbm4b:s1+s25] =	stream.strided.scatter [tilespmem:s11], [sflag:$0x2], $0x1000, s3, s25, $0x38;
	[tilespmem:$0x14A00] =	vst v63  }
0xa2: {  	s0 =	rddreg [dreg:$0xa]  }
0xa3: {  	[hbm4b:s0+s25] =	stream.strided.scatter [tilespmem:s12], [sflag:$0x2], $0x1000, s3, s25, $0x38;
	[tilespmem:$0x14A00] =	vst v63  }
0xa4: {  	s1 =	rddreg [dreg:$0xb]  }
0xa5: {  	[hbm4b:s1+s25] =	stream.strided.scatter [tilespmem:s13], [sflag:$0x2], $0x1000, s3, s25, $0x38;
	[tilespmem:$0x14A00] =	vst v63  }
0xa6: {  	s0 =	rddreg [dreg:$0xc]  }
0xa7: {  	[hbm4b:s0+s25] =	stream.strided.scatter [tilespmem:s14], [sflag:$0x2], $0x1000, s3, s25, $0x38;
	[tilespmem:$0x14A00] =	vst v63  }
0xa8: {  	s1 =	rddreg [dreg:$0xd]  }
0xa9: {  	[hbm4b:s1+s25] =	stream.strided.scatter [tilespmem:s15], [sflag:$0x2], $0x1000, s3, s25, $0x38;
	[tilespmem:$0x14A00] =	vst v63  }
0xaa: {  	s0 =	rddreg [dreg:$0xe]  }
0xab: {  	[hbm4b:s0+s25] =	stream.strided.scatter [tilespmem:s16], [sflag:$0x2], $0x1000, s3, s25, $0x38;
	[tilespmem:$0x14A00] =	vst v63  }
0xac: {  	s1 =	rddreg [dreg:$0xf]  }
0xad: {  	[hbm4b:s1+s25] =	stream.strided.scatter [tilespmem:s17], [sflag:$0x2], $0x1000, s3, s25, $0x38;
	[tilespmem:$0x14A00] =	vst v63  }
0xae: {  	s0 =	rddreg [dreg:$0x10]  }
0xaf: {  	[hbm4b:s0+s25] =	stream.strided.scatter [tilespmem:s18], [sflag:$0x2], $0x1000, s3, s25, $0x38;
	[tilespmem:$0x14A00] =	vst v63  }
0xb0: {  	s1 =	rddreg [dreg:$0x11]  }
0xb1: {  	[hbm4b:s1+s25] =	stream.strided.scatter [tilespmem:s19], [sflag:$0x2], $0x1000, s3, s25, $0x38;
	[tilespmem:$0x14A00] =	vst v63  }
0xb2: {  	s0 =	rddreg [dreg:$0x12]  }
0xb3: {  	[hbm4b:s0+s25] =	stream.strided.scatter [tilespmem:s20], [sflag:$0x2], $0x1000, s3, s25, $0x38;
	[tilespmem:$0x14A00] =	vst v63  }
0xb4: {  	s1 =	rddreg [dreg:$0x13]  }
0xb5: {  	[hbm4b:s1+s25] =	stream.strided.scatter [tilespmem:s21], [sflag:$0x2], $0x1000, s3, s25, $0x38;
	[tilespmem:$0x14A00] =	vst v63  }
0xb6: {  	s0 =	rddreg [dreg:$0x14]  }
0xb7: {  	[hbm4b:s0+s25] =	stream.strided.scatter [tilespmem:s22], [sflag:$0x2], $0x1000, s3, s25, $0x38;
	[tilespmem:$0x14A00] =	vst v63  }
0xb8: {  	s1 =	rddreg [dreg:$0x15]  }
0xb9: {  	[hbm4b:s1+s25] =	stream.strided.scatter [tilespmem:s23], [sflag:$0x2], $0x1000, s3, s25, $0x38;
	[tilespmem:$0x14A00] =	vst v63  }
0xba: {  	s0 =	rddreg [dreg:$0x16]  }
0xbb: {  	[hbm4b:s0+s25] =	stream.strided.scatter [tilespmem:s24], [sflag:$0x2], $0x1000, s3, s25, $0x38;
	[tilespmem:$0x14A00] =	vst v63  }
0xbc: {  	_ =	swait.ge [sflag:s4], $0x1000  }
0xbd: {  	[sflag:s4] =	ssyncset.done $0x0  }
0xbe: {  	[sflag:s4] =	ssyncadd.s32 $0xFFFFF000  }
0xbf: {  	_ =	swait.ge [sflag:s4], $0x1000  }
0xc0: {  	[sflag:s4] =	ssyncset.done $0x0  }
0xc1: {  	[sflag:s4] =	ssyncadd.s32 $0xFFFFF000  }
0xc2: {  	_ =	swait.ge [sflag:s4], $0x1000  }
0xc3: {  	[sflag:s4] =	ssyncset.done $0x0  }
0xc4: {  	[sflag:s4] =	ssyncadd.s32 $0xFFFFF000  }
0xc5: {  	_ =	swait.ge [sflag:s4], $0x1000  }
0xc6: {  	[sflag:s4] =	ssyncset.done $0x0  }
0xc7: {  	[sflag:s4] =	ssyncadd.s32 $0xFFFFF000  }
0xc8: {  	_ =	swait.ge [sflag:s4], $0x1000  }
0xc9: {  	[sflag:s4] =	ssyncset.done $0x0  }
0xca: {  	[sflag:s4] =	ssyncadd.s32 $0xFFFFF000  }
0xcb: {  	_ =	swait.ge [sflag:s4], $0x1000  }
0xcc: {  	[sflag:s4] =	ssyncset.done $0x0  }
0xcd: {  	[sflag:s4] =	ssyncadd.s32 $0xFFFFF000  }
0xce: {  	_ =	swait.ge [sflag:s4], $0x1000  }
0xcf: {  	[sflag:s4] =	ssyncset.done $0x0  }
0xd0: {  	[sflag:s4] =	ssyncadd.s32 $0xFFFFF000  }
0xd1: {  	_ =	swait.ge [sflag:s4], $0x1000  }
0xd2: {  	[sflag:s4] =	ssyncset.done $0x0  }
0xd3: {  	[sflag:s4] =	ssyncadd.s32 $0xFFFFF000  }
0xd4: {  	_ =	swait.ge [sflag:s4], $0x1000  }
0xd5: {  	[sflag:s4] =	ssyncset.done $0x0  }
0xd6: {  	[sflag:s4] =	ssyncadd.s32 $0xFFFFF000  }
0xd7: {  	_ =	swait.ge [sflag:s4], $0x1000  }
0xd8: {  	[sflag:s4] =	ssyncset.done $0x0  }
0xd9: {  	[sflag:s4] =	ssyncadd.s32 $0xFFFFF000  }
0xda: {  	_ =	swait.ge [sflag:s4], $0x1000  }
0xdb: {  	[sflag:s4] =	ssyncset.done $0x0  }
0xdc: {  	[sflag:s4] =	ssyncadd.s32 $0xFFFFF000  }
0xdd: {  	_ =	swait.ge [sflag:s4], $0x1000  }
0xde: {  	[sflag:s4] =	ssyncset.done $0x0  }
0xdf: {  	[sflag:s4] =	ssyncadd.s32 $0xFFFFF000  }
0xe0: {  	_ =	swait.ge [sflag:s4], $0x1000  }
0xe1: {  	[sflag:s4] =	ssyncset.done $0x0  }
0xe2: {  	[sflag:s4] =	ssyncadd.s32 $0xFFFFF000  }
0xe3: {  	_ =	swait.ge [sflag:s4], $0x1000  }
0xe4: {  	[sflag:s4] =	ssyncset.done $0x0  }
0xe5: {  	[sflag:s4] =	ssyncadd.s32 $0xFFFFF000  }
0xe6: {  	_ =	swait.ge [sflag:s4], $0x1000  }
0xe7: {  	[sflag:s4] =	ssyncset.done $0x0  }
0xe8: {  	[sflag:s4] =	ssyncadd.s32 $0xFFFFF000  }
0xe9: {  	_ =	swait.ge [sflag:s4], $0x1000  }
0xea: {  	[sflag:s4] =	ssyncset.done $0x0  }
0xeb: {  	[sflag:s4] =	ssyncadd.s32 $0xFFFFF000  }
0xec: {  	_ =	swait.ge [sflag:s4], $0x1000  }
0xed: {  	[sflag:s4] =	ssyncset.done $0x0  }
0xee: {  	[sflag:s4] =	ssyncadd.s32 $0xFFFFF000  }
0xef: {  	_ =	swait.ge [sflag:s4], $0x1000  }
0xf0: {  	[sflag:s4] =	ssyncset.done $0x0  }
0xf1: {  	p1 =	sne.s32 s31, $0x1;
	[sflag:s4] =	ssyncadd.s32 $0xFFFFF000  }
.Ltmp1:
0xf2: {  	_ =	swait.ge [sflag:s4], $0x1000;
	(pc) =	sbr.rel @!p1 .LBB2_3-.Ltmp1, $4  }
0xf3: {  	[sflag:s4] =	ssyncset.done $0x0  }
0xf4: {  	[sflag:s4] =	ssyncadd.s32 $0xFFFFF000  }
0xf5: {  	p0 =	por $0x1, $0x1;
	_ =	swait.ge [sflag:s4], $0x1000  }
0xf6: {  	s1 =	sadd.s32 $0xFFFFFFFF, s31;
	s0 =	rddreg [dreg:$0x3];
	[sflag:s4] =	ssyncset.done $0x0  }
.LBB2_4:
0xf7: {  	[sflag:s4] =	ssyncadd.s32 $0xFFFFF000  }
0xf8: {  	[tilespmem:s26], [sflag:$0x3] =	stream.linear.gather [hbm4b:s0+s26], $0xA00, $0x38;
	[tilespmem:$0x14A00] =	vst v63  }
0xf9: {  	_ =	swait.ge [sflag:s30], $0xA00  }
0xfa: {  	[sflag:s30] =	ssyncset.done $0x0  }
0xfb: {  	[sflag:s30] =	ssyncadd.s32 $0xFFFFF600  }
0xfc: {  	[tilespmem:s5], [sflag:$0x1] =	stream.indirect.gather [hbm4b:s28+s3], $0x20, s26, s3, $0xb8;
	[tilespmem:$0x14A00] =	vst v63  }
0xfd: {  	s0 =	rddreg [dreg:$0x17]  }
0xfe: {  	[tilespmem:s6], [sflag:$0x1] =	stream.indirect.gather [hbm4b:s28+s3], $0x20, s3, s3, $0xb8;
	[tilespmem:$0x14A00] =	vst v63  }
0xff: {  	s31 =	rddreg [dreg:$0x18]  }
0x100: {  	[tilespmem:s7], [sflag:$0x1] =	stream.indirect.gather [hbm4b:s28+s3], $0x20, s0, s3, $0xb8;
	[tilespmem:$0x14A00] =	vst v63  }
0x101: {  	s0 =	rddreg [dreg:$0x19]  }
0x102: {  	[tilespmem:s8], [sflag:$0x1] =	stream.indirect.gather [hbm4b:s28+s3], $0x20, s31, s3, $0xb8;
	[tilespmem:$0x14A00] =	vst v63  }
0x103: {  	s31 =	rddreg [dreg:$0x1a]  }
0x104: {  	[tilespmem:s9], [sflag:$0x1] =	stream.indirect.gather [hbm4b:s28+s3], $0x20, s0, s3, $0xb8;
	[tilespmem:$0x14A00] =	vst v63  }
0x105: {  	s0 =	rddreg [dreg:$0x1b]  }
0x106: {  	[tilespmem:s10], [sflag:$0x1] =	stream.indirect.gather [hbm4b:s28+s3], $0x20, s31, s3, $0xb8;
	[tilespmem:$0x14A00] =	vst v63  }
0x107: {  	s31 =	rddreg [dreg:$0x1c]  }
0x108: {  	[tilespmem:s11], [sflag:$0x1] =	stream.indirect.gather [hbm4b:s28+s3], $0x20, s0, s3, $0xb8;
	[tilespmem:$0x14A00] =	vst v63  }
0x109: {  	s0 =	rddreg [dreg:$0x1d]  }
0x10a: {  	[tilespmem:s12], [sflag:$0x1] =	stream.indirect.gather [hbm4b:s28+s3], $0x20, s31, s3, $0xb8;
	[tilespmem:$0x14A00] =	vst v63  }
0x10b: {  	s31 =	rddreg [dreg:$0x1e]  }
0x10c: {  	[tilespmem:s13], [sflag:$0x1] =	stream.indirect.gather [hbm4b:s28+s3], $0x20, s0, s3, $0xb8;
	[tilespmem:$0x14A00] =	vst v63  }
0x10d: {  	s0 =	rddreg [dreg:$0x1f]  }
0x10e: {  	[tilespmem:s14], [sflag:$0x1] =	stream.indirect.gather [hbm4b:s28+s3], $0x20, s31, s3, $0xb8;
	[tilespmem:$0x14A00] =	vst v63  }
0x10f: {  	s31 =	sld [smem:$0x7F6]  }
0x110: {  	[tilespmem:s15], [sflag:$0x1] =	stream.indirect.gather [hbm4b:s28+s3], $0x20, s0, s3, $0xb8;
	[tilespmem:$0x14A00] =	vst v63  }
0x111: {  	s0 =	sld [smem:$0x7F7]  }
0x112: {  	[tilespmem:s16], [sflag:$0x1] =	stream.indirect.gather [hbm4b:s28+s3], $0x20, s31, s3, $0xb8;
	[tilespmem:$0x14A00] =	vst v63  }
0x113: {  	s31 =	sld [smem:$0x7F8]  }
0x114: {  	[tilespmem:s17], [sflag:$0x1] =	stream.indirect.gather [hbm4b:s28+s3], $0x20, s0, s3, $0xb8;
	[tilespmem:$0x14A00] =	vst v63  }
0x115: {  	s0 =	sld [smem:$0x7F9]  }
0x116: {  	[tilespmem:s18], [sflag:$0x1] =	stream.indirect.gather [hbm4b:s28+s3], $0x20, s31, s3, $0xb8;
	[tilespmem:$0x14A00] =	vst v63  }
0x117: {  	s31 =	sld [smem:$0x7FA]  }
0x118: {  	[tilespmem:s19], [sflag:$0x1] =	stream.indirect.gather [hbm4b:s28+s3], $0x20, s0, s3, $0xb8;
	[tilespmem:$0x14A00] =	vst v63  }
0x119: {  	s0 =	sld [smem:$0x7FB]  }
0x11a: {  	[tilespmem:s20], [sflag:$0x1] =	stream.indirect.gather [hbm4b:s28+s3], $0x20, s31, s3, $0xb8;
	[tilespmem:$0x14A00] =	vst v63  }
0x11b: {  	s31 =	sld [smem:$0x7FC]  }
0x11c: {  	[tilespmem:s21], [sflag:$0x1] =	stream.indirect.gather [hbm4b:s28+s3], $0x20, s0, s3, $0xb8;
	[tilespmem:$0x14A00] =	vst v63  }
0x11d: {  	s0 =	sld [smem:$0x7FD]  }
0x11e: {  	[tilespmem:s22], [sflag:$0x1] =	stream.indirect.gather [hbm4b:s28+s3], $0x20, s31, s3, $0xb8;
	[tilespmem:$0x14A00] =	vst v63  }
0x11f: {  	_ = 	snop  }
0x120: {  	[tilespmem:s23], [sflag:$0x1] =	stream.indirect.gather [hbm4b:s28+s3], $0x20, s0, s3, $0xb8;
	[tilespmem:$0x14A00] =	vst v63  }
0x121: {  	s31 =	simm.s32 $0x980  }
0x122: {  	[tilespmem:s24], [sflag:$0x1] =	stream.indirect.gather [hbm4b:s28+s3], $0x20, s31, s3, $0xb8;
	[tilespmem:$0x14A00] =	vst v63  }
0x123: {  	_ =	swait.ge [sflag:s29], $0x1000  }
0x124: {  	[sflag:s29] =	ssyncset.done $0x0  }
0x125: {  	[sflag:s29] =	ssyncadd.s32 $0xFFFFF000  }
0x126: {  	_ =	swait.ge [sflag:s29], $0x1000  }
0x127: {  	[sflag:s29] =	ssyncset.done $0x0  }
0x128: {  	[sflag:s29] =	ssyncadd.s32 $0xFFFFF000  }
0x129: {  	_ =	swait.ge [sflag:s29], $0x1000  }
0x12a: {  	[sflag:s29] =	ssyncset.done $0x0  }
0x12b: {  	[sflag:s29] =	ssyncadd.s32 $0xFFFFF000  }
0x12c: {  	_ =	swait.ge [sflag:s29], $0x1000  }
0x12d: {  	[sflag:s29] =	ssyncset.done $0x0  }
0x12e: {  	[sflag:s29] =	ssyncadd.s32 $0xFFFFF000  }
0x12f: {  	_ =	swait.ge [sflag:s29], $0x1000  }
0x130: {  	[sflag:s29] =	ssyncset.done $0x0  }
0x131: {  	[sflag:s29] =	ssyncadd.s32 $0xFFFFF000  }
0x132: {  	_ =	swait.ge [sflag:s29], $0x1000  }
0x133: {  	[sflag:s29] =	ssyncset.done $0x0  }
0x134: {  	[sflag:s29] =	ssyncadd.s32 $0xFFFFF000  }
0x135: {  	_ =	swait.ge [sflag:s29], $0x1000  }
0x136: {  	[sflag:s29] =	ssyncset.done $0x0  }
0x137: {  	[sflag:s29] =	ssyncadd.s32 $0xFFFFF000  }
0x138: {  	_ =	swait.ge [sflag:s29], $0x1000  }
0x139: {  	[sflag:s29] =	ssyncset.done $0x0  }
0x13a: {  	[sflag:s29] =	ssyncadd.s32 $0xFFFFF000  }
0x13b: {  	_ =	swait.ge [sflag:s29], $0x1000  }
0x13c: {  	[sflag:s29] =	ssyncset.done $0x0  }
0x13d: {  	[sflag:s29] =	ssyncadd.s32 $0xFFFFF000  }
0x13e: {  	_ =	swait.ge [sflag:s29], $0x1000  }
0x13f: {  	[sflag:s29] =	ssyncset.done $0x0  }
0x140: {  	[sflag:s29] =	ssyncadd.s32 $0xFFFFF000  }
0x141: {  	_ =	swait.ge [sflag:s29], $0x1000  }
0x142: {  	[sflag:s29] =	ssyncset.done $0x0  }
0x143: {  	[sflag:s29] =	ssyncadd.s32 $0xFFFFF000  }
0x144: {  	_ =	swait.ge [sflag:s29], $0x1000  }
0x145: {  	[sflag:s29] =	ssyncset.done $0x0  }
0x146: {  	[sflag:s29] =	ssyncadd.s32 $0xFFFFF000  }
0x147: {  	_ =	swait.ge [sflag:s29], $0x1000  }
0x148: {  	[sflag:s29] =	ssyncset.done $0x0  }
0x149: {  	[sflag:s29] =	ssyncadd.s32 $0xFFFFF000  }
0x14a: {  	_ =	swait.ge [sflag:s29], $0x1000  }
0x14b: {  	[sflag:s29] =	ssyncset.done $0x0  }
0x14c: {  	[sflag:s29] =	ssyncadd.s32 $0xFFFFF000  }
0x14d: {  	_ =	swait.ge [sflag:s29], $0x1000  }
0x14e: {  	[sflag:s29] =	ssyncset.done $0x0  }
0x14f: {  	[sflag:s29] =	ssyncadd.s32 $0xFFFFF000  }
0x150: {  	_ =	swait.ge [sflag:s29], $0x1000  }
0x151: {  	[sflag:s29] =	ssyncset.done $0x0  }
0x152: {  	[sflag:s29] =	ssyncadd.s32 $0xFFFFF000  }
0x153: {  	_ =	swait.ge [sflag:s29], $0x1000  }
0x154: {  	[sflag:s29] =	ssyncset.done $0x0  }
0x155: {  	[sflag:s29] =	ssyncadd.s32 $0xFFFFF000  }
0x156: {  	_ =	swait.ge [sflag:s29], $0x1000  }
0x157: {  	[sflag:s29] =	ssyncset.done $0x0  }
0x158: {  	[sflag:s29] =	ssyncadd.s32 $0xFFFFF000  }
0x159: {  	_ =	swait.ge [sflag:s29], $0x1000  }
0x15a: {  	[sflag:s29] =	ssyncset.done $0x0  }
0x15b: {  	[sflag:s29] =	ssyncadd.s32 $0xFFFFF000  }
0x15c: {  	_ =	swait.ge [sflag:s29], $0x1000  }
0x15d: {  	[sflag:s29] =	ssyncset.done $0x0  }
0x15e: {  	[sflag:s29] =	ssyncadd.s32 $0xFFFFF000  }
0x15f: {  	[hbm4b:s2+s25] =	stream.strided.scatter [tilespmem:s5], [sflag:$0x2], $0x1000, s3, s25, $0x38;
	[tilespmem:$0x14A00] =	vst v63  }
0x160: {  	s0 =	rddreg [dreg:$0x4]  }
0x161: {  	[hbm4b:s0+s25] =	stream.strided.scatter [tilespmem:s6], [sflag:$0x2], $0x1000, s3, s25, $0x38;
	[tilespmem:$0x14A00] =	vst v63  }
0x162: {  	s31 =	rddreg [dreg:$0x5]  }
0x163: {  	[hbm4b:s31+s25] =	stream.strided.scatter [tilespmem:s7], [sflag:$0x2], $0x1000, s3, s25, $0x38;
	[tilespmem:$0x14A00] =	vst v63  }
0x164: {  	s0 =	rddreg [dreg:$0x6]  }
0x165: {  	[hbm4b:s0+s25] =	stream.strided.scatter [tilespmem:s8], [sflag:$0x2], $0x1000, s3, s25, $0x38;
	[tilespmem:$0x14A00] =	vst v63  }
0x166: {  	s31 =	rddreg [dreg:$0x7]  }
0x167: {  	[hbm4b:s31+s25] =	stream.strided.scatter [tilespmem:s9], [sflag:$0x2], $0x1000, s3, s25, $0x38;
	[tilespmem:$0x14A00] =	vst v63  }
0x168: {  	s0 =	rddreg [dreg:$0x8]  }
0x169: {  	[hbm4b:s0+s25] =	stream.strided.scatter [tilespmem:s10], [sflag:$0x2], $0x1000, s3, s25, $0x38;
	[tilespmem:$0x14A00] =	vst v63  }
0x16a: {  	s31 =	rddreg [dreg:$0x9]  }
0x16b: {  	[hbm4b:s31+s25] =	stream.strided.scatter [tilespmem:s11], [sflag:$0x2], $0x1000, s3, s25, $0x38;
	[tilespmem:$0x14A00] =	vst v63  }
0x16c: {  	s0 =	rddreg [dreg:$0xa]  }
0x16d: {  	[hbm4b:s0+s25] =	stream.strided.scatter [tilespmem:s12], [sflag:$0x2], $0x1000, s3, s25, $0x38;
	[tilespmem:$0x14A00] =	vst v63  }
0x16e: {  	s31 =	rddreg [dreg:$0xb]  }
0x16f: {  	[hbm4b:s31+s25] =	stream.strided.scatter [tilespmem:s13], [sflag:$0x2], $0x1000, s3, s25, $0x38;
	[tilespmem:$0x14A00] =	vst v63  }
0x170: {  	s0 =	rddreg [dreg:$0xc]  }
0x171: {  	[hbm4b:s0+s25] =	stream.strided.scatter [tilespmem:s14], [sflag:$0x2], $0x1000, s3, s25, $0x38;
	[tilespmem:$0x14A00] =	vst v63  }
0x172: {  	s31 =	rddreg [dreg:$0xd]  }
0x173: {  	[hbm4b:s31+s25] =	stream.strided.scatter [tilespmem:s15], [sflag:$0x2], $0x1000, s3, s25, $0x38;
	[tilespmem:$0x14A00] =	vst v63  }
0x174: {  	s0 =	rddreg [dreg:$0xe]  }
0x175: {  	[hbm4b:s0+s25] =	stream.strided.scatter [tilespmem:s16], [sflag:$0x2], $0x1000, s3, s25, $0x38;
	[tilespmem:$0x14A00] =	vst v63  }
0x176: {  	s31 =	rddreg [dreg:$0xf]  }
0x177: {  	[hbm4b:s31+s25] =	stream.strided.scatter [tilespmem:s17], [sflag:$0x2], $0x1000, s3, s25, $0x38;
	[tilespmem:$0x14A00] =	vst v63  }
0x178: {  	s0 =	rddreg [dreg:$0x10]  }
0x179: {  	[hbm4b:s0+s25] =	stream.strided.scatter [tilespmem:s18], [sflag:$0x2], $0x1000, s3, s25, $0x38;
	[tilespmem:$0x14A00] =	vst v63  }
0x17a: {  	s31 =	rddreg [dreg:$0x11]  }
0x17b: {  	[hbm4b:s31+s25] =	stream.strided.scatter [tilespmem:s19], [sflag:$0x2], $0x1000, s3, s25, $0x38;
	[tilespmem:$0x14A00] =	vst v63  }
0x17c: {  	s0 =	rddreg [dreg:$0x12]  }
0x17d: {  	[hbm4b:s0+s25] =	stream.strided.scatter [tilespmem:s20], [sflag:$0x2], $0x1000, s3, s25, $0x38;
	[tilespmem:$0x14A00] =	vst v63  }
0x17e: {  	s31 =	rddreg [dreg:$0x13]  }
0x17f: {  	[hbm4b:s31+s25] =	stream.strided.scatter [tilespmem:s21], [sflag:$0x2], $0x1000, s3, s25, $0x38;
	[tilespmem:$0x14A00] =	vst v63  }
0x180: {  	s0 =	rddreg [dreg:$0x14]  }
0x181: {  	[hbm4b:s0+s25] =	stream.strided.scatter [tilespmem:s22], [sflag:$0x2], $0x1000, s3, s25, $0x38;
	[tilespmem:$0x14A00] =	vst v63  }
0x182: {  	s31 =	rddreg [dreg:$0x15]  }
0x183: {  	[hbm4b:s31+s25] =	stream.strided.scatter [tilespmem:s23], [sflag:$0x2], $0x1000, s3, s25, $0x38;
	[tilespmem:$0x14A00] =	vst v63  }
0x184: {  	s0 =	rddreg [dreg:$0x16]  }
0x185: {  	[hbm4b:s0+s25] =	stream.strided.scatter [tilespmem:s24], [sflag:$0x2], $0x1000, s3, s25, $0x38;
	[tilespmem:$0x14A00] =	vst v63  }
0x186: {  	_ =	swait.ge [sflag:s4], $0x1000  }
0x187: {  	[sflag:s4] =	ssyncset.done $0x0  }
0x188: {  	[sflag:s4] =	ssyncadd.s32 $0xFFFFF000  }
0x189: {  	_ =	swait.ge [sflag:s4], $0x1000  }
0x18a: {  	[sflag:s4] =	ssyncset.done $0x0  }
0x18b: {  	[sflag:s4] =	ssyncadd.s32 $0xFFFFF000  }
0x18c: {  	_ =	swait.ge [sflag:s4], $0x1000  }
0x18d: {  	[sflag:s4] =	ssyncset.done $0x0  }
0x18e: {  	[sflag:s4] =	ssyncadd.s32 $0xFFFFF000  }
0x18f: {  	_ =	swait.ge [sflag:s4], $0x1000  }
0x190: {  	[sflag:s4] =	ssyncset.done $0x0  }
0x191: {  	[sflag:s4] =	ssyncadd.s32 $0xFFFFF000  }
0x192: {  	_ =	swait.ge [sflag:s4], $0x1000  }
0x193: {  	[sflag:s4] =	ssyncset.done $0x0  }
0x194: {  	[sflag:s4] =	ssyncadd.s32 $0xFFFFF000  }
0x195: {  	_ =	swait.ge [sflag:s4], $0x1000  }
0x196: {  	[sflag:s4] =	ssyncset.done $0x0  }
0x197: {  	[sflag:s4] =	ssyncadd.s32 $0xFFFFF000  }
0x198: {  	_ =	swait.ge [sflag:s4], $0x1000  }
0x199: {  	[sflag:s4] =	ssyncset.done $0x0  }
0x19a: {  	[sflag:s4] =	ssyncadd.s32 $0xFFFFF000  }
0x19b: {  	_ =	swait.ge [sflag:s4], $0x1000  }
0x19c: {  	[sflag:s4] =	ssyncset.done $0x0  }
0x19d: {  	[sflag:s4] =	ssyncadd.s32 $0xFFFFF000  }
0x19e: {  	_ =	swait.ge [sflag:s4], $0x1000  }
0x19f: {  	[sflag:s4] =	ssyncset.done $0x0  }
0x1a0: {  	[sflag:s4] =	ssyncadd.s32 $0xFFFFF000  }
0x1a1: {  	_ =	swait.ge [sflag:s4], $0x1000  }
0x1a2: {  	[sflag:s4] =	ssyncset.done $0x0  }
0x1a3: {  	[sflag:s4] =	ssyncadd.s32 $0xFFFFF000  }
0x1a4: {  	_ =	swait.ge [sflag:s4], $0x1000  }
0x1a5: {  	[sflag:s4] =	ssyncset.done $0x0  }
0x1a6: {  	[sflag:s4] =	ssyncadd.s32 $0xFFFFF000  }
0x1a7: {  	_ =	swait.ge [sflag:s4], $0x1000  }
0x1a8: {  	[sflag:s4] =	ssyncset.done $0x0  }
0x1a9: {  	[sflag:s4] =	ssyncadd.s32 $0xFFFFF000  }
0x1aa: {  	_ =	swait.ge [sflag:s4], $0x1000  }
0x1ab: {  	[sflag:s4] =	ssyncset.done $0x0  }
0x1ac: {  	[sflag:s4] =	ssyncadd.s32 $0xFFFFF000  }
0x1ad: {  	_ =	swait.ge [sflag:s4], $0x1000  }
0x1ae: {  	[sflag:s4] =	ssyncset.done $0x0  }
0x1af: {  	[sflag:s4] =	ssyncadd.s32 $0xFFFFF000  }
0x1b0: {  	_ =	swait.ge [sflag:s4], $0x1000  }
0x1b1: {  	[sflag:s4] =	ssyncset.done $0x0  }
0x1b2: {  	[sflag:s4] =	ssyncadd.s32 $0xFFFFF000  }
0x1b3: {  	_ =	swait.ge [sflag:s4], $0x1000  }
0x1b4: {  	[sflag:s4] =	ssyncset.done $0x0  }
0x1b5: {  	[sflag:s4] =	ssyncadd.s32 $0xFFFFF000  }
0x1b6: {  	_ =	swait.ge [sflag:s4], $0x1000  }
0x1b7: {  	[sflag:s4] =	ssyncset.done $0x0  }
0x1b8: {  	[sflag:s4] =	ssyncadd.s32 $0xFFFFF000  }
0x1b9: {  	_ =	swait.ge [sflag:s4], $0x1000  }
0x1ba: {  	[sflag:s4] =	ssyncset.done $0x0  }
0x1bb: {  	p1 =	sne.s32 s1, $0x1;
	[sflag:s4] =	ssyncadd.s32 $0xFFFFF000  }
.Ltmp2:
0x1bc: {  	_ =	swait.ge [sflag:s4], $0x1000;
	(pc) =	sbr.rel @p1 .LBB2_4-.Ltmp2, $4  }
0x1bd: {  	[sflag:s4] =	ssyncset.done $0x0  }
0x1be: {  	[sflag:s4] =	ssyncadd.s32 $0xFFFFF000  }
0x1bf: {  	_ =	swait.ge [sflag:s4], $0x1000  }
0x1c0: {  	s1 =	sadd.s32 $0xFFFFFFFF, s1;
	s0 =	rddreg [dreg:$0x3];
	[sflag:s4] =	ssyncset.done $0x0  }
0x1c1: {  	s31 =	simm.s32 $0x980  }
.LBB2_6:
0x1c2: {  	[sflag:s4] =	ssyncadd.s32 @p0 $0xFFFFF000  }
0x1c3: {  	[tilespmem:s26], [sflag:$0x3] =	stream.linear.gather [hbm4b:s0+s26], $0xA00, $0x38;
	[tilespmem:$0x14A00] =	vst v63  }
0x1c4: {  	_ =	swait.ge [sflag:s30], $0xA00  }
0x1c5: {  	[sflag:s30] =	ssyncset.done $0x0  }
0x1c6: {  	[sflag:s30] =	ssyncadd.s32 $0xFFFFF600  }
0x1c7: {  	[tilespmem:s5], [sflag:$0x1] =	stream.indirect.gather [hbm4b:s28+s3], $0x20, s26, s3, $0xb8;
	[tilespmem:$0x14A00] =	vst v63  }
0x1c8: {  	s1 =	rddreg [dreg:$0x18]  }
0x1c9: {  	[tilespmem:s6], [sflag:$0x1] =	stream.indirect.gather [hbm4b:s28+s3], $0x20, s3, s3, $0xb8;
	[tilespmem:$0x14A00] =	vst v63  }
0x1ca: {  	s26 =	rddreg [dreg:$0x17]  }
0x1cb: {  	[tilespmem:s7], [sflag:$0x1] =	stream.indirect.gather [hbm4b:s28+s3], $0x20, s26, s3, $0xb8;
	[tilespmem:$0x14A00] =	vst v63  }
0x1cc: {  	s30 =	rddreg [dreg:$0x19]  }
0x1cd: {  	[tilespmem:s8], [sflag:$0x1] =	stream.indirect.gather [hbm4b:s28+s3], $0x20, s1, s3, $0xb8;
	[tilespmem:$0x14A00] =	vst v63  }
0x1ce: {  	s26 =	rddreg [dreg:$0x1a]  }
0x1cf: {  	[tilespmem:s9], [sflag:$0x1] =	stream.indirect.gather [hbm4b:s28+s3], $0x20, s30, s3, $0xb8;
	[tilespmem:$0x14A00] =	vst v63  }
0x1d0: {  	s30 =	rddreg [dreg:$0x1b]  }
0x1d1: {  	[tilespmem:s10], [sflag:$0x1] =	stream.indirect.gather [hbm4b:s28+s3], $0x20, s26, s3, $0xb8;
	[tilespmem:$0x14A00] =	vst v63  }
0x1d2: {  	s26 =	rddreg [dreg:$0x1c]  }
0x1d3: {  	[tilespmem:s11], [sflag:$0x1] =	stream.indirect.gather [hbm4b:s28+s3], $0x20, s30, s3, $0xb8;
	[tilespmem:$0x14A00] =	vst v63  }
0x1d4: {  	s30 =	rddreg [dreg:$0x1d]  }
0x1d5: {  	[tilespmem:s12], [sflag:$0x1] =	stream.indirect.gather [hbm4b:s28+s3], $0x20, s26, s3, $0xb8;
	[tilespmem:$0x14A00] =	vst v63  }
0x1d6: {  	s26 =	rddreg [dreg:$0x1e]  }
0x1d7: {  	[tilespmem:s13], [sflag:$0x1] =	stream.indirect.gather [hbm4b:s28+s3], $0x20, s30, s3, $0xb8;
	[tilespmem:$0x14A00] =	vst v63  }
0x1d8: {  	s30 =	rddreg [dreg:$0x1f]  }
0x1d9: {  	[tilespmem:s14], [sflag:$0x1] =	stream.indirect.gather [hbm4b:s28+s3], $0x20, s26, s3, $0xb8;
	[tilespmem:$0x14A00] =	vst v63  }
0x1da: {  	s26 =	sld [smem:$0x7F6]  }
0x1db: {  	[tilespmem:s15], [sflag:$0x1] =	stream.indirect.gather [hbm4b:s28+s3], $0x20, s30, s3, $0xb8;
	[tilespmem:$0x14A00] =	vst v63  }
0x1dc: {  	s30 =	sld [smem:$0x7F7]  }
0x1dd: {  	[tilespmem:s16], [sflag:$0x1] =	stream.indirect.gather [hbm4b:s28+s3], $0x20, s26, s3, $0xb8;
	[tilespmem:$0x14A00] =	vst v63  }
0x1de: {  	s26 =	sld [smem:$0x7F8]  }
0x1df: {  	[tilespmem:s17], [sflag:$0x1] =	stream.indirect.gather [hbm4b:s28+s3], $0x20, s30, s3, $0xb8;
	[tilespmem:$0x14A00] =	vst v63  }
0x1e0: {  	s30 =	sld [smem:$0x7F9]  }
0x1e1: {  	[tilespmem:s18], [sflag:$0x1] =	stream.indirect.gather [hbm4b:s28+s3], $0x20, s26, s3, $0xb8;
	[tilespmem:$0x14A00] =	vst v63  }
0x1e2: {  	s26 =	sld [smem:$0x7FA]  }
0x1e3: {  	[tilespmem:s19], [sflag:$0x1] =	stream.indirect.gather [hbm4b:s28+s3], $0x20, s30, s3, $0xb8;
	[tilespmem:$0x14A00] =	vst v63  }
0x1e4: {  	s30 =	sld [smem:$0x7FB]  }
0x1e5: {  	[tilespmem:s20], [sflag:$0x1] =	stream.indirect.gather [hbm4b:s28+s3], $0x20, s26, s3, $0xb8;
	[tilespmem:$0x14A00] =	vst v63  }
0x1e6: {  	s26 =	sld [smem:$0x7FC]  }
0x1e7: {  	[tilespmem:s21], [sflag:$0x1] =	stream.indirect.gather [hbm4b:s28+s3], $0x20, s30, s3, $0xb8;
	[tilespmem:$0x14A00] =	vst v63  }
0x1e8: {  	s30 =	sld [smem:$0x7FD]  }
0x1e9: {  	[tilespmem:s22], [sflag:$0x1] =	stream.indirect.gather [hbm4b:s28+s3], $0x20, s26, s3, $0xb8;
	[tilespmem:$0x14A00] =	vst v63  }
0x1ea: {  	_ = 	snop  }
0x1eb: {  	[tilespmem:s23], [sflag:$0x1] =	stream.indirect.gather [hbm4b:s28+s3], $0x20, s30, s3, $0xb8;
	[tilespmem:$0x14A00] =	vst v63  }
0x1ec: {  	_ = 	snop  }
0x1ed: {  	[tilespmem:s24], [sflag:$0x1] =	stream.indirect.gather [hbm4b:s28+s3], $0x20, s31, s3, $0xb8;
	[tilespmem:$0x14A00] =	vst v63  }
0x1ee: {  	_ =	swait.ge [sflag:s29], $0x1000  }
0x1ef: {  	[sflag:s29] =	ssyncset.done $0x0  }
0x1f0: {  	[sflag:s29] =	ssyncadd.s32 $0xFFFFF000  }
0x1f1: {  	_ =	swait.ge [sflag:s29], $0x1000  }
0x1f2: {  	[sflag:s29] =	ssyncset.done $0x0  }
0x1f3: {  	[sflag:s29] =	ssyncadd.s32 $0xFFFFF000  }
0x1f4: {  	_ =	swait.ge [sflag:s29], $0x1000  }
0x1f5: {  	[sflag:s29] =	ssyncset.done $0x0  }
0x1f6: {  	[sflag:s29] =	ssyncadd.s32 $0xFFFFF000  }
0x1f7: {  	_ =	swait.ge [sflag:s29], $0x1000  }
0x1f8: {  	[sflag:s29] =	ssyncset.done $0x0  }
0x1f9: {  	[sflag:s29] =	ssyncadd.s32 $0xFFFFF000  }
0x1fa: {  	_ =	swait.ge [sflag:s29], $0x1000  }
0x1fb: {  	[sflag:s29] =	ssyncset.done $0x0  }
0x1fc: {  	[sflag:s29] =	ssyncadd.s32 $0xFFFFF000  }
0x1fd: {  	_ =	swait.ge [sflag:s29], $0x1000  }
0x1fe: {  	[sflag:s29] =	ssyncset.done $0x0  }
0x1ff: {  	[sflag:s29] =	ssyncadd.s32 $0xFFFFF000  }
0x200: {  	_ =	swait.ge [sflag:s29], $0x1000  }
0x201: {  	[sflag:s29] =	ssyncset.done $0x0  }
0x202: {  	[sflag:s29] =	ssyncadd.s32 $0xFFFFF000  }
0x203: {  	_ =	swait.ge [sflag:s29], $0x1000  }
0x204: {  	[sflag:s29] =	ssyncset.done $0x0  }
0x205: {  	[sflag:s29] =	ssyncadd.s32 $0xFFFFF000  }
0x206: {  	_ =	swait.ge [sflag:s29], $0x1000  }
0x207: {  	[sflag:s29] =	ssyncset.done $0x0  }
0x208: {  	[sflag:s29] =	ssyncadd.s32 $0xFFFFF000  }
0x209: {  	_ =	swait.ge [sflag:s29], $0x1000  }
0x20a: {  	[sflag:s29] =	ssyncset.done $0x0  }
0x20b: {  	[sflag:s29] =	ssyncadd.s32 $0xFFFFF000  }
0x20c: {  	_ =	swait.ge [sflag:s29], $0x1000  }
0x20d: {  	[sflag:s29] =	ssyncset.done $0x0  }
0x20e: {  	[sflag:s29] =	ssyncadd.s32 $0xFFFFF000  }
0x20f: {  	_ =	swait.ge [sflag:s29], $0x1000  }
0x210: {  	[sflag:s29] =	ssyncset.done $0x0  }
0x211: {  	[sflag:s29] =	ssyncadd.s32 $0xFFFFF000  }
0x212: {  	_ =	swait.ge [sflag:s29], $0x1000  }
0x213: {  	[sflag:s29] =	ssyncset.done $0x0  }
0x214: {  	[sflag:s29] =	ssyncadd.s32 $0xFFFFF000  }
0x215: {  	_ =	swait.ge [sflag:s29], $0x1000  }
0x216: {  	[sflag:s29] =	ssyncset.done $0x0  }
0x217: {  	[sflag:s29] =	ssyncadd.s32 $0xFFFFF000  }
0x218: {  	_ =	swait.ge [sflag:s29], $0x1000  }
0x219: {  	[sflag:s29] =	ssyncset.done $0x0  }
0x21a: {  	[sflag:s29] =	ssyncadd.s32 $0xFFFFF000  }
0x21b: {  	_ =	swait.ge [sflag:s29], $0x1000  }
0x21c: {  	[sflag:s29] =	ssyncset.done $0x0  }
0x21d: {  	[sflag:s29] =	ssyncadd.s32 $0xFFFFF000  }
0x21e: {  	_ =	swait.ge [sflag:s29], $0x1000  }
0x21f: {  	[sflag:s29] =	ssyncset.done $0x0  }
0x220: {  	[sflag:s29] =	ssyncadd.s32 $0xFFFFF000  }
0x221: {  	_ =	swait.ge [sflag:s29], $0x1000  }
0x222: {  	[sflag:s29] =	ssyncset.done $0x0  }
0x223: {  	[sflag:s29] =	ssyncadd.s32 $0xFFFFF000  }
0x224: {  	_ =	swait.ge [sflag:s29], $0x1000  }
0x225: {  	[sflag:s29] =	ssyncset.done $0x0  }
0x226: {  	[sflag:s29] =	ssyncadd.s32 $0xFFFFF000  }
0x227: {  	_ =	swait.ge [sflag:s29], $0x1000  }
0x228: {  	[sflag:s29] =	ssyncset.done $0x0  }
0x229: {  	[sflag:s29] =	ssyncadd.s32 $0xFFFFF000  }
0x22a: {  	[hbm4b:s2+s25] =	stream.strided.scatter [tilespmem:s5], [sflag:$0x2], $0x1000, s3, s25, $0x38;
	[tilespmem:$0x14A00] =	vst v63  }
0x22b: {  	s1 =	rddreg [dreg:$0x4]  }
0x22c: {  	[hbm4b:s1+s25] =	stream.strided.scatter [tilespmem:s6], [sflag:$0x2], $0x1000, s3, s25, $0x38;
	[tilespmem:$0x14A00] =	vst v63  }
0x22d: {  	s5 =	rddreg [dreg:$0x5]  }
0x22e: {  	[hbm4b:s5+s25] =	stream.strided.scatter [tilespmem:s7], [sflag:$0x2], $0x1000, s3, s25, $0x38;
	[tilespmem:$0x14A00] =	vst v63  }
0x22f: {  	s6 =	rddreg [dreg:$0x6]  }
0x230: {  	[hbm4b:s6+s25] =	stream.strided.scatter [tilespmem:s8], [sflag:$0x2], $0x1000, s3, s25, $0x38;
	[tilespmem:$0x14A00] =	vst v63  }
0x231: {  	s7 =	rddreg [dreg:$0x7]  }
0x232: {  	[hbm4b:s7+s25] =	stream.strided.scatter [tilespmem:s9], [sflag:$0x2], $0x1000, s3, s25, $0x38;
	[tilespmem:$0x14A00] =	vst v63  }
0x233: {  	s8 =	rddreg [dreg:$0x8]  }
0x234: {  	[hbm4b:s8+s25] =	stream.strided.scatter [tilespmem:s10], [sflag:$0x2], $0x1000, s3, s25, $0x38;
	[tilespmem:$0x14A00] =	vst v63  }
0x235: {  	s9 =	rddreg [dreg:$0x9]  }
0x236: {  	[hbm4b:s9+s25] =	stream.strided.scatter [tilespmem:s11], [sflag:$0x2], $0x1000, s3, s25, $0x38;
	[tilespmem:$0x14A00] =	vst v63  }
0x237: {  	s10 =	rddreg [dreg:$0xa]  }
0x238: {  	[hbm4b:s10+s25] =	stream.strided.scatter [tilespmem:s12], [sflag:$0x2], $0x1000, s3, s25, $0x38;
	[tilespmem:$0x14A00] =	vst v63  }
0x239: {  	s11 =	rddreg [dreg:$0xb]  }
0x23a: {  	[hbm4b:s11+s25] =	stream.strided.scatter [tilespmem:s13], [sflag:$0x2], $0x1000, s3, s25, $0x38;
	[tilespmem:$0x14A00] =	vst v63  }
0x23b: {  	s12 =	rddreg [dreg:$0xc]  }
0x23c: {  	[hbm4b:s12+s25] =	stream.strided.scatter [tilespmem:s14], [sflag:$0x2], $0x1000, s3, s25, $0x38;
	[tilespmem:$0x14A00] =	vst v63  }
0x23d: {  	s13 =	rddreg [dreg:$0xd]  }
0x23e: {  	[hbm4b:s13+s25] =	stream.strided.scatter [tilespmem:s15], [sflag:$0x2], $0x1000, s3, s25, $0x38;
	[tilespmem:$0x14A00] =	vst v63  }
0x23f: {  	s14 =	rddreg [dreg:$0xe]  }
0x240: {  	[hbm4b:s14+s25] =	stream.strided.scatter [tilespmem:s16], [sflag:$0x2], $0x1000, s3, s25, $0x38;
	[tilespmem:$0x14A00] =	vst v63  }
0x241: {  	s15 =	rddreg [dreg:$0xf]  }
0x242: {  	[hbm4b:s15+s25] =	stream.strided.scatter [tilespmem:s17], [sflag:$0x2], $0x1000, s3, s25, $0x38;
	[tilespmem:$0x14A00] =	vst v63  }
0x243: {  	s16 =	rddreg [dreg:$0x10]  }
0x244: {  	[hbm4b:s16+s25] =	stream.strided.scatter [tilespmem:s18], [sflag:$0x2], $0x1000, s3, s25, $0x38;
	[tilespmem:$0x14A00] =	vst v63  }
0x245: {  	s17 =	rddreg [dreg:$0x11]  }
0x246: {  	[hbm4b:s17+s25] =	stream.strided.scatter [tilespmem:s19], [sflag:$0x2], $0x1000, s3, s25, $0x38;
	[tilespmem:$0x14A00] =	vst v63  }
0x247: {  	s18 =	rddreg [dreg:$0x12]  }
0x248: {  	[hbm4b:s18+s25] =	stream.strided.scatter [tilespmem:s20], [sflag:$0x2], $0x1000, s3, s25, $0x38;
	[tilespmem:$0x14A00] =	vst v63  }
0x249: {  	s26 =	rddreg [dreg:$0x13]  }
0x24a: {  	[hbm4b:s26+s25] =	stream.strided.scatter [tilespmem:s21], [sflag:$0x2], $0x1000, s3, s25, $0x38;
	[tilespmem:$0x14A00] =	vst v63  }
0x24b: {  	s28 =	rddreg [dreg:$0x14]  }
0x24c: {  	[hbm4b:s28+s25] =	stream.strided.scatter [tilespmem:s22], [sflag:$0x2], $0x1000, s3, s25, $0x38;
	[tilespmem:$0x14A00] =	vst v63  }
0x24d: {  	s29 =	rddreg [dreg:$0x15]  }
0x24e: {  	[hbm4b:s29+s25] =	stream.strided.scatter [tilespmem:s23], [sflag:$0x2], $0x1000, s3, s25, $0x38;
	[tilespmem:$0x14A00] =	vst v63  }
0x24f: {  	s30 =	rddreg [dreg:$0x16]  }
0x250: {  	[hbm4b:s30+s25] =	stream.strided.scatter [tilespmem:s24], [sflag:$0x2], $0x1000, s3, s25, $0x38;
	[tilespmem:$0x14A00] =	vst v63  }
0x251: {  	_ =	swait.ge [sflag:s4], $0x1000  }
0x252: {  	[sflag:s4] =	ssyncset.done $0x0  }
0x253: {  	[sflag:s4] =	ssyncadd.s32 $0xFFFFF000  }
0x254: {  	_ =	swait.ge [sflag:s4], $0x1000  }
0x255: {  	[sflag:s4] =	ssyncset.done $0x0  }
0x256: {  	[sflag:s4] =	ssyncadd.s32 $0xFFFFF000  }
0x257: {  	_ =	swait.ge [sflag:s4], $0x1000  }
0x258: {  	[sflag:s4] =	ssyncset.done $0x0  }
0x259: {  	[sflag:s4] =	ssyncadd.s32 $0xFFFFF000  }
0x25a: {  	_ =	swait.ge [sflag:s4], $0x1000  }
0x25b: {  	[sflag:s4] =	ssyncset.done $0x0  }
0x25c: {  	[sflag:s4] =	ssyncadd.s32 $0xFFFFF000  }
0x25d: {  	_ =	swait.ge [sflag:s4], $0x1000  }
0x25e: {  	[sflag:s4] =	ssyncset.done $0x0  }
0x25f: {  	[sflag:s4] =	ssyncadd.s32 $0xFFFFF000  }
0x260: {  	_ =	swait.ge [sflag:s4], $0x1000  }
0x261: {  	[sflag:s4] =	ssyncset.done $0x0  }
0x262: {  	[sflag:s4] =	ssyncadd.s32 $0xFFFFF000  }
0x263: {  	_ =	swait.ge [sflag:s4], $0x1000  }
0x264: {  	[sflag:s4] =	ssyncset.done $0x0  }
0x265: {  	[sflag:s4] =	ssyncadd.s32 $0xFFFFF000  }
0x266: {  	_ =	swait.ge [sflag:s4], $0x1000  }
0x267: {  	[sflag:s4] =	ssyncset.done $0x0  }
0x268: {  	[sflag:s4] =	ssyncadd.s32 $0xFFFFF000  }
0x269: {  	_ =	swait.ge [sflag:s4], $0x1000  }
0x26a: {  	[sflag:s4] =	ssyncset.done $0x0  }
0x26b: {  	[sflag:s4] =	ssyncadd.s32 $0xFFFFF000  }
0x26c: {  	_ =	swait.ge [sflag:s4], $0x1000  }
0x26d: {  	[sflag:s4] =	ssyncset.done $0x0  }
0x26e: {  	[sflag:s4] =	ssyncadd.s32 $0xFFFFF000  }
0x26f: {  	_ =	swait.ge [sflag:s4], $0x1000  }
0x270: {  	[sflag:s4] =	ssyncset.done $0x0  }
0x271: {  	[sflag:s4] =	ssyncadd.s32 $0xFFFFF000  }
0x272: {  	_ =	swait.ge [sflag:s4], $0x1000  }
0x273: {  	[sflag:s4] =	ssyncset.done $0x0  }
0x274: {  	[sflag:s4] =	ssyncadd.s32 $0xFFFFF000  }
0x275: {  	_ =	swait.ge [sflag:s4], $0x1000  }
0x276: {  	[sflag:s4] =	ssyncset.done $0x0  }
0x277: {  	[sflag:s4] =	ssyncadd.s32 $0xFFFFF000  }
0x278: {  	_ =	swait.ge [sflag:s4], $0x1000  }
0x279: {  	[sflag:s4] =	ssyncset.done $0x0  }
0x27a: {  	[sflag:s4] =	ssyncadd.s32 $0xFFFFF000  }
0x27b: {  	_ =	swait.ge [sflag:s4], $0x1000  }
0x27c: {  	[sflag:s4] =	ssyncset.done $0x0  }
0x27d: {  	[sflag:s4] =	ssyncadd.s32 $0xFFFFF000  }
0x27e: {  	_ =	swait.ge [sflag:s4], $0x1000  }
0x27f: {  	[sflag:s4] =	ssyncset.done $0x0  }
0x280: {  	[sflag:s4] =	ssyncadd.s32 $0xFFFFF000  }
0x281: {  	_ =	swait.ge [sflag:s4], $0x1000  }
0x282: {  	[sflag:s4] =	ssyncset.done $0x0  }
0x283: {  	[sflag:s4] =	ssyncadd.s32 $0xFFFFF000  }
0x284: {  	_ =	swait.ge [sflag:s4], $0x1000  }
0x285: {  	[sflag:s4] =	ssyncset.done $0x0  }
0x286: {  	[sflag:s4] =	ssyncadd.s32 $0xFFFFF000  }
0x287: {  	_ =	swait.ge [sflag:s4], $0x1000  }
0x288: {  	[sflag:s4] =	ssyncset.done $0x0  }
0x289: {  	[sflag:s4] =	ssyncadd.s32 $0xFFFFF000  }
0x28a: {  	_ =	swait.ge [sflag:s4], $0x1000  }
0x28b: {  	[sflag:s4] =	ssyncset.done $0x0  }
0x28c: {  	[sflag:s4] =	ssyncadd.s32 $0xFFFFF000  }
0x28d: {  	_ =	sfence.sel $0x180000  }
0x28e: {  	[bflag:$0x0] =	sbarrier.arrive $0xFFFF  }
0x28f: {  	_ =	strace $0x90000047  }
0x290: {  	s31 =	stileid.u32;
	[bflag:$0x2] =	sbarrier.arrive $0xFFFF  }
0x291: {  	p0 =	sne.s32 s31, $0x0;
	s0 =	rddreg [dreg:$0x2]  }
0x292: {  	s0 =	sadd.s32 @!p0 $0x100000, s0  }
0x293: {  	[sflag:s0] =	ssyncadd.tile.s32 @!p0 $0x1;
	_ =	shalt  }
.LBB2_1:
.Ltmp3:
0x294: {  	(pc) =	sbr.rel .LBB2_6-.Ltmp3, $2  }
0x295: {  	_ =	sdelay $0x2  }
0x296: {  	s31 =	simm.s32 $0x980  }
.LBB2_3:
.Ltmp4:
0x297: {  	(pc) =	sbr.rel .LBB2_6-.Ltmp4, $2  }
0x298: {  	_ =	sdelay $0x2  }
0x299: {  	s31 =	simm.s32 $0x980  }
.Lfunc_end2:
_tile_overlayer_lowered:
.L_overlay_start_2:
0x29a: {  	(tag) =	ssettag $0x2  }
0x29b: {  	s0 =	rddreg [dreg:$0x0];
	s2 =	stileid.u32  }
0x29c: {  	s1 =	rddreg [dreg:$0x1];
	p0 =	sne.s32 s2, $0x0  }
0x29d: {  	s3 =	rddreg [dreg:$0x2];
	[bflag:$0x3] =	sbarrier.arrive $0xFFFF;
	s2 =	simm.s32 @!p0 $0x1C03  }
0x29e: {  	[timem:s3], [sflag:s2] =	dma.local @!p0 [hbm:s0], s1  }
0x29f: {  	s0 =	simm.s32 @!p0 $0x3  }
0x2a0: {  	_ =	swait.ge @!p0 [sflag:s0], s1  }
0x2a1: {  	s1 =	ssub.s32 @!p0 $0x0, s1;
	[sflag:s0] =	ssyncset.done @!p0 $0x0  }
0x2a2: {  	[sflag:s0] =	ssyncadd.s32 @!p0 s1  }
0x2a3: {  	[bflag:$0x3] =	sbarrier.arrive $0xFFFF  }
0x2a4: {  	_ =	shalt  }

</sc_bundles>
